<compile_context>
chip_gen: v7x
topology: tpu7x:2x2x1
jax: 0.10.2.dev20260603
libtpu: 0.0.44.dev20260713+nightly
codegen_flags: <defaults>
</compile_context>

<pallas_src>
import functools

import jax
import jax.numpy as jnp
from jax import lax
from jax.experimental import pallas as pl
from jax.experimental.pallas import tpu as pltpu
from jax.experimental.pallas import tpu_sc as plsc

NUM_CORES = 2
NUM_SUBCORES = 16
NUM_WORKERS = NUM_CORES * NUM_SUBCORES
LANES = 16
NBUF = 3

CHUNK = 200
HIDDEN = 128
VOCAB = 100
NPAIR = 4
NGRP = NPAIR + 1
IDX_PER_CHUNK = CHUNK * NGRP



def _build_body(tref, oref):
    p = pl.program_id(0)
    b_rows = tref[2 * p + 1]

    def row(a, _):
        oref[0, a] = tref[2 * p, a][None, :] + b_rows
        return 0

    lax.fori_loop(0, VOCAB, row, 0)


def _build_pair_tables(tables):
    out = pl.pallas_call(
        _build_body,
        grid=(NPAIR,),
        in_specs=[pl.BlockSpec(tables.shape, lambda p: (0, 0, 0))],
        out_specs=pl.BlockSpec((1, VOCAB, VOCAB, HIDDEN),
                               lambda p: (p, 0, 0, 0)),
        out_shape=jax.ShapeDtypeStruct((NPAIR, VOCAB, VOCAB, HIDDEN),
                                       jnp.float32),
    )(tables)
    return out.reshape(NPAIR * VOCAB * VOCAB, HIDDEN)



def _gather_descs(tbig_hbm, tbl8_hbm, idx_v, acc_v, sem):
    descs = []
    for i in range(NGRP):
        src = tbig_hbm if i < NPAIR else tbl8_hbm
        done = 0
        while done < CHUNK:
            step = min(128, CHUNK - done)
            descs.append(
                pltpu.make_async_copy(
                    src.at[idx_v.at[pl.ds(i * CHUNK + done, step)]],
                    acc_v.at[pl.ds(done, step)],
                    sem,
                ))
            done += step
    return descs


def _sc_body(n_rows, k_lim_cap,
             xoff_hbm, tbig_hbm, tbl8_hbm, out_hbm,
             idx0, idx1, idx2, acc0, acc1, acc2,
             gsem0, gsem1, gsem2, osem0, osem1, osem2):
    wid = lax.axis_index("s") * NUM_CORES + lax.axis_index("c")
    idx = (idx0, idx1, idx2)
    acc = (acc0, acc1, acc2)
    gsem = (gsem0, gsem1, gsem2)
    osem = (osem0, osem1, osem2)

    n_chunks = n_rows // CHUNK
    k_lim = (n_chunks - 1 - wid) // NUM_WORKERS + 1

    def issue(k, b):
        c = wid + NUM_WORKERS * k
        base = c * CHUNK
        @pl.when(k >= NBUF)
        def _():
            pltpu.make_async_copy(
                acc[b], out_hbm.at[pl.ds(0, CHUNK)], osem[b]).wait()

        zero = jnp.zeros((LANES,), jnp.float32)

        def zrow(r, _):
            for cc in range(HIDDEN // LANES):
                acc[b][r, pl.ds(cc * LANES, LANES)] = zero
            return 0

        lax.fori_loop(0, CHUNK, zrow, 0)

        for i in range(NGRP):
            pltpu.sync_copy(
                xoff_hbm.at[pl.ds(i * n_rows + base, CHUNK)],
                idx[b].at[pl.ds(i * CHUNK, CHUNK)])
        for d in _gather_descs(tbig_hbm, tbl8_hbm, idx[b], acc[b], gsem[b]):
            d.start(add=True)

    for b in range(NBUF - 1):
        @pl.when(b < k_lim)
        def _(b=b):
            issue(b, b)

    def group_body(g, _):
        for j in range(NBUF):
            k = NBUF * g + j

            @pl.when(k < k_lim)
            def _(k=k, j=j):
                b = j
                c = wid + NUM_WORKERS * k
                base = c * CHUNK
                for d in _gather_descs(tbig_hbm, tbl8_hbm, idx[b], acc[b],
                                       gsem[b]):
                    d.wait()
                pltpu.make_async_copy(
                    acc[b], out_hbm.at[pl.ds(base, CHUNK)], osem[b]).start()

                @pl.when(k + NBUF - 1 < k_lim)
                def _():
                    issue(k + NBUF - 1, (j + NBUF - 1) % NBUF)

        return 0

    lax.fori_loop(0, (k_lim_cap + NBUF - 1) // NBUF, group_body, 0)

    for b in range(NBUF):
        @pl.when(k_lim > b)
        def _(b=b):
            pltpu.make_async_copy(
                acc[b], out_hbm.at[pl.ds(0, CHUNK)], osem[b]).wait()


def kernel(x, tables):
    n_rows = x.shape[0]
    n_chunks = n_rows // CHUNK
    assert n_chunks * CHUNK == n_rows
    k_lim_cap = -(-n_chunks // NUM_WORKERS)

    tbig = _build_pair_tables(tables)
    tbl8 = tables[2 * NPAIR]

    xi = x.astype(jnp.int32)
    pair_idx = (VOCAB * xi[:, 0:2 * NPAIR:2] + xi[:, 1:2 * NPAIR:2]
                + jnp.arange(NPAIR, dtype=jnp.int32)[None, :] * (VOCAB * VOCAB))
    xoff = jnp.concatenate([pair_idx.T, xi[:, 2 * NPAIR][None, :]], axis=0)
    xoff = xoff.reshape(-1)

    mesh = plsc.VectorSubcoreMesh(core_axis_name="c", subcore_axis_name="s")
    body = functools.partial(_sc_body, n_rows, k_lim_cap)
    run = pl.kernel(
        body,
        mesh=mesh,
        out_type=jax.ShapeDtypeStruct((n_rows, HIDDEN), jnp.float32),
        scratch_types=(
            [pltpu.VMEM((IDX_PER_CHUNK,), jnp.int32)] * NBUF
            + [pltpu.VMEM((CHUNK, HIDDEN), jnp.float32)] * NBUF
            + [pltpu.SemaphoreType.DMA] * (2 * NBUF)
        ),
    )
    return run(xoff, tbig, tbl8)

# --- scband reference (transcript-rebuilt; emitter-appended) ---
"""Pipeline reference for scband-atom-encoder-43276090475240 (READ-ONLY COPY).

The authoritative reference and input builder live on the scoring server;
editing this copy changes nothing except your own understanding.
"""

import jax, jax.numpy as jnp
import numpy as np

N = 100000
NUM_FEATS = 9
VOCAB = 100
HIDDEN = 128


def setup_inputs(seed: int = 0) -> dict:
    key = jax.random.key(seed)
    kx, kt = jax.random.split(key)
    x = jax.random.randint(kx, (N, NUM_FEATS), 0, VOCAB, dtype=jnp.int32)
    # 9 embedding tables, each [VOCAB, HIDDEN] (default nn.Embedding init ~ N(0,1))
    tables = jax.random.normal(kt, (NUM_FEATS, VOCAB, HIDDEN), dtype=jnp.float32)
    return {"x": x, "tables": tables}


def reference(x, tables):
    # Faithful translation of AtomEncoder.forward
    if x.ndim == 1:
        x = x[:, None]
    out = jnp.zeros((x.shape[0], tables.shape[-1]), dtype=tables.dtype)
    for i in range(x.shape[1]):
        out = out + jnp.take(tables[i], x[:, i], axis=0)
    return out

if __name__ == "__main__":
    import jax
    _d = setup_inputs()
    print(jax.jit(kernel)(*tuple(_d.values())))

</pallas_src>

<mosaic_0001>
#map = affine_map<(d0, d1) -> (0)>
#map1 = affine_map<(d0, d1) -> (0, 0)>
module attributes {stable_mosaic.version = 14 : i64} {
  func.func @_sc_body(%arg0: i32, %arg1: i32, %arg2: memref<500000xi32, #tpu.memory_space<hbm>>, %arg3: memref<40000x128xf32, #tpu.memory_space<hbm>>, %arg4: memref<100x128xf32, #tpu.memory_space<hbm>>, %arg5: memref<100000x128xf32, #tpu.memory_space<hbm>>, %arg6: memref<1000xi32, #tpu.memory_space<vmem>>, %arg7: memref<1000xi32, #tpu.memory_space<vmem>>, %arg8: memref<1000xi32, #tpu.memory_space<vmem>>, %arg9: memref<200x128xf32, #tpu.memory_space<vmem>>, %arg10: memref<200x128xf32, #tpu.memory_space<vmem>>, %arg11: memref<200x128xf32, #tpu.memory_space<vmem>>, %arg12: memref<!tpu.dma_semaphore, #tpu.memory_space<semaphore_mem>>, %arg13: memref<!tpu.dma_semaphore, #tpu.memory_space<semaphore_mem>>, %arg14: memref<!tpu.dma_semaphore, #tpu.memory_space<semaphore_mem>>, %arg15: memref<!tpu.dma_semaphore, #tpu.memory_space<semaphore_mem>>, %arg16: memref<!tpu.dma_semaphore, #tpu.memory_space<semaphore_mem>>, %arg17: memref<!tpu.dma_semaphore, #tpu.memory_space<semaphore_mem>>) attributes {dimension_semantics = [#tpu.dimension_semantics<core_parallel>, #tpu.dimension_semantics<subcore_parallel>], iteration_bounds = array<i64: 2, 16>, scalar_prefetch = 0 : i64, scratch_operands = 12 : i64, tpu.core_type = #tpu.core_type<sc_vector_subcore>, window_params = [{transform_indices = #map}, {transform_indices = #map1}, {transform_indices = #map1}, {transform_indices = #map1}]} {
    %mul3A = arith.constant 2 : i32
    %mul3A_0 = arith.muli %arg1, %mul3A : i32
    %add3A = arith.addi %mul3A_0, %arg0 : i32
    %sub3A = arith.constant 499 : i32
    %sub3A_1 = arith.subi %sub3A, %add3A : i32
    %jit3A = arith.constant 32 : i32
    %div3A = arith.divsi %sub3A_1, %jit3A : i32
    %sign3A = arith.constant 0 : i32
    %sign3A_2 = arith.cmpi sgt, %sub3A_1, %sign3A : i32
    %sign3A_3 = arith.extui %sign3A_2 : i1 to i32
    %sign3A_4 = arith.constant 0 : i32
    %sign3A_5 = arith.cmpi slt, %sub3A_1, %sign3A_4 : i32
    %sign3A_6 = arith.extui %sign3A_5 : i1 to i32
    %sign3A_7 = arith.subi %sign3A_3, %sign3A_6 : i32
    %sign3A_8 = arith.constant 0 : i32
    %sign3A_9 = arith.cmpi sgt, %jit3A, %sign3A_8 : i32
    %sign3A_10 = arith.extui %sign3A_9 : i1 to i32
    %sign3A_11 = arith.constant 0 : i32
    %sign3A_12 = arith.cmpi slt, %jit3A, %sign3A_11 : i32
    %sign3A_13 = arith.extui %sign3A_12 : i1 to i32
    %sign3A_14 = arith.subi %sign3A_10, %sign3A_13 : i32
    %ne3A = arith.cmpi ne, %sign3A_7, %sign3A_14 : i32
    %rem3A = arith.remsi %sub3A_1, %jit3A : i32
    %ne3A_15 = arith.constant 0 : i32
    %ne3A_16 = arith.cmpi ne, %rem3A, %ne3A_15 : i32
    %and3A = arith.andi %ne3A, %ne3A_16 : i1
    %sub3A_17 = arith.constant 1 : i32
    %sub3A_18 = arith.subi %div3A, %sub3A_17 : i32
    %select_n3A = arith.select %and3A, %sub3A_18, %div3A : i32
    %add3A_19 = arith.constant 1 : i32
    %add3A_20 = arith.addi %select_n3A, %add3A_19 : i32
    %gt3A = arith.constant 0 : i32
    %gt3A_21 = arith.cmpi sgt, %add3A_20, %gt3A : i32
    %convert_element_type3A = arith.extui %gt3A_21 : i1 to i32
    %cond3A = arith.constant 0 : i32
    %cond3A_22 = arith.cmpi ne, %convert_element_type3A, %cond3A : i32
    scf.if %cond3A_22 {
      %add3A_49 = arith.constant 0 : i32
      %add3A_50 = arith.addi %add3A, %add3A_49 : i32
      %mul3A_51 = arith.constant 200 : i32
      %mul3A_52 = arith.muli %add3A_50, %mul3A_51 : i32
      %broadcast_in_dim3A = arith.constant 0.000000e+00 : f32
      %broadcast_in_dim3A_53 = vector.broadcast %broadcast_in_dim3A : f32 to vector<16xf32>
      %scan3A_54 = arith.constant 0 : i32
      %scan3A_55 = arith.constant 0 : i32
      %scan3A_56 = arith.constant 200 : i32
      %scan3A_57 = arith.addi %scan3A_55, %scan3A_56 : i32
      %scan3A_58 = arith.constant 1 : i32
      %scan3A_59 = scf.for %scan3A_150 = %scan3A_55 to %scan3A_57 step %scan3A_58 iter_args(%scan3A_151 = %scan3A_54) -> (i32)  : i32 {
        %swap3A = arith.index_cast %scan3A_150 : i32 to index
        %swap3A_152 = arith.constant 0 : index
        %swap3A_153 = tpu.vector_load %arg9[%swap3A, %swap3A_152] {strides = array<i32>} : memref<200x128xf32, #tpu.memory_space<vmem>>, vector<1x16xf32>,
        %swap3A_154 = vector.shape_cast %swap3A_153 : vector<1x16xf32> to vector<16xf32>
        %swap3A_155 = vector.shape_cast %broadcast_in_dim3A_53 : vector<16xf32> to vector<1x16xf32>
        tpu.vector_store %arg9[%swap3A, %swap3A_152], %swap3A_155 {strides = array<i32>} : memref<200x128xf32, #tpu.memory_space<vmem>>, vector<1x16xf32>,
        %swap3A_156 = arith.index_cast %scan3A_150 : i32 to index
        %swap3A_157 = arith.constant 16 : index
        %swap3A_158 = tpu.vector_load %arg9[%swap3A_156, %swap3A_157] {strides = array<i32>} : memref<200x128xf32, #tpu.memory_space<vmem>>, vector<1x16xf32>,
        %swap3A_159 = vector.shape_cast %swap3A_158 : vector<1x16xf32> to vector<16xf32>
        %swap3A_160 = vector.shape_cast %broadcast_in_dim3A_53 : vector<16xf32> to vector<1x16xf32>
        tpu.vector_store %arg9[%swap3A_156, %swap3A_157], %swap3A_160 {strides = array<i32>} : memref<200x128xf32, #tpu.memory_space<vmem>>, vector<1x16xf32>,
        %swap3A_161 = arith.index_cast %scan3A_150 : i32 to index
        %swap3A_162 = arith.constant 32 : index
        %swap3A_163 = tpu.vector_load %arg9[%swap3A_161, %swap3A_162] {strides = array<i32>} : memref<200x128xf32, #tpu.memory_space<vmem>>, vector<1x16xf32>,
        %swap3A_164 = vector.shape_cast %swap3A_163 : vector<1x16xf32> to vector<16xf32>
        %swap3A_165 = vector.shape_cast %broadcast_in_dim3A_53 : vector<16xf32> to vector<1x16xf32>
        tpu.vector_store %arg9[%swap3A_161, %swap3A_162], %swap3A_165 {strides = array<i32>} : memref<200x128xf32, #tpu.memory_space<vmem>>, vector<1x16xf32>,
        %swap3A_166 = arith.index_cast %scan3A_150 : i32 to index
        %swap3A_167 = arith.constant 48 : index
        %swap3A_168 = tpu.vector_load %arg9[%swap3A_166, %swap3A_167] {strides = array<i32>} : memref<200x128xf32, #tpu.memory_space<vmem>>, vector<1x16xf32>,
        %swap3A_169 = vector.shape_cast %swap3A_168 : vector<1x16xf32> to vector<16xf32>
        %swap3A_170 = vector.shape_cast %broadcast_in_dim3A_53 : vector<16xf32> to vector<1x16xf32>
        tpu.vector_store %arg9[%swap3A_166, %swap3A_167], %swap3A_170 {strides = array<i32>} : memref<200x128xf32, #tpu.memory_space<vmem>>, vector<1x16xf32>,
        %swap3A_171 = arith.index_cast %scan3A_150 : i32 to index
        %swap3A_172 = arith.constant 64 : index
        %swap3A_173 = tpu.vector_load %arg9[%swap3A_171, %swap3A_172] {strides = array<i32>} : memref<200x128xf32, #tpu.memory_space<vmem>>, vector<1x16xf32>,
        %swap3A_174 = vector.shape_cast %swap3A_173 : vector<1x16xf32> to vector<16xf32>
        %swap3A_175 = vector.shape_cast %broadcast_in_dim3A_53 : vector<16xf32> to vector<1x16xf32>
        tpu.vector_store %arg9[%swap3A_171, %swap3A_172], %swap3A_175 {strides = array<i32>} : memref<200x128xf32, #tpu.memory_space<vmem>>, vector<1x16xf32>,
        %swap3A_176 = arith.index_cast %scan3A_150 : i32 to index
        %swap3A_177 = arith.constant 80 : index
        %swap3A_178 = tpu.vector_load %arg9[%swap3A_176, %swap3A_177] {strides = array<i32>} : memref<200x128xf32, #tpu.memory_space<vmem>>, vector<1x16xf32>,
        %swap3A_179 = vector.shape_cast %swap3A_178 : vector<1x16xf32> to vector<16xf32>
        %swap3A_180 = vector.shape_cast %broadcast_in_dim3A_53 : vector<16xf32> to vector<1x16xf32>
        tpu.vector_store %arg9[%swap3A_176, %swap3A_177], %swap3A_180 {strides = array<i32>} : memref<200x128xf32, #tpu.memory_space<vmem>>, vector<1x16xf32>,
        %swap3A_181 = arith.index_cast %scan3A_150 : i32 to index
        %swap3A_182 = arith.constant 96 : index
        %swap3A_183 = tpu.vector_load %arg9[%swap3A_181, %swap3A_182] {strides = array<i32>} : memref<200x128xf32, #tpu.memory_space<vmem>>, vector<1x16xf32>,
        %swap3A_184 = vector.shape_cast %swap3A_183 : vector<1x16xf32> to vector<16xf32>
        %swap3A_185 = vector.shape_cast %broadcast_in_dim3A_53 : vector<16xf32> to vector<1x16xf32>
        tpu.vector_store %arg9[%swap3A_181, %swap3A_182], %swap3A_185 {strides = array<i32>} : memref<200x128xf32, #tpu.memory_space<vmem>>, vector<1x16xf32>,
        %swap3A_186 = arith.index_cast %scan3A_150 : i32 to index
        %swap3A_187 = arith.constant 112 : index
        %swap3A_188 = tpu.vector_load %arg9[%swap3A_186, %swap3A_187] {strides = array<i32>} : memref<200x128xf32, #tpu.memory_space<vmem>>, vector<1x16xf32>,
        %swap3A_189 = vector.shape_cast %swap3A_188 : vector<1x16xf32> to vector<16xf32>
        %swap3A_190 = vector.shape_cast %broadcast_in_dim3A_53 : vector<16xf32> to vector<1x16xf32>
        tpu.vector_store %arg9[%swap3A_186, %swap3A_187], %swap3A_190 {strides = array<i32>} : memref<200x128xf32, #tpu.memory_space<vmem>>, vector<1x16xf32>,
        %scan3A_191 = arith.constant 0 : i32
        scf.yield %scan3A_191 : i32
      }
      %scan3A_60 = arith.constant 200 : i32
      %add3A_61 = arith.constant 0 : i32
      %add3A_62 = arith.addi %add3A_61, %mul3A_52 : i32
      "tpu.region"() ({
        %run_scoped3A = tpu.sem_alloc : memref<!tpu.dma_semaphore, #tpu.memory_space<semaphore_mem>>
        %dma_start3A_150 = arith.constant 0 : i32
        %dma_start3A_151 = tpu.memref_slice %arg6[%dma_start3A_150] : memref<1000xi32, #tpu.memory_space<vmem>> -> memref<200xi32, #tpu.memory_space<vmem>>
        %dma_start3A_152 = tpu.memref_slice %arg2[%add3A_62] : memref<500000xi32, #tpu.memory_space<hbm>> -> memref<200xi32, #tpu.memory_space<hbm>>
        %dma_start3A_153 = arith.constant 0 : i32
        %dma_start3A_154 = tpu.memref_slice %arg6[%dma_start3A_153] : memref<1000xi32, #tpu.memory_space<vmem>> -> memref<200xi32, #tpu.memory_space<vmem>>
        %dma_start3A_155 = tpu.memref_slice %arg2[%add3A_62] : memref<500000xi32, #tpu.memory_space<hbm>> -> memref<200xi32, #tpu.memory_space<hbm>>
        tpu.enqueue_dma source(%dma_start3A_155 : memref<200xi32, #tpu.memory_space<hbm>>) target(%dma_start3A_154 : memref<200xi32, #tpu.memory_space<vmem>>) target_semaphore(%run_scoped3A : memref<!tpu.dma_semaphore, #tpu.memory_space<semaphore_mem>>)
        %dma_wait3A = arith.constant 0 : i32
        %dma_wait3A_156 = tpu.memref_slice %arg6[%dma_wait3A] : memref<1000xi32, #tpu.memory_space<vmem>> -> memref<200xi32, #tpu.memory_space<vmem>>
        %dma_wait3A_157 = tpu.memref_slice %arg2[%add3A_62] : memref<500000xi32, #tpu.memory_space<hbm>> -> memref<200xi32, #tpu.memory_space<hbm>>
        %dma_wait3A_158 = arith.constant 0 : i32
        %dma_wait3A_159 = tpu.memref_slice %arg6[%dma_wait3A_158] : memref<1000xi32, #tpu.memory_space<vmem>> -> memref<200xi32, #tpu.memory_space<vmem>>
        %dma_wait3A_160 = tpu.memref_slice %arg2[%add3A_62] : memref<500000xi32, #tpu.memory_space<hbm>> -> memref<200xi32, #tpu.memory_space<hbm>>
        tpu.wait_dma2 semaphore(%run_scoped3A : memref<!tpu.dma_semaphore, #tpu.memory_space<semaphore_mem>>) src(%dma_wait3A_160 : memref<200xi32, #tpu.memory_space<hbm>>) dst(%dma_wait3A_159 : memref<200xi32, #tpu.memory_space<vmem>>)
        tpu.yield
      }) : () -> ()
      %add3A_63 = arith.constant 100000 : i32
      %add3A_64 = arith.addi %add3A_63, %mul3A_52 : i32
      "tpu.region"() ({
        %run_scoped3A = tpu.sem_alloc : memref<!tpu.dma_semaphore, #tpu.memory_space<semaphore_mem>>
        %dma_start3A_150 = arith.constant 200 : i32
        %dma_start3A_151 = tpu.memref_slice %arg6[%dma_start3A_150] : memref<1000xi32, #tpu.memory_space<vmem>> -> memref<200xi32, #tpu.memory_space<vmem>>
        %dma_start3A_152 = tpu.memref_slice %arg2[%add3A_64] : memref<500000xi32, #tpu.memory_space<hbm>> -> memref<200xi32, #tpu.memory_space<hbm>>
        %dma_start3A_153 = arith.constant 200 : i32
        %dma_start3A_154 = tpu.memref_slice %arg6[%dma_start3A_153] : memref<1000xi32, #tpu.memory_space<vmem>> -> memref<200xi32, #tpu.memory_space<vmem>>
        %dma_start3A_155 = tpu.memref_slice %arg2[%add3A_64] : memref<500000xi32, #tpu.memory_space<hbm>> -> memref<200xi32, #tpu.memory_space<hbm>>
        tpu.enqueue_dma source(%dma_start3A_155 : memref<200xi32, #tpu.memory_space<hbm>>) target(%dma_start3A_154 : memref<200xi32, #tpu.memory_space<vmem>>) target_semaphore(%run_scoped3A : memref<!tpu.dma_semaphore, #tpu.memory_space<semaphore_mem>>)
        %dma_wait3A = arith.constant 200 : i32
        %dma_wait3A_156 = tpu.memref_slice %arg6[%dma_wait3A] : memref<1000xi32, #tpu.memory_space<vmem>> -> memref<200xi32, #tpu.memory_space<vmem>>
        %dma_wait3A_157 = tpu.memref_slice %arg2[%add3A_64] : memref<500000xi32, #tpu.memory_space<hbm>> -> memref<200xi32, #tpu.memory_space<hbm>>
        %dma_wait3A_158 = arith.constant 200 : i32
        %dma_wait3A_159 = tpu.memref_slice %arg6[%dma_wait3A_158] : memref<1000xi32, #tpu.memory_space<vmem>> -> memref<200xi32, #tpu.memory_space<vmem>>
        %dma_wait3A_160 = tpu.memref_slice %arg2[%add3A_64] : memref<500000xi32, #tpu.memory_space<hbm>> -> memref<200xi32, #tpu.memory_space<hbm>>
        tpu.wait_dma2 semaphore(%run_scoped3A : memref<!tpu.dma_semaphore, #tpu.memory_space<semaphore_mem>>) src(%dma_wait3A_160 : memref<200xi32, #tpu.memory_space<hbm>>) dst(%dma_wait3A_159 : memref<200xi32, #tpu.memory_space<vmem>>)
        tpu.yield
      }) : () -> ()
      %add3A_65 = arith.constant 200000 : i32
      %add3A_66 = arith.addi %add3A_65, %mul3A_52 : i32
      "tpu.region"() ({
        %run_scoped3A = tpu.sem_alloc : memref<!tpu.dma_semaphore, #tpu.memory_space<semaphore_mem>>
        %dma_start3A_150 = arith.constant 400 : i32
        %dma_start3A_151 = tpu.memref_slice %arg6[%dma_start3A_150] : memref<1000xi32, #tpu.memory_space<vmem>> -> memref<200xi32, #tpu.memory_space<vmem>>
        %dma_start3A_152 = tpu.memref_slice %arg2[%add3A_66] : memref<500000xi32, #tpu.memory_space<hbm>> -> memref<200xi32, #tpu.memory_space<hbm>>
        %dma_start3A_153 = arith.constant 400 : i32
        %dma_start3A_154 = tpu.memref_slice %arg6[%dma_start3A_153] : memref<1000xi32, #tpu.memory_space<vmem>> -> memref<200xi32, #tpu.memory_space<vmem>>
        %dma_start3A_155 = tpu.memref_slice %arg2[%add3A_66] : memref<500000xi32, #tpu.memory_space<hbm>> -> memref<200xi32, #tpu.memory_space<hbm>>
        tpu.enqueue_dma source(%dma_start3A_155 : memref<200xi32, #tpu.memory_space<hbm>>) target(%dma_start3A_154 : memref<200xi32, #tpu.memory_space<vmem>>) target_semaphore(%run_scoped3A : memref<!tpu.dma_semaphore, #tpu.memory_space<semaphore_mem>>)
        %dma_wait3A = arith.constant 400 : i32
        %dma_wait3A_156 = tpu.memref_slice %arg6[%dma_wait3A] : memref<1000xi32, #tpu.memory_space<vmem>> -> memref<200xi32, #tpu.memory_space<vmem>>
        %dma_wait3A_157 = tpu.memref_slice %arg2[%add3A_66] : memref<500000xi32, #tpu.memory_space<hbm>> -> memref<200xi32, #tpu.memory_space<hbm>>
        %dma_wait3A_158 = arith.constant 400 : i32
        %dma_wait3A_159 = tpu.memref_slice %arg6[%dma_wait3A_158] : memref<1000xi32, #tpu.memory_space<vmem>> -> memref<200xi32, #tpu.memory_space<vmem>>
        %dma_wait3A_160 = tpu.memref_slice %arg2[%add3A_66] : memref<500000xi32, #tpu.memory_space<hbm>> -> memref<200xi32, #tpu.memory_space<hbm>>
        tpu.wait_dma2 semaphore(%run_scoped3A : memref<!tpu.dma_semaphore, #tpu.memory_space<semaphore_mem>>) src(%dma_wait3A_160 : memref<200xi32, #tpu.memory_space<hbm>>) dst(%dma_wait3A_159 : memref<200xi32, #tpu.memory_space<vmem>>)
        tpu.yield
      }) : () -> ()
      %add3A_67 = arith.constant 300000 : i32
      %add3A_68 = arith.addi %add3A_67, %mul3A_52 : i32
      "tpu.region"() ({
        %run_scoped3A = tpu.sem_alloc : memref<!tpu.dma_semaphore, #tpu.memory_space<semaphore_mem>>
        %dma_start3A_150 = arith.constant 600 : i32
        %dma_start3A_151 = tpu.memref_slice %arg6[%dma_start3A_150] : memref<1000xi32, #tpu.memory_space<vmem>> -> memref<200xi32, #tpu.memory_space<vmem>>
        %dma_start3A_152 = tpu.memref_slice %arg2[%add3A_68] : memref<500000xi32, #tpu.memory_space<hbm>> -> memref<200xi32, #tpu.memory_space<hbm>>
        %dma_start3A_153 = arith.constant 600 : i32
        %dma_start3A_154 = tpu.memref_slice %arg6[%dma_start3A_153] : memref<1000xi32, #tpu.memory_space<vmem>> -> memref<200xi32, #tpu.memory_space<vmem>>
        %dma_start3A_155 = tpu.memref_slice %arg2[%add3A_68] : memref<500000xi32, #tpu.memory_space<hbm>> -> memref<200xi32, #tpu.memory_space<hbm>>
        tpu.enqueue_dma source(%dma_start3A_155 : memref<200xi32, #tpu.memory_space<hbm>>) target(%dma_start3A_154 : memref<200xi32, #tpu.memory_space<vmem>>) target_semaphore(%run_scoped3A : memref<!tpu.dma_semaphore, #tpu.memory_space<semaphore_mem>>)
        %dma_wait3A = arith.constant 600 : i32
        %dma_wait3A_156 = tpu.memref_slice %arg6[%dma_wait3A] : memref<1000xi32, #tpu.memory_space<vmem>> -> memref<200xi32, #tpu.memory_space<vmem>>
        %dma_wait3A_157 = tpu.memref_slice %arg2[%add3A_68] : memref<500000xi32, #tpu.memory_space<hbm>> -> memref<200xi32, #tpu.memory_space<hbm>>
        %dma_wait3A_158 = arith.constant 600 : i32
        %dma_wait3A_159 = tpu.memref_slice %arg6[%dma_wait3A_158] : memref<1000xi32, #tpu.memory_space<vmem>> -> memref<200xi32, #tpu.memory_space<vmem>>
        %dma_wait3A_160 = tpu.memref_slice %arg2[%add3A_68] : memref<500000xi32, #tpu.memory_space<hbm>> -> memref<200xi32, #tpu.memory_space<hbm>>
        tpu.wait_dma2 semaphore(%run_scoped3A : memref<!tpu.dma_semaphore, #tpu.memory_space<semaphore_mem>>) src(%dma_wait3A_160 : memref<200xi32, #tpu.memory_space<hbm>>) dst(%dma_wait3A_159 : memref<200xi32, #tpu.memory_space<vmem>>)
        tpu.yield
      }) : () -> ()
      %add3A_69 = arith.constant 400000 : i32
      %add3A_70 = arith.addi %add3A_69, %mul3A_52 : i32
      "tpu.region"() ({
        %run_scoped3A = tpu.sem_alloc : memref<!tpu.dma_semaphore, #tpu.memory_space<semaphore_mem>>
        %dma_start3A_150 = arith.constant 800 : i32
        %dma_start3A_151 = tpu.memref_slice %arg6[%dma_start3A_150] : memref<1000xi32, #tpu.memory_space<vmem>> -> memref<200xi32, #tpu.memory_space<vmem>>
        %dma_start3A_152 = tpu.memref_slice %arg2[%add3A_70] : memref<500000xi32, #tpu.memory_space<hbm>> -> memref<200xi32, #tpu.memory_space<hbm>>
        %dma_start3A_153 = arith.constant 800 : i32
        %dma_start3A_154 = tpu.memref_slice %arg6[%dma_start3A_153] : memref<1000xi32, #tpu.memory_space<vmem>> -> memref<200xi32, #tpu.memory_space<vmem>>
        %dma_start3A_155 = tpu.memref_slice %arg2[%add3A_70] : memref<500000xi32, #tpu.memory_space<hbm>> -> memref<200xi32, #tpu.memory_space<hbm>>
        tpu.enqueue_dma source(%dma_start3A_155 : memref<200xi32, #tpu.memory_space<hbm>>) target(%dma_start3A_154 : memref<200xi32, #tpu.memory_space<vmem>>) target_semaphore(%run_scoped3A : memref<!tpu.dma_semaphore, #tpu.memory_space<semaphore_mem>>)
        %dma_wait3A = arith.constant 800 : i32
        %dma_wait3A_156 = tpu.memref_slice %arg6[%dma_wait3A] : memref<1000xi32, #tpu.memory_space<vmem>> -> memref<200xi32, #tpu.memory_space<vmem>>
        %dma_wait3A_157 = tpu.memref_slice %arg2[%add3A_70] : memref<500000xi32, #tpu.memory_space<hbm>> -> memref<200xi32, #tpu.memory_space<hbm>>
        %dma_wait3A_158 = arith.constant 800 : i32
        %dma_wait3A_159 = tpu.memref_slice %arg6[%dma_wait3A_158] : memref<1000xi32, #tpu.memory_space<vmem>> -> memref<200xi32, #tpu.memory_space<vmem>>
        %dma_wait3A_160 = tpu.memref_slice %arg2[%add3A_70] : memref<500000xi32, #tpu.memory_space<hbm>> -> memref<200xi32, #tpu.memory_space<hbm>>
        tpu.wait_dma2 semaphore(%run_scoped3A : memref<!tpu.dma_semaphore, #tpu.memory_space<semaphore_mem>>) src(%dma_wait3A_160 : memref<200xi32, #tpu.memory_space<hbm>>) dst(%dma_wait3A_159 : memref<200xi32, #tpu.memory_space<vmem>>)
        tpu.yield
      }) : () -> ()
      %dma_start3A = arith.constant 0 : i32
      %dma_start3A_71 = arith.constant 0 : i32
      %dma_start3A_72 = tpu.memref_slice %arg9[%dma_start3A, %dma_start3A_71] : memref<200x128xf32, #tpu.memory_space<vmem>> -> memref<128x128xf32, #tpu.memory_space<vmem>>
      %dma_start3A_73 = arith.constant 0 : i32
      %dma_start3A_74 = tpu.memref_slice %arg6[%dma_start3A_73] : memref<1000xi32, #tpu.memory_space<vmem>> -> memref<128xi32, #tpu.memory_space<vmem>>
      %dma_start3A_75 = arith.constant 0 : i32
      %dma_start3A_76 = arith.constant 0 : i32
      %dma_start3A_77 = tpu.memref_slice %arg3[%dma_start3A_75, %dma_start3A_76] : memref<40000x128xf32, #tpu.memory_space<hbm>> -> memref<40000x128xf32, #tpu.memory_space<hbm>>
      tpu.enqueue_indirect_dma source(%dma_start3A_77 : memref<40000x128xf32, #tpu.memory_space<hbm>>) target(%dma_start3A_72 : memref<128x128xf32, #tpu.memory_space<vmem>>) offsets(%dma_start3A_74 : memref<128xi32, #tpu.memory_space<vmem>>) semaphore(%arg12 : memref<!tpu.dma_semaphore, #tpu.memory_space<semaphore_mem>>) {add = true}
      %dma_start3A_78 = arith.constant 128 : i32
      %dma_start3A_79 = arith.constant 0 : i32
      %dma_start3A_80 = tpu.memref_slice %arg9[%dma_start3A_78, %dma_start3A_79] : memref<200x128xf32, #tpu.memory_space<vmem>> -> memref<72x128xf32, #tpu.memory_space<vmem>>
      %dma_start3A_81 = arith.constant 128 : i32
      %dma_start3A_82 = tpu.memref_slice %arg6[%dma_start3A_81] : memref<1000xi32, #tpu.memory_space<vmem>> -> memref<72xi32, #tpu.memory_space<vmem>>
      %dma_start3A_83 = arith.constant 0 : i32
      %dma_start3A_84 = arith.constant 0 : i32
      %dma_start3A_85 = tpu.memref_slice %arg3[%dma_start3A_83, %dma_start3A_84] : memref<40000x128xf32, #tpu.memory_space<hbm>> -> memref<40000x128xf32, #tpu.memory_space<hbm>>
      tpu.enqueue_indirect_dma source(%dma_start3A_85 : memref<40000x128xf32, #tpu.memory_space<hbm>>) target(%dma_start3A_80 : memref<72x128xf32, #tpu.memory_space<vmem>>) offsets(%dma_start3A_82 : memref<72xi32, #tpu.memory_space<vmem>>) semaphore(%arg12 : memref<!tpu.dma_semaphore, #tpu.memory_space<semaphore_mem>>) {add = true}
      %dma_start3A_86 = arith.constant 0 : i32
      %dma_start3A_87 = arith.constant 0 : i32
      %dma_start3A_88 = tpu.memref_slice %arg9[%dma_start3A_86, %dma_start3A_87] : memref<200x128xf32, #tpu.memory_space<vmem>> -> memref<128x128xf32, #tpu.memory_space<vmem>>
      %dma_start3A_89 = arith.constant 200 : i32
      %dma_start3A_90 = tpu.memref_slice %arg6[%dma_start3A_89] : memref<1000xi32, #tpu.memory_space<vmem>> -> memref<128xi32, #tpu.memory_space<vmem>>
      %dma_start3A_91 = arith.constant 0 : i32
      %dma_start3A_92 = arith.constant 0 : i32
      %dma_start3A_93 = tpu.memref_slice %arg3[%dma_start3A_91, %dma_start3A_92] : memref<40000x128xf32, #tpu.memory_space<hbm>> -> memref<40000x128xf32, #tpu.memory_space<hbm>>
      tpu.enqueue_indirect_dma source(%dma_start3A_93 : memref<40000x128xf32, #tpu.memory_space<hbm>>) target(%dma_start3A_88 : memref<128x128xf32, #tpu.memory_space<vmem>>) offsets(%dma_start3A_90 : memref<128xi32, #tpu.memory_space<vmem>>) semaphore(%arg12 : memref<!tpu.dma_semaphore, #tpu.memory_space<semaphore_mem>>) {add = true}
      %dma_start3A_94 = arith.constant 128 : i32
      %dma_start3A_95 = arith.constant 0 : i32
      %dma_start3A_96 = tpu.memref_slice %arg9[%dma_start3A_94, %dma_start3A_95] : memref<200x128xf32, #tpu.memory_space<vmem>> -> memref<72x128xf32, #tpu.memory_space<vmem>>
      %dma_start3A_97 = arith.constant 328 : i32
      %dma_start3A_98 = tpu.memref_slice %arg6[%dma_start3A_97] : memref<1000xi32, #tpu.memory_space<vmem>> -> memref<72xi32, #tpu.memory_space<vmem>>
      %dma_start3A_99 = arith.constant 0 : i32
      %dma_start3A_100 = arith.constant 0 : i32
      %dma_start3A_101 = tpu.memref_slice %arg3[%dma_start3A_99, %dma_start3A_100] : memref<40000x128xf32, #tpu.memory_space<hbm>> -> memref<40000x128xf32, #tpu.memory_space<hbm>>
      tpu.enqueue_indirect_dma source(%dma_start3A_101 : memref<40000x128xf32, #tpu.memory_space<hbm>>) target(%dma_start3A_96 : memref<72x128xf32, #tpu.memory_space<vmem>>) offsets(%dma_start3A_98 : memref<72xi32, #tpu.memory_space<vmem>>) semaphore(%arg12 : memref<!tpu.dma_semaphore, #tpu.memory_space<semaphore_mem>>) {add = true}
      %dma_start3A_102 = arith.constant 0 : i32
      %dma_start3A_103 = arith.constant 0 : i32
      %dma_start3A_104 = tpu.memref_slice %arg9[%dma_start3A_102, %dma_start3A_103] : memref<200x128xf32, #tpu.memory_space<vmem>> -> memref<128x128xf32, #tpu.memory_space<vmem>>
      %dma_start3A_105 = arith.constant 400 : i32
      %dma_start3A_106 = tpu.memref_slice %arg6[%dma_start3A_105] : memref<1000xi32, #tpu.memory_space<vmem>> -> memref<128xi32, #tpu.memory_space<vmem>>
      %dma_start3A_107 = arith.constant 0 : i32
      %dma_start3A_108 = arith.constant 0 : i32
      %dma_start3A_109 = tpu.memref_slice %arg3[%dma_start3A_107, %dma_start3A_108] : memref<40000x128xf32, #tpu.memory_space<hbm>> -> memref<40000x128xf32, #tpu.memory_space<hbm>>
      tpu.enqueue_indirect_dma source(%dma_start3A_109 : memref<40000x128xf32, #tpu.memory_space<hbm>>) target(%dma_start3A_104 : memref<128x128xf32, #tpu.memory_space<vmem>>) offsets(%dma_start3A_106 : memref<128xi32, #tpu.memory_space<vmem>>) semaphore(%arg12 : memref<!tpu.dma_semaphore, #tpu.memory_space<semaphore_mem>>) {add = true}
      %dma_start3A_110 = arith.constant 128 : i32
      %dma_start3A_111 = arith.constant 0 : i32
      %dma_start3A_112 = tpu.memref_slice %arg9[%dma_start3A_110, %dma_start3A_111] : memref<200x128xf32, #tpu.memory_space<vmem>> -> memref<72x128xf32, #tpu.memory_space<vmem>>
      %dma_start3A_113 = arith.constant 528 : i32
      %dma_start3A_114 = tpu.memref_slice %arg6[%dma_start3A_113] : memref<1000xi32, #tpu.memory_space<vmem>> -> memref<72xi32, #tpu.memory_space<vmem>>
      %dma_start3A_115 = arith.constant 0 : i32
      %dma_start3A_116 = arith.constant 0 : i32
      %dma_start3A_117 = tpu.memref_slice %arg3[%dma_start3A_115, %dma_start3A_116] : memref<40000x128xf32, #tpu.memory_space<hbm>> -> memref<40000x128xf32, #tpu.memory_space<hbm>>
      tpu.enqueue_indirect_dma source(%dma_start3A_117 : memref<40000x128xf32, #tpu.memory_space<hbm>>) target(%dma_start3A_112 : memref<72x128xf32, #tpu.memory_space<vmem>>) offsets(%dma_start3A_114 : memref<72xi32, #tpu.memory_space<vmem>>) semaphore(%arg12 : memref<!tpu.dma_semaphore, #tpu.memory_space<semaphore_mem>>) {add = true}
      %dma_start3A_118 = arith.constant 0 : i32
      %dma_start3A_119 = arith.constant 0 : i32
      %dma_start3A_120 = tpu.memref_slice %arg9[%dma_start3A_118, %dma_start3A_119] : memref<200x128xf32, #tpu.memory_space<vmem>> -> memref<128x128xf32, #tpu.memory_space<vmem>>
      %dma_start3A_121 = arith.constant 600 : i32
      %dma_start3A_122 = tpu.memref_slice %arg6[%dma_start3A_121] : memref<1000xi32, #tpu.memory_space<vmem>> -> memref<128xi32, #tpu.memory_space<vmem>>
      %dma_start3A_123 = arith.constant 0 : i32
      %dma_start3A_124 = arith.constant 0 : i32
      %dma_start3A_125 = tpu.memref_slice %arg3[%dma_start3A_123, %dma_start3A_124] : memref<40000x128xf32, #tpu.memory_space<hbm>> -> memref<40000x128xf32, #tpu.memory_space<hbm>>
      tpu.enqueue_indirect_dma source(%dma_start3A_125 : memref<40000x128xf32, #tpu.memory_space<hbm>>) target(%dma_start3A_120 : memref<128x128xf32, #tpu.memory_space<vmem>>) offsets(%dma_start3A_122 : memref<128xi32, #tpu.memory_space<vmem>>) semaphore(%arg12 : memref<!tpu.dma_semaphore, #tpu.memory_space<semaphore_mem>>) {add = true}
      %dma_start3A_126 = arith.constant 128 : i32
      %dma_start3A_127 = arith.constant 0 : i32
      %dma_start3A_128 = tpu.memref_slice %arg9[%dma_start3A_126, %dma_start3A_127] : memref<200x128xf32, #tpu.memory_space<vmem>> -> memref<72x128xf32, #tpu.memory_space<vmem>>
      %dma_start3A_129 = arith.constant 728 : i32
      %dma_start3A_130 = tpu.memref_slice %arg6[%dma_start3A_129] : memref<1000xi32, #tpu.memory_space<vmem>> -> memref<72xi32, #tpu.memory_space<vmem>>
      %dma_start3A_131 = arith.constant 0 : i32
      %dma_start3A_132 = arith.constant 0 : i32
      %dma_start3A_133 = tpu.memref_slice %arg3[%dma_start3A_131, %dma_start3A_132] : memref<40000x128xf32, #tpu.memory_space<hbm>> -> memref<40000x128xf32, #tpu.memory_space<hbm>>
      tpu.enqueue_indirect_dma source(%dma_start3A_133 : memref<40000x128xf32, #tpu.memory_space<hbm>>) target(%dma_start3A_128 : memref<72x128xf32, #tpu.memory_space<vmem>>) offsets(%dma_start3A_130 : memref<72xi32, #tpu.memory_space<vmem>>) semaphore(%arg12 : memref<!tpu.dma_semaphore, #tpu.memory_space<semaphore_mem>>) {add = true}
      %dma_start3A_134 = arith.constant 0 : i32
      %dma_start3A_135 = arith.constant 0 : i32
      %dma_start3A_136 = tpu.memref_slice %arg9[%dma_start3A_134, %dma_start3A_135] : memref<200x128xf32, #tpu.memory_space<vmem>> -> memref<128x128xf32, #tpu.memory_space<vmem>>
      %dma_start3A_137 = arith.constant 800 : i32
      %dma_start3A_138 = tpu.memref_slice %arg6[%dma_start3A_137] : memref<1000xi32, #tpu.memory_space<vmem>> -> memref<128xi32, #tpu.memory_space<vmem>>
      %dma_start3A_139 = arith.constant 0 : i32
      %dma_start3A_140 = arith.constant 0 : i32
      %dma_start3A_141 = tpu.memref_slice %arg4[%dma_start3A_139, %dma_start3A_140] : memref<100x128xf32, #tpu.memory_space<hbm>> -> memref<100x128xf32, #tpu.memory_space<hbm>>
      tpu.enqueue_indirect_dma source(%dma_start3A_141 : memref<100x128xf32, #tpu.memory_space<hbm>>) target(%dma_start3A_136 : memref<128x128xf32, #tpu.memory_space<vmem>>) offsets(%dma_start3A_138 : memref<128xi32, #tpu.memory_space<vmem>>) semaphore(%arg12 : memref<!tpu.dma_semaphore, #tpu.memory_space<semaphore_mem>>) {add = true}
      %dma_start3A_142 = arith.constant 128 : i32
      %dma_start3A_143 = arith.constant 0 : i32
      %dma_start3A_144 = tpu.memref_slice %arg9[%dma_start3A_142, %dma_start3A_143] : memref<200x128xf32, #tpu.memory_space<vmem>> -> memref<72x128xf32, #tpu.memory_space<vmem>>
      %dma_start3A_145 = arith.constant 928 : i32
      %dma_start3A_146 = tpu.memref_slice %arg6[%dma_start3A_145] : memref<1000xi32, #tpu.memory_space<vmem>> -> memref<72xi32, #tpu.memory_space<vmem>>
      %dma_start3A_147 = arith.constant 0 : i32
      %dma_start3A_148 = arith.constant 0 : i32
      %dma_start3A_149 = tpu.memref_slice %arg4[%dma_start3A_147, %dma_start3A_148] : memref<100x128xf32, #tpu.memory_space<hbm>> -> memref<100x128xf32, #tpu.memory_space<hbm>>
      tpu.enqueue_indirect_dma source(%dma_start3A_149 : memref<100x128xf32, #tpu.memory_space<hbm>>) target(%dma_start3A_144 : memref<72x128xf32, #tpu.memory_space<vmem>>) offsets(%dma_start3A_146 : memref<72xi32, #tpu.memory_space<vmem>>) semaphore(%arg12 : memref<!tpu.dma_semaphore, #tpu.memory_space<semaphore_mem>>) {add = true}
    } else {
    }
    %gt3A_23 = arith.constant 1 : i32
    %gt3A_24 = arith.cmpi sgt, %add3A_20, %gt3A_23 : i32
    %convert_element_type3A_25 = arith.extui %gt3A_24 : i1 to i32
    %cond3A_26 = arith.constant 0 : i32
    %cond3A_27 = arith.cmpi ne, %convert_element_type3A_25, %cond3A_26 : i32
    scf.if %cond3A_27 {
      %add3A_49 = arith.constant 32 : i32
      %add3A_50 = arith.addi %add3A, %add3A_49 : i32
      %mul3A_51 = arith.constant 200 : i32
      %mul3A_52 = arith.muli %add3A_50, %mul3A_51 : i32
      %broadcast_in_dim3A = arith.constant 0.000000e+00 : f32
      %broadcast_in_dim3A_53 = vector.broadcast %broadcast_in_dim3A : f32 to vector<16xf32>
      %scan3A_54 = arith.constant 0 : i32
      %scan3A_55 = arith.constant 0 : i32
      %scan3A_56 = arith.constant 200 : i32
      %scan3A_57 = arith.addi %scan3A_55, %scan3A_56 : i32
      %scan3A_58 = arith.constant 1 : i32
      %scan3A_59 = scf.for %scan3A_150 = %scan3A_55 to %scan3A_57 step %scan3A_58 iter_args(%scan3A_151 = %scan3A_54) -> (i32)  : i32 {
        %swap3A = arith.index_cast %scan3A_150 : i32 to index
        %swap3A_152 = arith.constant 0 : index
        %swap3A_153 = tpu.vector_load %arg10[%swap3A, %swap3A_152] {strides = array<i32>} : memref<200x128xf32, #tpu.memory_space<vmem>>, vector<1x16xf32>,
        %swap3A_154 = vector.shape_cast %swap3A_153 : vector<1x16xf32> to vector<16xf32>
        %swap3A_155 = vector.shape_cast %broadcast_in_dim3A_53 : vector<16xf32> to vector<1x16xf32>
        tpu.vector_store %arg10[%swap3A, %swap3A_152], %swap3A_155 {strides = array<i32>} : memref<200x128xf32, #tpu.memory_space<vmem>>, vector<1x16xf32>,
        %swap3A_156 = arith.index_cast %scan3A_150 : i32 to index
        %swap3A_157 = arith.constant 16 : index
        %swap3A_158 = tpu.vector_load %arg10[%swap3A_156, %swap3A_157] {strides = array<i32>} : memref<200x128xf32, #tpu.memory_space<vmem>>, vector<1x16xf32>,
        %swap3A_159 = vector.shape_cast %swap3A_158 : vector<1x16xf32> to vector<16xf32>
        %swap3A_160 = vector.shape_cast %broadcast_in_dim3A_53 : vector<16xf32> to vector<1x16xf32>
        tpu.vector_store %arg10[%swap3A_156, %swap3A_157], %swap3A_160 {strides = array<i32>} : memref<200x128xf32, #tpu.memory_space<vmem>>, vector<1x16xf32>,
        %swap3A_161 = arith.index_cast %scan3A_150 : i32 to index
        %swap3A_162 = arith.constant 32 : index
        %swap3A_163 = tpu.vector_load %arg10[%swap3A_161, %swap3A_162] {strides = array<i32>} : memref<200x128xf32, #tpu.memory_space<vmem>>, vector<1x16xf32>,
        %swap3A_164 = vector.shape_cast %swap3A_163 : vector<1x16xf32> to vector<16xf32>
        %swap3A_165 = vector.shape_cast %broadcast_in_dim3A_53 : vector<16xf32> to vector<1x16xf32>
        tpu.vector_store %arg10[%swap3A_161, %swap3A_162], %swap3A_165 {strides = array<i32>} : memref<200x128xf32, #tpu.memory_space<vmem>>, vector<1x16xf32>,
        %swap3A_166 = arith.index_cast %scan3A_150 : i32 to index
        %swap3A_167 = arith.constant 48 : index
        %swap3A_168 = tpu.vector_load %arg10[%swap3A_166, %swap3A_167] {strides = array<i32>} : memref<200x128xf32, #tpu.memory_space<vmem>>, vector<1x16xf32>,
        %swap3A_169 = vector.shape_cast %swap3A_168 : vector<1x16xf32> to vector<16xf32>
        %swap3A_170 = vector.shape_cast %broadcast_in_dim3A_53 : vector<16xf32> to vector<1x16xf32>
        tpu.vector_store %arg10[%swap3A_166, %swap3A_167], %swap3A_170 {strides = array<i32>} : memref<200x128xf32, #tpu.memory_space<vmem>>, vector<1x16xf32>,
        %swap3A_171 = arith.index_cast %scan3A_150 : i32 to index
        %swap3A_172 = arith.constant 64 : index
        %swap3A_173 = tpu.vector_load %arg10[%swap3A_171, %swap3A_172] {strides = array<i32>} : memref<200x128xf32, #tpu.memory_space<vmem>>, vector<1x16xf32>,
        %swap3A_174 = vector.shape_cast %swap3A_173 : vector<1x16xf32> to vector<16xf32>
        %swap3A_175 = vector.shape_cast %broadcast_in_dim3A_53 : vector<16xf32> to vector<1x16xf32>
        tpu.vector_store %arg10[%swap3A_171, %swap3A_172], %swap3A_175 {strides = array<i32>} : memref<200x128xf32, #tpu.memory_space<vmem>>, vector<1x16xf32>,
        %swap3A_176 = arith.index_cast %scan3A_150 : i32 to index
        %swap3A_177 = arith.constant 80 : index
        %swap3A_178 = tpu.vector_load %arg10[%swap3A_176, %swap3A_177] {strides = array<i32>} : memref<200x128xf32, #tpu.memory_space<vmem>>, vector<1x16xf32>,
        %swap3A_179 = vector.shape_cast %swap3A_178 : vector<1x16xf32> to vector<16xf32>
        %swap3A_180 = vector.shape_cast %broadcast_in_dim3A_53 : vector<16xf32> to vector<1x16xf32>
        tpu.vector_store %arg10[%swap3A_176, %swap3A_177], %swap3A_180 {strides = array<i32>} : memref<200x128xf32, #tpu.memory_space<vmem>>, vector<1x16xf32>,
        %swap3A_181 = arith.index_cast %scan3A_150 : i32 to index
        %swap3A_182 = arith.constant 96 : index
        %swap3A_183 = tpu.vector_load %arg10[%swap3A_181, %swap3A_182] {strides = array<i32>} : memref<200x128xf32, #tpu.memory_space<vmem>>, vector<1x16xf32>,
        %swap3A_184 = vector.shape_cast %swap3A_183 : vector<1x16xf32> to vector<16xf32>
        %swap3A_185 = vector.shape_cast %broadcast_in_dim3A_53 : vector<16xf32> to vector<1x16xf32>
        tpu.vector_store %arg10[%swap3A_181, %swap3A_182], %swap3A_185 {strides = array<i32>} : memref<200x128xf32, #tpu.memory_space<vmem>>, vector<1x16xf32>,
        %swap3A_186 = arith.index_cast %scan3A_150 : i32 to index
        %swap3A_187 = arith.constant 112 : index
        %swap3A_188 = tpu.vector_load %arg10[%swap3A_186, %swap3A_187] {strides = array<i32>} : memref<200x128xf32, #tpu.memory_space<vmem>>, vector<1x16xf32>,
        %swap3A_189 = vector.shape_cast %swap3A_188 : vector<1x16xf32> to vector<16xf32>
        %swap3A_190 = vector.shape_cast %broadcast_in_dim3A_53 : vector<16xf32> to vector<1x16xf32>
        tpu.vector_store %arg10[%swap3A_186, %swap3A_187], %swap3A_190 {strides = array<i32>} : memref<200x128xf32, #tpu.memory_space<vmem>>, vector<1x16xf32>,
        %scan3A_191 = arith.constant 0 : i32
        scf.yield %scan3A_191 : i32
      }
      %scan3A_60 = arith.constant 200 : i32
      %add3A_61 = arith.constant 0 : i32
      %add3A_62 = arith.addi %add3A_61, %mul3A_52 : i32
      "tpu.region"() ({
        %run_scoped3A = tpu.sem_alloc : memref<!tpu.dma_semaphore, #tpu.memory_space<semaphore_mem>>
        %dma_start3A_150 = arith.constant 0 : i32
        %dma_start3A_151 = tpu.memref_slice %arg7[%dma_start3A_150] : memref<1000xi32, #tpu.memory_space<vmem>> -> memref<200xi32, #tpu.memory_space<vmem>>
        %dma_start3A_152 = tpu.memref_slice %arg2[%add3A_62] : memref<500000xi32, #tpu.memory_space<hbm>> -> memref<200xi32, #tpu.memory_space<hbm>>
        %dma_start3A_153 = arith.constant 0 : i32
        %dma_start3A_154 = tpu.memref_slice %arg7[%dma_start3A_153] : memref<1000xi32, #tpu.memory_space<vmem>> -> memref<200xi32, #tpu.memory_space<vmem>>
        %dma_start3A_155 = tpu.memref_slice %arg2[%add3A_62] : memref<500000xi32, #tpu.memory_space<hbm>> -> memref<200xi32, #tpu.memory_space<hbm>>
        tpu.enqueue_dma source(%dma_start3A_155 : memref<200xi32, #tpu.memory_space<hbm>>) target(%dma_start3A_154 : memref<200xi32, #tpu.memory_space<vmem>>) target_semaphore(%run_scoped3A : memref<!tpu.dma_semaphore, #tpu.memory_space<semaphore_mem>>)
        %dma_wait3A = arith.constant 0 : i32
        %dma_wait3A_156 = tpu.memref_slice %arg7[%dma_wait3A] : memref<1000xi32, #tpu.memory_space<vmem>> -> memref<200xi32, #tpu.memory_space<vmem>>
        %dma_wait3A_157 = tpu.memref_slice %arg2[%add3A_62] : memref<500000xi32, #tpu.memory_space<hbm>> -> memref<200xi32, #tpu.memory_space<hbm>>
        %dma_wait3A_158 = arith.constant 0 : i32
        %dma_wait3A_159 = tpu.memref_slice %arg7[%dma_wait3A_158] : memref<1000xi32, #tpu.memory_space<vmem>> -> memref<200xi32, #tpu.memory_space<vmem>>
        %dma_wait3A_160 = tpu.memref_slice %arg2[%add3A_62] : memref<500000xi32, #tpu.memory_space<hbm>> -> memref<200xi32, #tpu.memory_space<hbm>>
        tpu.wait_dma2 semaphore(%run_scoped3A : memref<!tpu.dma_semaphore, #tpu.memory_space<semaphore_mem>>) src(%dma_wait3A_160 : memref<200xi32, #tpu.memory_space<hbm>>) dst(%dma_wait3A_159 : memref<200xi32, #tpu.memory_space<vmem>>)
        tpu.yield
      }) : () -> ()
      %add3A_63 = arith.constant 100000 : i32
      %add3A_64 = arith.addi %add3A_63, %mul3A_52 : i32
      "tpu.region"() ({
        %run_scoped3A = tpu.sem_alloc : memref<!tpu.dma_semaphore, #tpu.memory_space<semaphore_mem>>
        %dma_start3A_150 = arith.constant 200 : i32
        %dma_start3A_151 = tpu.memref_slice %arg7[%dma_start3A_150] : memref<1000xi32, #tpu.memory_space<vmem>> -> memref<200xi32, #tpu.memory_space<vmem>>
        %dma_start3A_152 = tpu.memref_slice %arg2[%add3A_64] : memref<500000xi32, #tpu.memory_space<hbm>> -> memref<200xi32, #tpu.memory_space<hbm>>
        %dma_start3A_153 = arith.constant 200 : i32
        %dma_start3A_154 = tpu.memref_slice %arg7[%dma_start3A_153] : memref<1000xi32, #tpu.memory_space<vmem>> -> memref<200xi32, #tpu.memory_space<vmem>>
        %dma_start3A_155 = tpu.memref_slice %arg2[%add3A_64] : memref<500000xi32, #tpu.memory_space<hbm>> -> memref<200xi32, #tpu.memory_space<hbm>>
        tpu.enqueue_dma source(%dma_start3A_155 : memref<200xi32, #tpu.memory_space<hbm>>) target(%dma_start3A_154 : memref<200xi32, #tpu.memory_space<vmem>>) target_semaphore(%run_scoped3A : memref<!tpu.dma_semaphore, #tpu.memory_space<semaphore_mem>>)
        %dma_wait3A = arith.constant 200 : i32
        %dma_wait3A_156 = tpu.memref_slice %arg7[%dma_wait3A] : memref<1000xi32, #tpu.memory_space<vmem>> -> memref<200xi32, #tpu.memory_space<vmem>>
        %dma_wait3A_157 = tpu.memref_slice %arg2[%add3A_64] : memref<500000xi32, #tpu.memory_space<hbm>> -> memref<200xi32, #tpu.memory_space<hbm>>
        %dma_wait3A_158 = arith.constant 200 : i32
        %dma_wait3A_159 = tpu.memref_slice %arg7[%dma_wait3A_158] : memref<1000xi32, #tpu.memory_space<vmem>> -> memref<200xi32, #tpu.memory_space<vmem>>
        %dma_wait3A_160 = tpu.memref_slice %arg2[%add3A_64] : memref<500000xi32, #tpu.memory_space<hbm>> -> memref<200xi32, #tpu.memory_space<hbm>>
        tpu.wait_dma2 semaphore(%run_scoped3A : memref<!tpu.dma_semaphore, #tpu.memory_space<semaphore_mem>>) src(%dma_wait3A_160 : memref<200xi32, #tpu.memory_space<hbm>>) dst(%dma_wait3A_159 : memref<200xi32, #tpu.memory_space<vmem>>)
        tpu.yield
      }) : () -> ()
      %add3A_65 = arith.constant 200000 : i32
      %add3A_66 = arith.addi %add3A_65, %mul3A_52 : i32
      "tpu.region"() ({
        %run_scoped3A = tpu.sem_alloc : memref<!tpu.dma_semaphore, #tpu.memory_space<semaphore_mem>>
        %dma_start3A_150 = arith.constant 400 : i32
        %dma_start3A_151 = tpu.memref_slice %arg7[%dma_start3A_150] : memref<1000xi32, #tpu.memory_space<vmem>> -> memref<200xi32, #tpu.memory_space<vmem>>
        %dma_start3A_152 = tpu.memref_slice %arg2[%add3A_66] : memref<500000xi32, #tpu.memory_space<hbm>> -> memref<200xi32, #tpu.memory_space<hbm>>
        %dma_start3A_153 = arith.constant 400 : i32
        %dma_start3A_154 = tpu.memref_slice %arg7[%dma_start3A_153] : memref<1000xi32, #tpu.memory_space<vmem>> -> memref<200xi32, #tpu.memory_space<vmem>>
        %dma_start3A_155 = tpu.memref_slice %arg2[%add3A_66] : memref<500000xi32, #tpu.memory_space<hbm>> -> memref<200xi32, #tpu.memory_space<hbm>>
        tpu.enqueue_dma source(%dma_start3A_155 : memref<200xi32, #tpu.memory_space<hbm>>) target(%dma_start3A_154 : memref<200xi32, #tpu.memory_space<vmem>>) target_semaphore(%run_scoped3A : memref<!tpu.dma_semaphore, #tpu.memory_space<semaphore_mem>>)
        %dma_wait3A = arith.constant 400 : i32
        %dma_wait3A_156 = tpu.memref_slice %arg7[%dma_wait3A] : memref<1000xi32, #tpu.memory_space<vmem>> -> memref<200xi32, #tpu.memory_space<vmem>>
        %dma_wait3A_157 = tpu.memref_slice %arg2[%add3A_66] : memref<500000xi32, #tpu.memory_space<hbm>> -> memref<200xi32, #tpu.memory_space<hbm>>
        %dma_wait3A_158 = arith.constant 400 : i32
        %dma_wait3A_159 = tpu.memref_slice %arg7[%dma_wait3A_158] : memref<1000xi32, #tpu.memory_space<vmem>> -> memref<200xi32, #tpu.memory_space<vmem>>
        %dma_wait3A_160 = tpu.memref_slice %arg2[%add3A_66] : memref<500000xi32, #tpu.memory_space<hbm>> -> memref<200xi32, #tpu.memory_space<hbm>>
        tpu.wait_dma2 semaphore(%run_scoped3A : memref<!tpu.dma_semaphore, #tpu.memory_space<semaphore_mem>>) src(%dma_wait3A_160 : memref<200xi32, #tpu.memory_space<hbm>>) dst(%dma_wait3A_159 : memref<200xi32, #tpu.memory_space<vmem>>)
        tpu.yield
      }) : () -> ()
      %add3A_67 = arith.constant 300000 : i32
      %add3A_68 = arith.addi %add3A_67, %mul3A_52 : i32
      "tpu.region"() ({
        %run_scoped3A = tpu.sem_alloc : memref<!tpu.dma_semaphore, #tpu.memory_space<semaphore_mem>>
        %dma_start3A_150 = arith.constant 600 : i32
        %dma_start3A_151 = tpu.memref_slice %arg7[%dma_start3A_150] : memref<1000xi32, #tpu.memory_space<vmem>> -> memref<200xi32, #tpu.memory_space<vmem>>
        %dma_start3A_152 = tpu.memref_slice %arg2[%add3A_68] : memref<500000xi32, #tpu.memory_space<hbm>> -> memref<200xi32, #tpu.memory_space<hbm>>
        %dma_start3A_153 = arith.constant 600 : i32
        %dma_start3A_154 = tpu.memref_slice %arg7[%dma_start3A_153] : memref<1000xi32, #tpu.memory_space<vmem>> -> memref<200xi32, #tpu.memory_space<vmem>>
        %dma_start3A_155 = tpu.memref_slice %arg2[%add3A_68] : memref<500000xi32, #tpu.memory_space<hbm>> -> memref<200xi32, #tpu.memory_space<hbm>>
        tpu.enqueue_dma source(%dma_start3A_155 : memref<200xi32, #tpu.memory_space<hbm>>) target(%dma_start3A_154 : memref<200xi32, #tpu.memory_space<vmem>>) target_semaphore(%run_scoped3A : memref<!tpu.dma_semaphore, #tpu.memory_space<semaphore_mem>>)
        %dma_wait3A = arith.constant 600 : i32
        %dma_wait3A_156 = tpu.memref_slice %arg7[%dma_wait3A] : memref<1000xi32, #tpu.memory_space<vmem>> -> memref<200xi32, #tpu.memory_space<vmem>>
        %dma_wait3A_157 = tpu.memref_slice %arg2[%add3A_68] : memref<500000xi32, #tpu.memory_space<hbm>> -> memref<200xi32, #tpu.memory_space<hbm>>
        %dma_wait3A_158 = arith.constant 600 : i32
        %dma_wait3A_159 = tpu.memref_slice %arg7[%dma_wait3A_158] : memref<1000xi32, #tpu.memory_space<vmem>> -> memref<200xi32, #tpu.memory_space<vmem>>
        %dma_wait3A_160 = tpu.memref_slice %arg2[%add3A_68] : memref<500000xi32, #tpu.memory_space<hbm>> -> memref<200xi32, #tpu.memory_space<hbm>>
        tpu.wait_dma2 semaphore(%run_scoped3A : memref<!tpu.dma_semaphore, #tpu.memory_space<semaphore_mem>>) src(%dma_wait3A_160 : memref<200xi32, #tpu.memory_space<hbm>>) dst(%dma_wait3A_159 : memref<200xi32, #tpu.memory_space<vmem>>)
        tpu.yield
      }) : () -> ()
      %add3A_69 = arith.constant 400000 : i32
      %add3A_70 = arith.addi %add3A_69, %mul3A_52 : i32
      "tpu.region"() ({
        %run_scoped3A = tpu.sem_alloc : memref<!tpu.dma_semaphore, #tpu.memory_space<semaphore_mem>>
        %dma_start3A_150 = arith.constant 800 : i32
        %dma_start3A_151 = tpu.memref_slice %arg7[%dma_start3A_150] : memref<1000xi32, #tpu.memory_space<vmem>> -> memref<200xi32, #tpu.memory_space<vmem>>
        %dma_start3A_152 = tpu.memref_slice %arg2[%add3A_70] : memref<500000xi32, #tpu.memory_space<hbm>> -> memref<200xi32, #tpu.memory_space<hbm>>
        %dma_start3A_153 = arith.constant 800 : i32
        %dma_start3A_154 = tpu.memref_slice %arg7[%dma_start3A_153] : memref<1000xi32, #tpu.memory_space<vmem>> -> memref<200xi32, #tpu.memory_space<vmem>>
        %dma_start3A_155 = tpu.memref_slice %arg2[%add3A_70] : memref<500000xi32, #tpu.memory_space<hbm>> -> memref<200xi32, #tpu.memory_space<hbm>>
        tpu.enqueue_dma source(%dma_start3A_155 : memref<200xi32, #tpu.memory_space<hbm>>) target(%dma_start3A_154 : memref<200xi32, #tpu.memory_space<vmem>>) target_semaphore(%run_scoped3A : memref<!tpu.dma_semaphore, #tpu.memory_space<semaphore_mem>>)
        %dma_wait3A = arith.constant 800 : i32
        %dma_wait3A_156 = tpu.memref_slice %arg7[%dma_wait3A] : memref<1000xi32, #tpu.memory_space<vmem>> -> memref<200xi32, #tpu.memory_space<vmem>>
        %dma_wait3A_157 = tpu.memref_slice %arg2[%add3A_70] : memref<500000xi32, #tpu.memory_space<hbm>> -> memref<200xi32, #tpu.memory_space<hbm>>
        %dma_wait3A_158 = arith.constant 800 : i32
        %dma_wait3A_159 = tpu.memref_slice %arg7[%dma_wait3A_158] : memref<1000xi32, #tpu.memory_space<vmem>> -> memref<200xi32, #tpu.memory_space<vmem>>
        %dma_wait3A_160 = tpu.memref_slice %arg2[%add3A_70] : memref<500000xi32, #tpu.memory_space<hbm>> -> memref<200xi32, #tpu.memory_space<hbm>>
        tpu.wait_dma2 semaphore(%run_scoped3A : memref<!tpu.dma_semaphore, #tpu.memory_space<semaphore_mem>>) src(%dma_wait3A_160 : memref<200xi32, #tpu.memory_space<hbm>>) dst(%dma_wait3A_159 : memref<200xi32, #tpu.memory_space<vmem>>)
        tpu.yield
      }) : () -> ()
      %dma_start3A = arith.constant 0 : i32
      %dma_start3A_71 = arith.constant 0 : i32
      %dma_start3A_72 = tpu.memref_slice %arg10[%dma_start3A, %dma_start3A_71] : memref<200x128xf32, #tpu.memory_space<vmem>> -> memref<128x128xf32, #tpu.memory_space<vmem>>
      %dma_start3A_73 = arith.constant 0 : i32
      %dma_start3A_74 = tpu.memref_slice %arg7[%dma_start3A_73] : memref<1000xi32, #tpu.memory_space<vmem>> -> memref<128xi32, #tpu.memory_space<vmem>>
      %dma_start3A_75 = arith.constant 0 : i32
      %dma_start3A_76 = arith.constant 0 : i32
      %dma_start3A_77 = tpu.memref_slice %arg3[%dma_start3A_75, %dma_start3A_76] : memref<40000x128xf32, #tpu.memory_space<hbm>> -> memref<40000x128xf32, #tpu.memory_space<hbm>>
      tpu.enqueue_indirect_dma source(%dma_start3A_77 : memref<40000x128xf32, #tpu.memory_space<hbm>>) target(%dma_start3A_72 : memref<128x128xf32, #tpu.memory_space<vmem>>) offsets(%dma_start3A_74 : memref<128xi32, #tpu.memory_space<vmem>>) semaphore(%arg13 : memref<!tpu.dma_semaphore, #tpu.memory_space<semaphore_mem>>) {add = true}
      %dma_start3A_78 = arith.constant 128 : i32
      %dma_start3A_79 = arith.constant 0 : i32
      %dma_start3A_80 = tpu.memref_slice %arg10[%dma_start3A_78, %dma_start3A_79] : memref<200x128xf32, #tpu.memory_space<vmem>> -> memref<72x128xf32, #tpu.memory_space<vmem>>
      %dma_start3A_81 = arith.constant 128 : i32
      %dma_start3A_82 = tpu.memref_slice %arg7[%dma_start3A_81] : memref<1000xi32, #tpu.memory_space<vmem>> -> memref<72xi32, #tpu.memory_space<vmem>>
      %dma_start3A_83 = arith.constant 0 : i32
      %dma_start3A_84 = arith.constant 0 : i32
      %dma_start3A_85 = tpu.memref_slice %arg3[%dma_start3A_83, %dma_start3A_84] : memref<40000x128xf32, #tpu.memory_space<hbm>> -> memref<40000x128xf32, #tpu.memory_space<hbm>>
      tpu.enqueue_indirect_dma source(%dma_start3A_85 : memref<40000x128xf32, #tpu.memory_space<hbm>>) target(%dma_start3A_80 : memref<72x128xf32, #tpu.memory_space<vmem>>) offsets(%dma_start3A_82 : memref<72xi32, #tpu.memory_space<vmem>>) semaphore(%arg13 : memref<!tpu.dma_semaphore, #tpu.memory_space<semaphore_mem>>) {add = true}
      %dma_start3A_86 = arith.constant 0 : i32
      %dma_start3A_87 = arith.constant 0 : i32
      %dma_start3A_88 = tpu.memref_slice %arg10[%dma_start3A_86, %dma_start3A_87] : memref<200x128xf32, #tpu.memory_space<vmem>> -> memref<128x128xf32, #tpu.memory_space<vmem>>
      %dma_start3A_89 = arith.constant 200 : i32
      %dma_start3A_90 = tpu.memref_slice %arg7[%dma_start3A_89] : memref<1000xi32, #tpu.memory_space<vmem>> -> memref<128xi32, #tpu.memory_space<vmem>>
      %dma_start3A_91 = arith.constant 0 : i32
      %dma_start3A_92 = arith.constant 0 : i32
      %dma_start3A_93 = tpu.memref_slice %arg3[%dma_start3A_91, %dma_start3A_92] : memref<40000x128xf32, #tpu.memory_space<hbm>> -> memref<40000x128xf32, #tpu.memory_space<hbm>>
      tpu.enqueue_indirect_dma source(%dma_start3A_93 : memref<40000x128xf32, #tpu.memory_space<hbm>>) target(%dma_start3A_88 : memref<128x128xf32, #tpu.memory_space<vmem>>) offsets(%dma_start3A_90 : memref<128xi32, #tpu.memory_space<vmem>>) semaphore(%arg13 : memref<!tpu.dma_semaphore, #tpu.memory_space<semaphore_mem>>) {add = true}
      %dma_start3A_94 = arith.constant 128 : i32
      %dma_start3A_95 = arith.constant 0 : i32
      %dma_start3A_96 = tpu.memref_slice %arg10[%dma_start3A_94, %dma_start3A_95] : memref<200x128xf32, #tpu.memory_space<vmem>> -> memref<72x128xf32, #tpu.memory_space<vmem>>
      %dma_start3A_97 = arith.constant 328 : i32
      %dma_start3A_98 = tpu.memref_slice %arg7[%dma_start3A_97] : memref<1000xi32, #tpu.memory_space<vmem>> -> memref<72xi32, #tpu.memory_space<vmem>>
      %dma_start3A_99 = arith.constant 0 : i32
      %dma_start3A_100 = arith.constant 0 : i32
      %dma_start3A_101 = tpu.memref_slice %arg3[%dma_start3A_99, %dma_start3A_100] : memref<40000x128xf32, #tpu.memory_space<hbm>> -> memref<40000x128xf32, #tpu.memory_space<hbm>>
      tpu.enqueue_indirect_dma source(%dma_start3A_101 : memref<40000x128xf32, #tpu.memory_space<hbm>>) target(%dma_start3A_96 : memref<72x128xf32, #tpu.memory_space<vmem>>) offsets(%dma_start3A_98 : memref<72xi32, #tpu.memory_space<vmem>>) semaphore(%arg13 : memref<!tpu.dma_semaphore, #tpu.memory_space<semaphore_mem>>) {add = true}
      %dma_start3A_102 = arith.constant 0 : i32
      %dma_start3A_103 = arith.constant 0 : i32
      %dma_start3A_104 = tpu.memref_slice %arg10[%dma_start3A_102, %dma_start3A_103] : memref<200x128xf32, #tpu.memory_space<vmem>> -> memref<128x128xf32, #tpu.memory_space<vmem>>
      %dma_start3A_105 = arith.constant 400 : i32
      %dma_start3A_106 = tpu.memref_slice %arg7[%dma_start3A_105] : memref<1000xi32, #tpu.memory_space<vmem>> -> memref<128xi32, #tpu.memory_space<vmem>>
      %dma_start3A_107 = arith.constant 0 : i32
      %dma_start3A_108 = arith.constant 0 : i32
      %dma_start3A_109 = tpu.memref_slice %arg3[%dma_start3A_107, %dma_start3A_108] : memref<40000x128xf32, #tpu.memory_space<hbm>> -> memref<40000x128xf32, #tpu.memory_space<hbm>>
      tpu.enqueue_indirect_dma source(%dma_start3A_109 : memref<40000x128xf32, #tpu.memory_space<hbm>>) target(%dma_start3A_104 : memref<128x128xf32, #tpu.memory_space<vmem>>) offsets(%dma_start3A_106 : memref<128xi32, #tpu.memory_space<vmem>>) semaphore(%arg13 : memref<!tpu.dma_semaphore, #tpu.memory_space<semaphore_mem>>) {add = true}
      %dma_start3A_110 = arith.constant 128 : i32
      %dma_start3A_111 = arith.constant 0 : i32
      %dma_start3A_112 = tpu.memref_slice %arg10[%dma_start3A_110, %dma_start3A_111] : memref<200x128xf32, #tpu.memory_space<vmem>> -> memref<72x128xf32, #tpu.memory_space<vmem>>
      %dma_start3A_113 = arith.constant 528 : i32
      %dma_start3A_114 = tpu.memref_slice %arg7[%dma_start3A_113] : memref<1000xi32, #tpu.memory_space<vmem>> -> memref<72xi32, #tpu.memory_space<vmem>>
      %dma_start3A_115 = arith.constant 0 : i32
      %dma_start3A_116 = arith.constant 0 : i32
      %dma_start3A_117 = tpu.memref_slice %arg3[%dma_start3A_115, %dma_start3A_116] : memref<40000x128xf32, #tpu.memory_space<hbm>> -> memref<40000x128xf32, #tpu.memory_space<hbm>>
      tpu.enqueue_indirect_dma source(%dma_start3A_117 : memref<40000x128xf32, #tpu.memory_space<hbm>>) target(%dma_start3A_112 : memref<72x128xf32, #tpu.memory_space<vmem>>) offsets(%dma_start3A_114 : memref<72xi32, #tpu.memory_space<vmem>>) semaphore(%arg13 : memref<!tpu.dma_semaphore, #tpu.memory_space<semaphore_mem>>) {add = true}
      %dma_start3A_118 = arith.constant 0 : i32
      %dma_start3A_119 = arith.constant 0 : i32
      %dma_start3A_120 = tpu.memref_slice %arg10[%dma_start3A_118, %dma_start3A_119] : memref<200x128xf32, #tpu.memory_space<vmem>> -> memref<128x128xf32, #tpu.memory_space<vmem>>
      %dma_start3A_121 = arith.constant 600 : i32
      %dma_start3A_122 = tpu.memref_slice %arg7[%dma_start3A_121] : memref<1000xi32, #tpu.memory_space<vmem>> -> memref<128xi32, #tpu.memory_space<vmem>>
      %dma_start3A_123 = arith.constant 0 : i32
      %dma_start3A_124 = arith.constant 0 : i32
      %dma_start3A_125 = tpu.memref_slice %arg3[%dma_start3A_123, %dma_start3A_124] : memref<40000x128xf32, #tpu.memory_space<hbm>> -> memref<40000x128xf32, #tpu.memory_space<hbm>>
      tpu.enqueue_indirect_dma source(%dma_start3A_125 : memref<40000x128xf32, #tpu.memory_space<hbm>>) target(%dma_start3A_120 : memref<128x128xf32, #tpu.memory_space<vmem>>) offsets(%dma_start3A_122 : memref<128xi32, #tpu.memory_space<vmem>>) semaphore(%arg13 : memref<!tpu.dma_semaphore, #tpu.memory_space<semaphore_mem>>) {add = true}
      %dma_start3A_126 = arith.constant 128 : i32
      %dma_start3A_127 = arith.constant 0 : i32
      %dma_start3A_128 = tpu.memref_slice %arg10[%dma_start3A_126, %dma_start3A_127] : memref<200x128xf32, #tpu.memory_space<vmem>> -> memref<72x128xf32, #tpu.memory_space<vmem>>
      %dma_start3A_129 = arith.constant 728 : i32
      %dma_start3A_130 = tpu.memref_slice %arg7[%dma_start3A_129] : memref<1000xi32, #tpu.memory_space<vmem>> -> memref<72xi32, #tpu.memory_space<vmem>>
      %dma_start3A_131 = arith.constant 0 : i32
      %dma_start3A_132 = arith.constant 0 : i32
      %dma_start3A_133 = tpu.memref_slice %arg3[%dma_start3A_131, %dma_start3A_132] : memref<40000x128xf32, #tpu.memory_space<hbm>> -> memref<40000x128xf32, #tpu.memory_space<hbm>>
      tpu.enqueue_indirect_dma source(%dma_start3A_133 : memref<40000x128xf32, #tpu.memory_space<hbm>>) target(%dma_start3A_128 : memref<72x128xf32, #tpu.memory_space<vmem>>) offsets(%dma_start3A_130 : memref<72xi32, #tpu.memory_space<vmem>>) semaphore(%arg13 : memref<!tpu.dma_semaphore, #tpu.memory_space<semaphore_mem>>) {add = true}
      %dma_start3A_134 = arith.constant 0 : i32
      %dma_start3A_135 = arith.constant 0 : i32
      %dma_start3A_136 = tpu.memref_slice %arg10[%dma_start3A_134, %dma_start3A_135] : memref<200x128xf32, #tpu.memory_space<vmem>> -> memref<128x128xf32, #tpu.memory_space<vmem>>
      %dma_start3A_137 = arith.constant 800 : i32
      %dma_start3A_138 = tpu.memref_slice %arg7[%dma_start3A_137] : memref<1000xi32, #tpu.memory_space<vmem>> -> memref<128xi32, #tpu.memory_space<vmem>>
      %dma_start3A_139 = arith.constant 0 : i32
      %dma_start3A_140 = arith.constant 0 : i32
      %dma_start3A_141 = tpu.memref_slice %arg4[%dma_start3A_139, %dma_start3A_140] : memref<100x128xf32, #tpu.memory_space<hbm>> -> memref<100x128xf32, #tpu.memory_space<hbm>>
      tpu.enqueue_indirect_dma source(%dma_start3A_141 : memref<100x128xf32, #tpu.memory_space<hbm>>) target(%dma_start3A_136 : memref<128x128xf32, #tpu.memory_space<vmem>>) offsets(%dma_start3A_138 : memref<128xi32, #tpu.memory_space<vmem>>) semaphore(%arg13 : memref<!tpu.dma_semaphore, #tpu.memory_space<semaphore_mem>>) {add = true}
      %dma_start3A_142 = arith.constant 128 : i32
      %dma_start3A_143 = arith.constant 0 : i32
      %dma_start3A_144 = tpu.memref_slice %arg10[%dma_start3A_142, %dma_start3A_143] : memref<200x128xf32, #tpu.memory_space<vmem>> -> memref<72x128xf32, #tpu.memory_space<vmem>>
      %dma_start3A_145 = arith.constant 928 : i32
      %dma_start3A_146 = tpu.memref_slice %arg7[%dma_start3A_145] : memref<1000xi32, #tpu.memory_space<vmem>> -> memref<72xi32, #tpu.memory_space<vmem>>
      %dma_start3A_147 = arith.constant 0 : i32
      %dma_start3A_148 = arith.constant 0 : i32
      %dma_start3A_149 = tpu.memref_slice %arg4[%dma_start3A_147, %dma_start3A_148] : memref<100x128xf32, #tpu.memory_space<hbm>> -> memref<100x128xf32, #tpu.memory_space<hbm>>
      tpu.enqueue_indirect_dma source(%dma_start3A_149 : memref<100x128xf32, #tpu.memory_space<hbm>>) target(%dma_start3A_144 : memref<72x128xf32, #tpu.memory_space<vmem>>) offsets(%dma_start3A_146 : memref<72xi32, #tpu.memory_space<vmem>>) semaphore(%arg13 : memref<!tpu.dma_semaphore, #tpu.memory_space<semaphore_mem>>) {add = true}
    } else {
    }
    %scan3A = arith.constant 0 : i32
    %scan3A_28 = arith.constant 0 : i32
    %scan3A_29 = arith.constant 6 : i32
    %scan3A_30 = arith.addi %scan3A_28, %scan3A_29 : i32
    %scan3A_31 = arith.constant 1 : i32
    %scan3A_32 = scf.for %scan3A_49 = %scan3A_28 to %scan3A_30 step %scan3A_31 iter_args(%scan3A_50 = %scan3A) -> (i32)  : i32 {
      %mul3A_51 = arith.constant 3 : i32
      %mul3A_52 = arith.muli %mul3A_51, %scan3A_49 : i32
      %add3A_53 = arith.constant 0 : i32
      %add3A_54 = arith.addi %mul3A_52, %add3A_53 : i32
      %lt3A = arith.cmpi slt, %add3A_54, %add3A_20 : i32
      %convert_element_type3A_55 = arith.extui %lt3A : i1 to i32
      %cond3A_56 = arith.constant 0 : i32
      %cond3A_57 = arith.cmpi ne, %convert_element_type3A_55, %cond3A_56 : i32
      scf.if %cond3A_57 {
        %mul3A_75 = arith.constant 32 : i32
        %mul3A_76 = arith.muli %mul3A_75, %add3A_54 : i32
        %add3A_77 = arith.addi %add3A, %mul3A_76 : i32
        %mul3A_78 = arith.constant 200 : i32
        %mul3A_79 = arith.muli %add3A_77, %mul3A_78 : i32
        %dma_wait3A = arith.constant 0 : i32
        %dma_wait3A_80 = arith.constant 0 : i32
        %dma_wait3A_81 = tpu.memref_slice %arg9[%dma_wait3A, %dma_wait3A_80] : memref<200x128xf32, #tpu.memory_space<vmem>> -> memref<128x128xf32, #tpu.memory_space<vmem>>
        %dma_wait3A_82 = arith.constant 0 : i32
        %dma_wait3A_83 = tpu.memref_slice %arg6[%dma_wait3A_82] : memref<1000xi32, #tpu.memory_space<vmem>> -> memref<128xi32, #tpu.memory_space<vmem>>
        %dma_wait3A_84 = arith.constant 0 : i32
        %dma_wait3A_85 = arith.constant 0 : i32
        %dma_wait3A_86 = tpu.memref_slice %arg3[%dma_wait3A_84, %dma_wait3A_85] : memref<40000x128xf32, #tpu.memory_space<hbm>> -> memref<40000x128xf32, #tpu.memory_space<hbm>>
        tpu.wait_indirect_dma semaphore(%arg12 : memref<!tpu.dma_semaphore, #tpu.memory_space<semaphore_mem>>) src(%dma_wait3A_86 : memref<40000x128xf32, #tpu.memory_space<hbm>>) dst(%dma_wait3A_81 : memref<128x128xf32, #tpu.memory_space<vmem>>)
        %dma_wait3A_87 = arith.constant 128 : i32
        %dma_wait3A_88 = arith.constant 0 : i32
        %dma_wait3A_89 = tpu.memref_slice %arg9[%dma_wait3A_87, %dma_wait3A_88] : memref<200x128xf32, #tpu.memory_space<vmem>> -> memref<72x128xf32, #tpu.memory_space<vmem>>
        %dma_wait3A_90 = arith.constant 128 : i32
        %dma_wait3A_91 = tpu.memref_slice %arg6[%dma_wait3A_90] : memref<1000xi32, #tpu.memory_space<vmem>> -> memref<72xi32, #tpu.memory_space<vmem>>
        %dma_wait3A_92 = arith.constant 0 : i32
        %dma_wait3A_93 = arith.constant 0 : i32
        %dma_wait3A_94 = tpu.memref_slice %arg3[%dma_wait3A_92, %dma_wait3A_93] : memref<40000x128xf32, #tpu.memory_space<hbm>> -> memref<40000x128xf32, #tpu.memory_space<hbm>>
        tpu.wait_indirect_dma semaphore(%arg12 : memref<!tpu.dma_semaphore, #tpu.memory_space<semaphore_mem>>) src(%dma_wait3A_94 : memref<40000x128xf32, #tpu.memory_space<hbm>>) dst(%dma_wait3A_89 : memref<72x128xf32, #tpu.memory_space<vmem>>)
        %dma_wait3A_95 = arith.constant 0 : i32
        %dma_wait3A_96 = arith.constant 0 : i32
        %dma_wait3A_97 = tpu.memref_slice %arg9[%dma_wait3A_95, %dma_wait3A_96] : memref<200x128xf32, #tpu.memory_space<vmem>> -> memref<128x128xf32, #tpu.memory_space<vmem>>
        %dma_wait3A_98 = arith.constant 200 : i32
        %dma_wait3A_99 = tpu.memref_slice %arg6[%dma_wait3A_98] : memref<1000xi32, #tpu.memory_space<vmem>> -> memref<128xi32, #tpu.memory_space<vmem>>
        %dma_wait3A_100 = arith.constant 0 : i32
        %dma_wait3A_101 = arith.constant 0 : i32
        %dma_wait3A_102 = tpu.memref_slice %arg3[%dma_wait3A_100, %dma_wait3A_101] : memref<40000x128xf32, #tpu.memory_space<hbm>> -> memref<40000x128xf32, #tpu.memory_space<hbm>>
        tpu.wait_indirect_dma semaphore(%arg12 : memref<!tpu.dma_semaphore, #tpu.memory_space<semaphore_mem>>) src(%dma_wait3A_102 : memref<40000x128xf32, #tpu.memory_space<hbm>>) dst(%dma_wait3A_97 : memref<128x128xf32, #tpu.memory_space<vmem>>)
        %dma_wait3A_103 = arith.constant 128 : i32
        %dma_wait3A_104 = arith.constant 0 : i32
        %dma_wait3A_105 = tpu.memref_slice %arg9[%dma_wait3A_103, %dma_wait3A_104] : memref<200x128xf32, #tpu.memory_space<vmem>> -> memref<72x128xf32, #tpu.memory_space<vmem>>
        %dma_wait3A_106 = arith.constant 328 : i32
        %dma_wait3A_107 = tpu.memref_slice %arg6[%dma_wait3A_106] : memref<1000xi32, #tpu.memory_space<vmem>> -> memref<72xi32, #tpu.memory_space<vmem>>
        %dma_wait3A_108 = arith.constant 0 : i32
        %dma_wait3A_109 = arith.constant 0 : i32
        %dma_wait3A_110 = tpu.memref_slice %arg3[%dma_wait3A_108, %dma_wait3A_109] : memref<40000x128xf32, #tpu.memory_space<hbm>> -> memref<40000x128xf32, #tpu.memory_space<hbm>>
        tpu.wait_indirect_dma semaphore(%arg12 : memref<!tpu.dma_semaphore, #tpu.memory_space<semaphore_mem>>) src(%dma_wait3A_110 : memref<40000x128xf32, #tpu.memory_space<hbm>>) dst(%dma_wait3A_105 : memref<72x128xf32, #tpu.memory_space<vmem>>)
        %dma_wait3A_111 = arith.constant 0 : i32
        %dma_wait3A_112 = arith.constant 0 : i32
        %dma_wait3A_113 = tpu.memref_slice %arg9[%dma_wait3A_111, %dma_wait3A_112] : memref<200x128xf32, #tpu.memory_space<vmem>> -> memref<128x128xf32, #tpu.memory_space<vmem>>
        %dma_wait3A_114 = arith.constant 400 : i32
        %dma_wait3A_115 = tpu.memref_slice %arg6[%dma_wait3A_114] : memref<1000xi32, #tpu.memory_space<vmem>> -> memref<128xi32, #tpu.memory_space<vmem>>
        %dma_wait3A_116 = arith.constant 0 : i32
        %dma_wait3A_117 = arith.constant 0 : i32
        %dma_wait3A_118 = tpu.memref_slice %arg3[%dma_wait3A_116, %dma_wait3A_117] : memref<40000x128xf32, #tpu.memory_space<hbm>> -> memref<40000x128xf32, #tpu.memory_space<hbm>>
        tpu.wait_indirect_dma semaphore(%arg12 : memref<!tpu.dma_semaphore, #tpu.memory_space<semaphore_mem>>) src(%dma_wait3A_118 : memref<40000x128xf32, #tpu.memory_space<hbm>>) dst(%dma_wait3A_113 : memref<128x128xf32, #tpu.memory_space<vmem>>)
        %dma_wait3A_119 = arith.constant 128 : i32
        %dma_wait3A_120 = arith.constant 0 : i32
        %dma_wait3A_121 = tpu.memref_slice %arg9[%dma_wait3A_119, %dma_wait3A_120] : memref<200x128xf32, #tpu.memory_space<vmem>> -> memref<72x128xf32, #tpu.memory_space<vmem>>
        %dma_wait3A_122 = arith.constant 528 : i32
        %dma_wait3A_123 = tpu.memref_slice %arg6[%dma_wait3A_122] : memref<1000xi32, #tpu.memory_space<vmem>> -> memref<72xi32, #tpu.memory_space<vmem>>
        %dma_wait3A_124 = arith.constant 0 : i32
        %dma_wait3A_125 = arith.constant 0 : i32
        %dma_wait3A_126 = tpu.memref_slice %arg3[%dma_wait3A_124, %dma_wait3A_125] : memref<40000x128xf32, #tpu.memory_space<hbm>> -> memref<40000x128xf32, #tpu.memory_space<hbm>>
        tpu.wait_indirect_dma semaphore(%arg12 : memref<!tpu.dma_semaphore, #tpu.memory_space<semaphore_mem>>) src(%dma_wait3A_126 : memref<40000x128xf32, #tpu.memory_space<hbm>>) dst(%dma_wait3A_121 : memref<72x128xf32, #tpu.memory_space<vmem>>)
        %dma_wait3A_127 = arith.constant 0 : i32
        %dma_wait3A_128 = arith.constant 0 : i32
        %dma_wait3A_129 = tpu.memref_slice %arg9[%dma_wait3A_127, %dma_wait3A_128] : memref<200x128xf32, #tpu.memory_space<vmem>> -> memref<128x128xf32, #tpu.memory_space<vmem>>
        %dma_wait3A_130 = arith.constant 600 : i32
        %dma_wait3A_131 = tpu.memref_slice %arg6[%dma_wait3A_130] : memref<1000xi32, #tpu.memory_space<vmem>> -> memref<128xi32, #tpu.memory_space<vmem>>
        %dma_wait3A_132 = arith.constant 0 : i32
        %dma_wait3A_133 = arith.constant 0 : i32
        %dma_wait3A_134 = tpu.memref_slice %arg3[%dma_wait3A_132, %dma_wait3A_133] : memref<40000x128xf32, #tpu.memory_space<hbm>> -> memref<40000x128xf32, #tpu.memory_space<hbm>>
        tpu.wait_indirect_dma semaphore(%arg12 : memref<!tpu.dma_semaphore, #tpu.memory_space<semaphore_mem>>) src(%dma_wait3A_134 : memref<40000x128xf32, #tpu.memory_space<hbm>>) dst(%dma_wait3A_129 : memref<128x128xf32, #tpu.memory_space<vmem>>)
        %dma_wait3A_135 = arith.constant 128 : i32
        %dma_wait3A_136 = arith.constant 0 : i32
        %dma_wait3A_137 = tpu.memref_slice %arg9[%dma_wait3A_135, %dma_wait3A_136] : memref<200x128xf32, #tpu.memory_space<vmem>> -> memref<72x128xf32, #tpu.memory_space<vmem>>
        %dma_wait3A_138 = arith.constant 728 : i32
        %dma_wait3A_139 = tpu.memref_slice %arg6[%dma_wait3A_138] : memref<1000xi32, #tpu.memory_space<vmem>> -> memref<72xi32, #tpu.memory_space<vmem>>
        %dma_wait3A_140 = arith.constant 0 : i32
        %dma_wait3A_141 = arith.constant 0 : i32
        %dma_wait3A_142 = tpu.memref_slice %arg3[%dma_wait3A_140, %dma_wait3A_141] : memref<40000x128xf32, #tpu.memory_space<hbm>> -> memref<40000x128xf32, #tpu.memory_space<hbm>>
        tpu.wait_indirect_dma semaphore(%arg12 : memref<!tpu.dma_semaphore, #tpu.memory_space<semaphore_mem>>) src(%dma_wait3A_142 : memref<40000x128xf32, #tpu.memory_space<hbm>>) dst(%dma_wait3A_137 : memref<72x128xf32, #tpu.memory_space<vmem>>)
        %dma_wait3A_143 = arith.constant 0 : i32
        %dma_wait3A_144 = arith.constant 0 : i32
        %dma_wait3A_145 = tpu.memref_slice %arg9[%dma_wait3A_143, %dma_wait3A_144] : memref<200x128xf32, #tpu.memory_space<vmem>> -> memref<128x128xf32, #tpu.memory_space<vmem>>
        %dma_wait3A_146 = arith.constant 800 : i32
        %dma_wait3A_147 = tpu.memref_slice %arg6[%dma_wait3A_146] : memref<1000xi32, #tpu.memory_space<vmem>> -> memref<128xi32, #tpu.memory_space<vmem>>
        %dma_wait3A_148 = arith.constant 0 : i32
        %dma_wait3A_149 = arith.constant 0 : i32
        %dma_wait3A_150 = tpu.memref_slice %arg4[%dma_wait3A_148, %dma_wait3A_149] : memref<100x128xf32, #tpu.memory_space<hbm>> -> memref<100x128xf32, #tpu.memory_space<hbm>>
        tpu.wait_indirect_dma semaphore(%arg12 : memref<!tpu.dma_semaphore, #tpu.memory_space<semaphore_mem>>) src(%dma_wait3A_150 : memref<100x128xf32, #tpu.memory_space<hbm>>) dst(%dma_wait3A_145 : memref<128x128xf32, #tpu.memory_space<vmem>>)
        %dma_wait3A_151 = arith.constant 128 : i32
        %dma_wait3A_152 = arith.constant 0 : i32
        %dma_wait3A_153 = tpu.memref_slice %arg9[%dma_wait3A_151, %dma_wait3A_152] : memref<200x128xf32, #tpu.memory_space<vmem>> -> memref<72x128xf32, #tpu.memory_space<vmem>>
        %dma_wait3A_154 = arith.constant 928 : i32
        %dma_wait3A_155 = tpu.memref_slice %arg6[%dma_wait3A_154] : memref<1000xi32, #tpu.memory_space<vmem>> -> memref<72xi32, #tpu.memory_space<vmem>>
        %dma_wait3A_156 = arith.constant 0 : i32
        %dma_wait3A_157 = arith.constant 0 : i32
        %dma_wait3A_158 = tpu.memref_slice %arg4[%dma_wait3A_156, %dma_wait3A_157] : memref<100x128xf32, #tpu.memory_space<hbm>> -> memref<100x128xf32, #tpu.memory_space<hbm>>
        tpu.wait_indirect_dma semaphore(%arg12 : memref<!tpu.dma_semaphore, #tpu.memory_space<semaphore_mem>>) src(%dma_wait3A_158 : memref<100x128xf32, #tpu.memory_space<hbm>>) dst(%dma_wait3A_153 : memref<72x128xf32, #tpu.memory_space<vmem>>)
        %dma_start3A = arith.constant 0 : i32
        %dma_start3A_159 = tpu.memref_slice %arg5[%mul3A_79, %dma_start3A] : memref<100000x128xf32, #tpu.memory_space<hbm>> -> memref<200x128xf32, #tpu.memory_space<hbm>>
        %dma_start3A_160 = arith.constant 0 : i32
        %dma_start3A_161 = tpu.memref_slice %arg5[%mul3A_79, %dma_start3A_160] : memref<100000x128xf32, #tpu.memory_space<hbm>> -> memref<200x128xf32, #tpu.memory_space<hbm>>
        tpu.enqueue_dma source(%arg9 : memref<200x128xf32, #tpu.memory_space<vmem>>) target(%dma_start3A_161 : memref<200x128xf32, #tpu.memory_space<hbm>>) target_semaphore(%arg15 : memref<!tpu.dma_semaphore, #tpu.memory_space<semaphore_mem>>)
        %add3A_162 = arith.constant 3 : i32
        %add3A_163 = arith.addi %add3A_54, %add3A_162 : i32
        %sub3A_164 = arith.constant 1 : i32
        %sub3A_165 = arith.subi %add3A_163, %sub3A_164 : i32
        %lt3A_166 = arith.cmpi slt, %sub3A_165, %add3A_20 : i32
        %convert_element_type3A_167 = arith.extui %lt3A_166 : i1 to i32
        %cond3A_168 = arith.constant 0 : i32
        %cond3A_169 = arith.cmpi ne, %convert_element_type3A_167, %cond3A_168 : i32
        scf.if %cond3A_169 {
          %add3A_170 = arith.constant 3 : i32
          %add3A_171 = arith.addi %add3A_54, %add3A_170 : i32
          %sub3A_172 = arith.constant 1 : i32
          %sub3A_173 = arith.subi %add3A_171, %sub3A_172 : i32
          %mul3A_174 = arith.constant 32 : i32
          %mul3A_175 = arith.muli %mul3A_174, %sub3A_173 : i32
          %add3A_176 = arith.addi %add3A, %mul3A_175 : i32
          %mul3A_177 = arith.constant 200 : i32
          %mul3A_178 = arith.muli %add3A_176, %mul3A_177 : i32
          %ge3A = arith.constant 3 : i32
          %ge3A_179 = arith.cmpi sge, %sub3A_173, %ge3A : i32
          %convert_element_type3A_180 = arith.extui %ge3A_179 : i1 to i32
          %cond3A_181 = arith.constant 0 : i32
          %cond3A_182 = arith.cmpi ne, %convert_element_type3A_180, %cond3A_181 : i32
          scf.if %cond3A_182 {
            %dma_wait3A_281 = arith.constant 0 : i32
            %dma_wait3A_282 = arith.constant 0 : i32
            %dma_wait3A_283 = tpu.memref_slice %arg5[%dma_wait3A_281, %dma_wait3A_282] : memref<100000x128xf32, #tpu.memory_space<hbm>> -> memref<200x128xf32, #tpu.memory_space<hbm>>
            %dma_wait3A_284 = arith.constant 0 : i32
            %dma_wait3A_285 = arith.constant 0 : i32
            %dma_wait3A_286 = tpu.memref_slice %arg5[%dma_wait3A_284, %dma_wait3A_285] : memref<100000x128xf32, #tpu.memory_space<hbm>> -> memref<200x128xf32, #tpu.memory_space<hbm>>
            tpu.wait_dma2 semaphore(%arg17 : memref<!tpu.dma_semaphore, #tpu.memory_space<semaphore_mem>>) src(%arg11 : memref<200x128xf32, #tpu.memory_space<vmem>>) dst(%dma_wait3A_286 : memref<200x128xf32, #tpu.memory_space<hbm>>)
          } else {
          }
          %broadcast_in_dim3A = arith.constant 0.000000e+00 : f32
          %broadcast_in_dim3A_183 = vector.broadcast %broadcast_in_dim3A : f32 to vector<16xf32>
          %scan3A_184 = arith.constant 0 : i32
          %scan3A_185 = arith.constant 0 : i32
          %scan3A_186 = arith.constant 200 : i32
          %scan3A_187 = arith.addi %scan3A_185, %scan3A_186 : i32
          %scan3A_188 = arith.constant 1 : i32
          %scan3A_189 = scf.for %scan3A_281 = %scan3A_185 to %scan3A_187 step %scan3A_188 iter_args(%scan3A_282 = %scan3A_184) -> (i32)  : i32 {
            %swap3A = arith.index_cast %scan3A_281 : i32 to index
            %swap3A_283 = arith.constant 0 : index
            %swap3A_284 = tpu.vector_load %arg11[%swap3A, %swap3A_283] {strides = array<i32>} : memref<200x128xf32, #tpu.memory_space<vmem>>, vector<1x16xf32>,
            %swap3A_285 = vector.shape_cast %swap3A_284 : vector<1x16xf32> to vector<16xf32>
            %swap3A_286 = vector.shape_cast %broadcast_in_dim3A_183 : vector<16xf32> to vector<1x16xf32>
            tpu.vector_store %arg11[%swap3A, %swap3A_283], %swap3A_286 {strides = array<i32>} : memref<200x128xf32, #tpu.memory_space<vmem>>, vector<1x16xf32>,
            %swap3A_287 = arith.index_cast %scan3A_281 : i32 to index
            %swap3A_288 = arith.constant 16 : index
            %swap3A_289 = tpu.vector_load %arg11[%swap3A_287, %swap3A_288] {strides = array<i32>} : memref<200x128xf32, #tpu.memory_space<vmem>>, vector<1x16xf32>,
            %swap3A_290 = vector.shape_cast %swap3A_289 : vector<1x16xf32> to vector<16xf32>
            %swap3A_291 = vector.shape_cast %broadcast_in_dim3A_183 : vector<16xf32> to vector<1x16xf32>
            tpu.vector_store %arg11[%swap3A_287, %swap3A_288], %swap3A_291 {strides = array<i32>} : memref<200x128xf32, #tpu.memory_space<vmem>>, vector<1x16xf32>,
            %swap3A_292 = arith.index_cast %scan3A_281 : i32 to index
            %swap3A_293 = arith.constant 32 : index
            %swap3A_294 = tpu.vector_load %arg11[%swap3A_292, %swap3A_293] {strides = array<i32>} : memref<200x128xf32, #tpu.memory_space<vmem>>, vector<1x16xf32>,
            %swap3A_295 = vector.shape_cast %swap3A_294 : vector<1x16xf32> to vector<16xf32>
            %swap3A_296 = vector.shape_cast %broadcast_in_dim3A_183 : vector<16xf32> to vector<1x16xf32>
            tpu.vector_store %arg11[%swap3A_292, %swap3A_293], %swap3A_296 {strides = array<i32>} : memref<200x128xf32, #tpu.memory_space<vmem>>, vector<1x16xf32>,
            %swap3A_297 = arith.index_cast %scan3A_281 : i32 to index
            %swap3A_298 = arith.constant 48 : index
            %swap3A_299 = tpu.vector_load %arg11[%swap3A_297, %swap3A_298] {strides = array<i32>} : memref<200x128xf32, #tpu.memory_space<vmem>>, vector<1x16xf32>,
            %swap3A_300 = vector.shape_cast %swap3A_299 : vector<1x16xf32> to vector<16xf32>
            %swap3A_301 = vector.shape_cast %broadcast_in_dim3A_183 : vector<16xf32> to vector<1x16xf32>
            tpu.vector_store %arg11[%swap3A_297, %swap3A_298], %swap3A_301 {strides = array<i32>} : memref<200x128xf32, #tpu.memory_space<vmem>>, vector<1x16xf32>,
            %swap3A_302 = arith.index_cast %scan3A_281 : i32 to index
            %swap3A_303 = arith.constant 64 : index
            %swap3A_304 = tpu.vector_load %arg11[%swap3A_302, %swap3A_303] {strides = array<i32>} : memref<200x128xf32, #tpu.memory_space<vmem>>, vector<1x16xf32>,
            %swap3A_305 = vector.shape_cast %swap3A_304 : vector<1x16xf32> to vector<16xf32>
            %swap3A_306 = vector.shape_cast %broadcast_in_dim3A_183 : vector<16xf32> to vector<1x16xf32>
            tpu.vector_store %arg11[%swap3A_302, %swap3A_303], %swap3A_306 {strides = array<i32>} : memref<200x128xf32, #tpu.memory_space<vmem>>, vector<1x16xf32>,
            %swap3A_307 = arith.index_cast %scan3A_281 : i32 to index
            %swap3A_308 = arith.constant 80 : index
            %swap3A_309 = tpu.vector_load %arg11[%swap3A_307, %swap3A_308] {strides = array<i32>} : memref<200x128xf32, #tpu.memory_space<vmem>>, vector<1x16xf32>,
            %swap3A_310 = vector.shape_cast %swap3A_309 : vector<1x16xf32> to vector<16xf32>
            %swap3A_311 = vector.shape_cast %broadcast_in_dim3A_183 : vector<16xf32> to vector<1x16xf32>
            tpu.vector_store %arg11[%swap3A_307, %swap3A_308], %swap3A_311 {strides = array<i32>} : memref<200x128xf32, #tpu.memory_space<vmem>>, vector<1x16xf32>,
            %swap3A_312 = arith.index_cast %scan3A_281 : i32 to index
            %swap3A_313 = arith.constant 96 : index
            %swap3A_314 = tpu.vector_load %arg11[%swap3A_312, %swap3A_313] {strides = array<i32>} : memref<200x128xf32, #tpu.memory_space<vmem>>, vector<1x16xf32>,
            %swap3A_315 = vector.shape_cast %swap3A_314 : vector<1x16xf32> to vector<16xf32>
            %swap3A_316 = vector.shape_cast %broadcast_in_dim3A_183 : vector<16xf32> to vector<1x16xf32>
            tpu.vector_store %arg11[%swap3A_312, %swap3A_313], %swap3A_316 {strides = array<i32>} : memref<200x128xf32, #tpu.memory_space<vmem>>, vector<1x16xf32>,
            %swap3A_317 = arith.index_cast %scan3A_281 : i32 to index
            %swap3A_318 = arith.constant 112 : index
            %swap3A_319 = tpu.vector_load %arg11[%swap3A_317, %swap3A_318] {strides = array<i32>} : memref<200x128xf32, #tpu.memory_space<vmem>>, vector<1x16xf32>,
            %swap3A_320 = vector.shape_cast %swap3A_319 : vector<1x16xf32> to vector<16xf32>
            %swap3A_321 = vector.shape_cast %broadcast_in_dim3A_183 : vector<16xf32> to vector<1x16xf32>
            tpu.vector_store %arg11[%swap3A_317, %swap3A_318], %swap3A_321 {strides = array<i32>} : memref<200x128xf32, #tpu.memory_space<vmem>>, vector<1x16xf32>,
            %scan3A_322 = arith.constant 0 : i32
            scf.yield %scan3A_322 : i32
          }
          %scan3A_190 = arith.constant 200 : i32
          %add3A_191 = arith.constant 0 : i32
          %add3A_192 = arith.addi %add3A_191, %mul3A_178 : i32
          "tpu.region"() ({
            %run_scoped3A = tpu.sem_alloc : memref<!tpu.dma_semaphore, #tpu.memory_space<semaphore_mem>>
            %dma_start3A_281 = arith.constant 0 : i32
            %dma_start3A_282 = tpu.memref_slice %arg8[%dma_start3A_281] : memref<1000xi32, #tpu.memory_space<vmem>> -> memref<200xi32, #tpu.memory_space<vmem>>
            %dma_start3A_283 = tpu.memref_slice %arg2[%add3A_192] : memref<500000xi32, #tpu.memory_space<hbm>> -> memref<200xi32, #tpu.memory_space<hbm>>
            %dma_start3A_284 = arith.constant 0 : i32
            %dma_start3A_285 = tpu.memref_slice %arg8[%dma_start3A_284] : memref<1000xi32, #tpu.memory_space<vmem>> -> memref<200xi32, #tpu.memory_space<vmem>>
            %dma_start3A_286 = tpu.memref_slice %arg2[%add3A_192] : memref<500000xi32, #tpu.memory_space<hbm>> -> memref<200xi32, #tpu.memory_space<hbm>>
            tpu.enqueue_dma source(%dma_start3A_286 : memref<200xi32, #tpu.memory_space<hbm>>) target(%dma_start3A_285 : memref<200xi32, #tpu.memory_space<vmem>>) target_semaphore(%run_scoped3A : memref<!tpu.dma_semaphore, #tpu.memory_space<semaphore_mem>>)
            %dma_wait3A_287 = arith.constant 0 : i32
            %dma_wait3A_288 = tpu.memref_slice %arg8[%dma_wait3A_287] : memref<1000xi32, #tpu.memory_space<vmem>> -> memref<200xi32, #tpu.memory_space<vmem>>
            %dma_wait3A_289 = tpu.memref_slice %arg2[%add3A_192] : memref<500000xi32, #tpu.memory_space<hbm>> -> memref<200xi32, #tpu.memory_space<hbm>>
            %dma_wait3A_290 = arith.constant 0 : i32
            %dma_wait3A_291 = tpu.memref_slice %arg8[%dma_wait3A_290] : memref<1000xi32, #tpu.memory_space<vmem>> -> memref<200xi32, #tpu.memory_space<vmem>>
            %dma_wait3A_292 = tpu.memref_slice %arg2[%add3A_192] : memref<500000xi32, #tpu.memory_space<hbm>> -> memref<200xi32, #tpu.memory_space<hbm>>
            tpu.wait_dma2 semaphore(%run_scoped3A : memref<!tpu.dma_semaphore, #tpu.memory_space<semaphore_mem>>) src(%dma_wait3A_292 : memref<200xi32, #tpu.memory_space<hbm>>) dst(%dma_wait3A_291 : memref<200xi32, #tpu.memory_space<vmem>>)
            tpu.yield
          }) : () -> ()
          %add3A_193 = arith.constant 100000 : i32
          %add3A_194 = arith.addi %add3A_193, %mul3A_178 : i32
          "tpu.region"() ({
            %run_scoped3A = tpu.sem_alloc : memref<!tpu.dma_semaphore, #tpu.memory_space<semaphore_mem>>
            %dma_start3A_281 = arith.constant 200 : i32
            %dma_start3A_282 = tpu.memref_slice %arg8[%dma_start3A_281] : memref<1000xi32, #tpu.memory_space<vmem>> -> memref<200xi32, #tpu.memory_space<vmem>>
            %dma_start3A_283 = tpu.memref_slice %arg2[%add3A_194] : memref<500000xi32, #tpu.memory_space<hbm>> -> memref<200xi32, #tpu.memory_space<hbm>>
            %dma_start3A_284 = arith.constant 200 : i32
            %dma_start3A_285 = tpu.memref_slice %arg8[%dma_start3A_284] : memref<1000xi32, #tpu.memory_space<vmem>> -> memref<200xi32, #tpu.memory_space<vmem>>
            %dma_start3A_286 = tpu.memref_slice %arg2[%add3A_194] : memref<500000xi32, #tpu.memory_space<hbm>> -> memref<200xi32, #tpu.memory_space<hbm>>
            tpu.enqueue_dma source(%dma_start3A_286 : memref<200xi32, #tpu.memory_space<hbm>>) target(%dma_start3A_285 : memref<200xi32, #tpu.memory_space<vmem>>) target_semaphore(%run_scoped3A : memref<!tpu.dma_semaphore, #tpu.memory_space<semaphore_mem>>)
            %dma_wait3A_287 = arith.constant 200 : i32
            %dma_wait3A_288 = tpu.memref_slice %arg8[%dma_wait3A_287] : memref<1000xi32, #tpu.memory_space<vmem>> -> memref<200xi32, #tpu.memory_space<vmem>>
            %dma_wait3A_289 = tpu.memref_slice %arg2[%add3A_194] : memref<500000xi32, #tpu.memory_space<hbm>> -> memref<200xi32, #tpu.memory_space<hbm>>
            %dma_wait3A_290 = arith.constant 200 : i32
            %dma_wait3A_291 = tpu.memref_slice %arg8[%dma_wait3A_290] : memref<1000xi32, #tpu.memory_space<vmem>> -> memref<200xi32, #tpu.memory_space<vmem>>
            %dma_wait3A_292 = tpu.memref_slice %arg2[%add3A_194] : memref<500000xi32, #tpu.memory_space<hbm>> -> memref<200xi32, #tpu.memory_space<hbm>>
            tpu.wait_dma2 semaphore(%run_scoped3A : memref<!tpu.dma_semaphore, #tpu.memory_space<semaphore_mem>>) src(%dma_wait3A_292 : memref<200xi32, #tpu.memory_space<hbm>>) dst(%dma_wait3A_291 : memref<200xi32, #tpu.memory_space<vmem>>)
            tpu.yield
          }) : () -> ()
          %add3A_195 = arith.constant 200000 : i32
          %add3A_196 = arith.addi %add3A_195, %mul3A_178 : i32
          "tpu.region"() ({
            %run_scoped3A = tpu.sem_alloc : memref<!tpu.dma_semaphore, #tpu.memory_space<semaphore_mem>>
            %dma_start3A_281 = arith.constant 400 : i32
            %dma_start3A_282 = tpu.memref_slice %arg8[%dma_start3A_281] : memref<1000xi32, #tpu.memory_space<vmem>> -> memref<200xi32, #tpu.memory_space<vmem>>
            %dma_start3A_283 = tpu.memref_slice %arg2[%add3A_196] : memref<500000xi32, #tpu.memory_space<hbm>> -> memref<200xi32, #tpu.memory_space<hbm>>
            %dma_start3A_284 = arith.constant 400 : i32
            %dma_start3A_285 = tpu.memref_slice %arg8[%dma_start3A_284] : memref<1000xi32, #tpu.memory_space<vmem>> -> memref<200xi32, #tpu.memory_space<vmem>>
            %dma_start3A_286 = tpu.memref_slice %arg2[%add3A_196] : memref<500000xi32, #tpu.memory_space<hbm>> -> memref<200xi32, #tpu.memory_space<hbm>>
            tpu.enqueue_dma source(%dma_start3A_286 : memref<200xi32, #tpu.memory_space<hbm>>) target(%dma_start3A_285 : memref<200xi32, #tpu.memory_space<vmem>>) target_semaphore(%run_scoped3A : memref<!tpu.dma_semaphore, #tpu.memory_space<semaphore_mem>>)
            %dma_wait3A_287 = arith.constant 400 : i32
            %dma_wait3A_288 = tpu.memref_slice %arg8[%dma_wait3A_287] : memref<1000xi32, #tpu.memory_space<vmem>> -> memref<200xi32, #tpu.memory_space<vmem>>
            %dma_wait3A_289 = tpu.memref_slice %arg2[%add3A_196] : memref<500000xi32, #tpu.memory_space<hbm>> -> memref<200xi32, #tpu.memory_space<hbm>>
            %dma_wait3A_290 = arith.constant 400 : i32
            %dma_wait3A_291 = tpu.memref_slice %arg8[%dma_wait3A_290] : memref<1000xi32, #tpu.memory_space<vmem>> -> memref<200xi32, #tpu.memory_space<vmem>>
            %dma_wait3A_292 = tpu.memref_slice %arg2[%add3A_196] : memref<500000xi32, #tpu.memory_space<hbm>> -> memref<200xi32, #tpu.memory_space<hbm>>
            tpu.wait_dma2 semaphore(%run_scoped3A : memref<!tpu.dma_semaphore, #tpu.memory_space<semaphore_mem>>) src(%dma_wait3A_292 : memref<200xi32, #tpu.memory_space<hbm>>) dst(%dma_wait3A_291 : memref<200xi32, #tpu.memory_space<vmem>>)
            tpu.yield
          }) : () -> ()
          %add3A_197 = arith.constant 300000 : i32
          %add3A_198 = arith.addi %add3A_197, %mul3A_178 : i32
          "tpu.region"() ({
            %run_scoped3A = tpu.sem_alloc : memref<!tpu.dma_semaphore, #tpu.memory_space<semaphore_mem>>
            %dma_start3A_281 = arith.constant 600 : i32
            %dma_start3A_282 = tpu.memref_slice %arg8[%dma_start3A_281] : memref<1000xi32, #tpu.memory_space<vmem>> -> memref<200xi32, #tpu.memory_space<vmem>>
            %dma_start3A_283 = tpu.memref_slice %arg2[%add3A_198] : memref<500000xi32, #tpu.memory_space<hbm>> -> memref<200xi32, #tpu.memory_space<hbm>>
            %dma_start3A_284 = arith.constant 600 : i32
            %dma_start3A_285 = tpu.memref_slice %arg8[%dma_start3A_284] : memref<1000xi32, #tpu.memory_space<vmem>> -> memref<200xi32, #tpu.memory_space<vmem>>
            %dma_start3A_286 = tpu.memref_slice %arg2[%add3A_198] : memref<500000xi32, #tpu.memory_space<hbm>> -> memref<200xi32, #tpu.memory_space<hbm>>
            tpu.enqueue_dma source(%dma_start3A_286 : memref<200xi32, #tpu.memory_space<hbm>>) target(%dma_start3A_285 : memref<200xi32, #tpu.memory_space<vmem>>) target_semaphore(%run_scoped3A : memref<!tpu.dma_semaphore, #tpu.memory_space<semaphore_mem>>)
            %dma_wait3A_287 = arith.constant 600 : i32
            %dma_wait3A_288 = tpu.memref_slice %arg8[%dma_wait3A_287] : memref<1000xi32, #tpu.memory_space<vmem>> -> memref<200xi32, #tpu.memory_space<vmem>>
            %dma_wait3A_289 = tpu.memref_slice %arg2[%add3A_198] : memref<500000xi32, #tpu.memory_space<hbm>> -> memref<200xi32, #tpu.memory_space<hbm>>
            %dma_wait3A_290 = arith.constant 600 : i32
            %dma_wait3A_291 = tpu.memref_slice %arg8[%dma_wait3A_290] : memref<1000xi32, #tpu.memory_space<vmem>> -> memref<200xi32, #tpu.memory_space<vmem>>
            %dma_wait3A_292 = tpu.memref_slice %arg2[%add3A_198] : memref<500000xi32, #tpu.memory_space<hbm>> -> memref<200xi32, #tpu.memory_space<hbm>>
            tpu.wait_dma2 semaphore(%run_scoped3A : memref<!tpu.dma_semaphore, #tpu.memory_space<semaphore_mem>>) src(%dma_wait3A_292 : memref<200xi32, #tpu.memory_space<hbm>>) dst(%dma_wait3A_291 : memref<200xi32, #tpu.memory_space<vmem>>)
            tpu.yield
          }) : () -> ()
          %add3A_199 = arith.constant 400000 : i32
          %add3A_200 = arith.addi %add3A_199, %mul3A_178 : i32
          "tpu.region"() ({
            %run_scoped3A = tpu.sem_alloc : memref<!tpu.dma_semaphore, #tpu.memory_space<semaphore_mem>>
            %dma_start3A_281 = arith.constant 800 : i32
            %dma_start3A_282 = tpu.memref_slice %arg8[%dma_start3A_281] : memref<1000xi32, #tpu.memory_space<vmem>> -> memref<200xi32, #tpu.memory_space<vmem>>
            %dma_start3A_283 = tpu.memref_slice %arg2[%add3A_200] : memref<500000xi32, #tpu.memory_space<hbm>> -> memref<200xi32, #tpu.memory_space<hbm>>
            %dma_start3A_284 = arith.constant 800 : i32
            %dma_start3A_285 = tpu.memref_slice %arg8[%dma_start3A_284] : memref<1000xi32, #tpu.memory_space<vmem>> -> memref<200xi32, #tpu.memory_space<vmem>>
            %dma_start3A_286 = tpu.memref_slice %arg2[%add3A_200] : memref<500000xi32, #tpu.memory_space<hbm>> -> memref<200xi32, #tpu.memory_space<hbm>>
            tpu.enqueue_dma source(%dma_start3A_286 : memref<200xi32, #tpu.memory_space<hbm>>) target(%dma_start3A_285 : memref<200xi32, #tpu.memory_space<vmem>>) target_semaphore(%run_scoped3A : memref<!tpu.dma_semaphore, #tpu.memory_space<semaphore_mem>>)
            %dma_wait3A_287 = arith.constant 800 : i32
            %dma_wait3A_288 = tpu.memref_slice %arg8[%dma_wait3A_287] : memref<1000xi32, #tpu.memory_space<vmem>> -> memref<200xi32, #tpu.memory_space<vmem>>
            %dma_wait3A_289 = tpu.memref_slice %arg2[%add3A_200] : memref<500000xi32, #tpu.memory_space<hbm>> -> memref<200xi32, #tpu.memory_space<hbm>>
            %dma_wait3A_290 = arith.constant 800 : i32
            %dma_wait3A_291 = tpu.memref_slice %arg8[%dma_wait3A_290] : memref<1000xi32, #tpu.memory_space<vmem>> -> memref<200xi32, #tpu.memory_space<vmem>>
            %dma_wait3A_292 = tpu.memref_slice %arg2[%add3A_200] : memref<500000xi32, #tpu.memory_space<hbm>> -> memref<200xi32, #tpu.memory_space<hbm>>
            tpu.wait_dma2 semaphore(%run_scoped3A : memref<!tpu.dma_semaphore, #tpu.memory_space<semaphore_mem>>) src(%dma_wait3A_292 : memref<200xi32, #tpu.memory_space<hbm>>) dst(%dma_wait3A_291 : memref<200xi32, #tpu.memory_space<vmem>>)
            tpu.yield
          }) : () -> ()
          %dma_start3A_201 = arith.constant 0 : i32
          %dma_start3A_202 = arith.constant 0 : i32
          %dma_start3A_203 = tpu.memref_slice %arg11[%dma_start3A_201, %dma_start3A_202] : memref<200x128xf32, #tpu.memory_space<vmem>> -> memref<128x128xf32, #tpu.memory_space<vmem>>
          %dma_start3A_204 = arith.constant 0 : i32
          %dma_start3A_205 = tpu.memref_slice %arg8[%dma_start3A_204] : memref<1000xi32, #tpu.memory_space<vmem>> -> memref<128xi32, #tpu.memory_space<vmem>>
          %dma_start3A_206 = arith.constant 0 : i32
          %dma_start3A_207 = arith.constant 0 : i32
          %dma_start3A_208 = tpu.memref_slice %arg3[%dma_start3A_206, %dma_start3A_207] : memref<40000x128xf32, #tpu.memory_space<hbm>> -> memref<40000x128xf32, #tpu.memory_space<hbm>>
          tpu.enqueue_indirect_dma source(%dma_start3A_208 : memref<40000x128xf32, #tpu.memory_space<hbm>>) target(%dma_start3A_203 : memref<128x128xf32, #tpu.memory_space<vmem>>) offsets(%dma_start3A_205 : memref<128xi32, #tpu.memory_space<vmem>>) semaphore(%arg14 : memref<!tpu.dma_semaphore, #tpu.memory_space<semaphore_mem>>) {add = true}
          %dma_start3A_209 = arith.constant 128 : i32
          %dma_start3A_210 = arith.constant 0 : i32
          %dma_start3A_211 = tpu.memref_slice %arg11[%dma_start3A_209, %dma_start3A_210] : memref<200x128xf32, #tpu.memory_space<vmem>> -> memref<72x128xf32, #tpu.memory_space<vmem>>
          %dma_start3A_212 = arith.constant 128 : i32
          %dma_start3A_213 = tpu.memref_slice %arg8[%dma_start3A_212] : memref<1000xi32, #tpu.memory_space<vmem>> -> memref<72xi32, #tpu.memory_space<vmem>>
          %dma_start3A_214 = arith.constant 0 : i32
          %dma_start3A_215 = arith.constant 0 : i32
          %dma_start3A_216 = tpu.memref_slice %arg3[%dma_start3A_214, %dma_start3A_215] : memref<40000x128xf32, #tpu.memory_space<hbm>> -> memref<40000x128xf32, #tpu.memory_space<hbm>>
          tpu.enqueue_indirect_dma source(%dma_start3A_216 : memref<40000x128xf32, #tpu.memory_space<hbm>>) target(%dma_start3A_211 : memref<72x128xf32, #tpu.memory_space<vmem>>) offsets(%dma_start3A_213 : memref<72xi32, #tpu.memory_space<vmem>>) semaphore(%arg14 : memref<!tpu.dma_semaphore, #tpu.memory_space<semaphore_mem>>) {add = true}
          %dma_start3A_217 = arith.constant 0 : i32
          %dma_start3A_218 = arith.constant 0 : i32
          %dma_start3A_219 = tpu.memref_slice %arg11[%dma_start3A_217, %dma_start3A_218] : memref<200x128xf32, #tpu.memory_space<vmem>> -> memref<128x128xf32, #tpu.memory_space<vmem>>
          %dma_start3A_220 = arith.constant 200 : i32
          %dma_start3A_221 = tpu.memref_slice %arg8[%dma_start3A_220] : memref<1000xi32, #tpu.memory_space<vmem>> -> memref<128xi32, #tpu.memory_space<vmem>>
          %dma_start3A_222 = arith.constant 0 : i32
          %dma_start3A_223 = arith.constant 0 : i32
          %dma_start3A_224 = tpu.memref_slice %arg3[%dma_start3A_222, %dma_start3A_223] : memref<40000x128xf32, #tpu.memory_space<hbm>> -> memref<40000x128xf32, #tpu.memory_space<hbm>>
          tpu.enqueue_indirect_dma source(%dma_start3A_224 : memref<40000x128xf32, #tpu.memory_space<hbm>>) target(%dma_start3A_219 : memref<128x128xf32, #tpu.memory_space<vmem>>) offsets(%dma_start3A_221 : memref<128xi32, #tpu.memory_space<vmem>>) semaphore(%arg14 : memref<!tpu.dma_semaphore, #tpu.memory_space<semaphore_mem>>) {add = true}
          %dma_start3A_225 = arith.constant 128 : i32
          %dma_start3A_226 = arith.constant 0 : i32
          %dma_start3A_227 = tpu.memref_slice %arg11[%dma_start3A_225, %dma_start3A_226] : memref<200x128xf32, #tpu.memory_space<vmem>> -> memref<72x128xf32, #tpu.memory_space<vmem>>
          %dma_start3A_228 = arith.constant 328 : i32
          %dma_start3A_229 = tpu.memref_slice %arg8[%dma_start3A_228] : memref<1000xi32, #tpu.memory_space<vmem>> -> memref<72xi32, #tpu.memory_space<vmem>>
          %dma_start3A_230 = arith.constant 0 : i32
          %dma_start3A_231 = arith.constant 0 : i32
          %dma_start3A_232 = tpu.memref_slice %arg3[%dma_start3A_230, %dma_start3A_231] : memref<40000x128xf32, #tpu.memory_space<hbm>> -> memref<40000x128xf32, #tpu.memory_space<hbm>>
          tpu.enqueue_indirect_dma source(%dma_start3A_232 : memref<40000x128xf32, #tpu.memory_space<hbm>>) target(%dma_start3A_227 : memref<72x128xf32, #tpu.memory_space<vmem>>) offsets(%dma_start3A_229 : memref<72xi32, #tpu.memory_space<vmem>>) semaphore(%arg14 : memref<!tpu.dma_semaphore, #tpu.memory_space<semaphore_mem>>) {add = true}
          %dma_start3A_233 = arith.constant 0 : i32
          %dma_start3A_234 = arith.constant 0 : i32
          %dma_start3A_235 = tpu.memref_slice %arg11[%dma_start3A_233, %dma_start3A_234] : memref<200x128xf32, #tpu.memory_space<vmem>> -> memref<128x128xf32, #tpu.memory_space<vmem>>
          %dma_start3A_236 = arith.constant 400 : i32
          %dma_start3A_237 = tpu.memref_slice %arg8[%dma_start3A_236] : memref<1000xi32, #tpu.memory_space<vmem>> -> memref<128xi32, #tpu.memory_space<vmem>>
          %dma_start3A_238 = arith.constant 0 : i32
          %dma_start3A_239 = arith.constant 0 : i32
          %dma_start3A_240 = tpu.memref_slice %arg3[%dma_start3A_238, %dma_start3A_239] : memref<40000x128xf32, #tpu.memory_space<hbm>> -> memref<40000x128xf32, #tpu.memory_space<hbm>>
          tpu.enqueue_indirect_dma source(%dma_start3A_240 : memref<40000x128xf32, #tpu.memory_space<hbm>>) target(%dma_start3A_235 : memref<128x128xf32, #tpu.memory_space<vmem>>) offsets(%dma_start3A_237 : memref<128xi32, #tpu.memory_space<vmem>>) semaphore(%arg14 : memref<!tpu.dma_semaphore, #tpu.memory_space<semaphore_mem>>) {add = true}
          %dma_start3A_241 = arith.constant 128 : i32
          %dma_start3A_242 = arith.constant 0 : i32
          %dma_start3A_243 = tpu.memref_slice %arg11[%dma_start3A_241, %dma_start3A_242] : memref<200x128xf32, #tpu.memory_space<vmem>> -> memref<72x128xf32, #tpu.memory_space<vmem>>
          %dma_start3A_244 = arith.constant 528 : i32
          %dma_start3A_245 = tpu.memref_slice %arg8[%dma_start3A_244] : memref<1000xi32, #tpu.memory_space<vmem>> -> memref<72xi32, #tpu.memory_space<vmem>>
          %dma_start3A_246 = arith.constant 0 : i32
          %dma_start3A_247 = arith.constant 0 : i32
          %dma_start3A_248 = tpu.memref_slice %arg3[%dma_start3A_246, %dma_start3A_247] : memref<40000x128xf32, #tpu.memory_space<hbm>> -> memref<40000x128xf32, #tpu.memory_space<hbm>>
          tpu.enqueue_indirect_dma source(%dma_start3A_248 : memref<40000x128xf32, #tpu.memory_space<hbm>>) target(%dma_start3A_243 : memref<72x128xf32, #tpu.memory_space<vmem>>) offsets(%dma_start3A_245 : memref<72xi32, #tpu.memory_space<vmem>>) semaphore(%arg14 : memref<!tpu.dma_semaphore, #tpu.memory_space<semaphore_mem>>) {add = true}
          %dma_start3A_249 = arith.constant 0 : i32
          %dma_start3A_250 = arith.constant 0 : i32
          %dma_start3A_251 = tpu.memref_slice %arg11[%dma_start3A_249, %dma_start3A_250] : memref<200x128xf32, #tpu.memory_space<vmem>> -> memref<128x128xf32, #tpu.memory_space<vmem>>
          %dma_start3A_252 = arith.constant 600 : i32
          %dma_start3A_253 = tpu.memref_slice %arg8[%dma_start3A_252] : memref<1000xi32, #tpu.memory_space<vmem>> -> memref<128xi32, #tpu.memory_space<vmem>>
          %dma_start3A_254 = arith.constant 0 : i32
          %dma_start3A_255 = arith.constant 0 : i32
          %dma_start3A_256 = tpu.memref_slice %arg3[%dma_start3A_254, %dma_start3A_255] : memref<40000x128xf32, #tpu.memory_space<hbm>> -> memref<40000x128xf32, #tpu.memory_space<hbm>>
          tpu.enqueue_indirect_dma source(%dma_start3A_256 : memref<40000x128xf32, #tpu.memory_space<hbm>>) target(%dma_start3A_251 : memref<128x128xf32, #tpu.memory_space<vmem>>) offsets(%dma_start3A_253 : memref<128xi32, #tpu.memory_space<vmem>>) semaphore(%arg14 : memref<!tpu.dma_semaphore, #tpu.memory_space<semaphore_mem>>) {add = true}
          %dma_start3A_257 = arith.constant 128 : i32
          %dma_start3A_258 = arith.constant 0 : i32
          %dma_start3A_259 = tpu.memref_slice %arg11[%dma_start3A_257, %dma_start3A_258] : memref<200x128xf32, #tpu.memory_space<vmem>> -> memref<72x128xf32, #tpu.memory_space<vmem>>
          %dma_start3A_260 = arith.constant 728 : i32
          %dma_start3A_261 = tpu.memref_slice %arg8[%dma_start3A_260] : memref<1000xi32, #tpu.memory_space<vmem>> -> memref<72xi32, #tpu.memory_space<vmem>>
          %dma_start3A_262 = arith.constant 0 : i32
          %dma_start3A_263 = arith.constant 0 : i32
          %dma_start3A_264 = tpu.memref_slice %arg3[%dma_start3A_262, %dma_start3A_263] : memref<40000x128xf32, #tpu.memory_space<hbm>> -> memref<40000x128xf32, #tpu.memory_space<hbm>>
          tpu.enqueue_indirect_dma source(%dma_start3A_264 : memref<40000x128xf32, #tpu.memory_space<hbm>>) target(%dma_start3A_259 : memref<72x128xf32, #tpu.memory_space<vmem>>) offsets(%dma_start3A_261 : memref<72xi32, #tpu.memory_space<vmem>>) semaphore(%arg14 : memref<!tpu.dma_semaphore, #tpu.memory_space<semaphore_mem>>) {add = true}
          %dma_start3A_265 = arith.constant 0 : i32
          %dma_start3A_266 = arith.constant 0 : i32
          %dma_start3A_267 = tpu.memref_slice %arg11[%dma_start3A_265, %dma_start3A_266] : memref<200x128xf32, #tpu.memory_space<vmem>> -> memref<128x128xf32, #tpu.memory_space<vmem>>
          %dma_start3A_268 = arith.constant 800 : i32
          %dma_start3A_269 = tpu.memref_slice %arg8[%dma_start3A_268] : memref<1000xi32, #tpu.memory_space<vmem>> -> memref<128xi32, #tpu.memory_space<vmem>>
          %dma_start3A_270 = arith.constant 0 : i32
          %dma_start3A_271 = arith.constant 0 : i32
          %dma_start3A_272 = tpu.memref_slice %arg4[%dma_start3A_270, %dma_start3A_271] : memref<100x128xf32, #tpu.memory_space<hbm>> -> memref<100x128xf32, #tpu.memory_space<hbm>>
          tpu.enqueue_indirect_dma source(%dma_start3A_272 : memref<100x128xf32, #tpu.memory_space<hbm>>) target(%dma_start3A_267 : memref<128x128xf32, #tpu.memory_space<vmem>>) offsets(%dma_start3A_269 : memref<128xi32, #tpu.memory_space<vmem>>) semaphore(%arg14 : memref<!tpu.dma_semaphore, #tpu.memory_space<semaphore_mem>>) {add = true}
          %dma_start3A_273 = arith.constant 128 : i32
          %dma_start3A_274 = arith.constant 0 : i32
          %dma_start3A_275 = tpu.memref_slice %arg11[%dma_start3A_273, %dma_start3A_274] : memref<200x128xf32, #tpu.memory_space<vmem>> -> memref<72x128xf32, #tpu.memory_space<vmem>>
          %dma_start3A_276 = arith.constant 928 : i32
          %dma_start3A_277 = tpu.memref_slice %arg8[%dma_start3A_276] : memref<1000xi32, #tpu.memory_space<vmem>> -> memref<72xi32, #tpu.memory_space<vmem>>
          %dma_start3A_278 = arith.constant 0 : i32
          %dma_start3A_279 = arith.constant 0 : i32
          %dma_start3A_280 = tpu.memref_slice %arg4[%dma_start3A_278, %dma_start3A_279] : memref<100x128xf32, #tpu.memory_space<hbm>> -> memref<100x128xf32, #tpu.memory_space<hbm>>
          tpu.enqueue_indirect_dma source(%dma_start3A_280 : memref<100x128xf32, #tpu.memory_space<hbm>>) target(%dma_start3A_275 : memref<72x128xf32, #tpu.memory_space<vmem>>) offsets(%dma_start3A_277 : memref<72xi32, #tpu.memory_space<vmem>>) semaphore(%arg14 : memref<!tpu.dma_semaphore, #tpu.memory_space<semaphore_mem>>) {add = true}
        } else {
        }
      } else {
      }
      %mul3A_58 = arith.constant 3 : i32
      %mul3A_59 = arith.muli %mul3A_58, %scan3A_49 : i32
      %add3A_60 = arith.constant 1 : i32
      %add3A_61 = arith.addi %mul3A_59, %add3A_60 : i32
      %lt3A_62 = arith.cmpi slt, %add3A_61, %add3A_20 : i32
      %convert_element_type3A_63 = arith.extui %lt3A_62 : i1 to i32
      %cond3A_64 = arith.constant 0 : i32
      %cond3A_65 = arith.cmpi ne, %convert_element_type3A_63, %cond3A_64 : i32
      scf.if %cond3A_65 {
        %mul3A_75 = arith.constant 32 : i32
        %mul3A_76 = arith.muli %mul3A_75, %add3A_61 : i32
        %add3A_77 = arith.addi %add3A, %mul3A_76 : i32
        %mul3A_78 = arith.constant 200 : i32
        %mul3A_79 = arith.muli %add3A_77, %mul3A_78 : i32
        %dma_wait3A = arith.constant 0 : i32
        %dma_wait3A_80 = arith.constant 0 : i32
        %dma_wait3A_81 = tpu.memref_slice %arg10[%dma_wait3A, %dma_wait3A_80] : memref<200x128xf32, #tpu.memory_space<vmem>> -> memref<128x128xf32, #tpu.memory_space<vmem>>
        %dma_wait3A_82 = arith.constant 0 : i32
        %dma_wait3A_83 = tpu.memref_slice %arg7[%dma_wait3A_82] : memref<1000xi32, #tpu.memory_space<vmem>> -> memref<128xi32, #tpu.memory_space<vmem>>
        %dma_wait3A_84 = arith.constant 0 : i32
        %dma_wait3A_85 = arith.constant 0 : i32
        %dma_wait3A_86 = tpu.memref_slice %arg3[%dma_wait3A_84, %dma_wait3A_85] : memref<40000x128xf32, #tpu.memory_space<hbm>> -> memref<40000x128xf32, #tpu.memory_space<hbm>>
        tpu.wait_indirect_dma semaphore(%arg13 : memref<!tpu.dma_semaphore, #tpu.memory_space<semaphore_mem>>) src(%dma_wait3A_86 : memref<40000x128xf32, #tpu.memory_space<hbm>>) dst(%dma_wait3A_81 : memref<128x128xf32, #tpu.memory_space<vmem>>)
        %dma_wait3A_87 = arith.constant 128 : i32
        %dma_wait3A_88 = arith.constant 0 : i32
        %dma_wait3A_89 = tpu.memref_slice %arg10[%dma_wait3A_87, %dma_wait3A_88] : memref<200x128xf32, #tpu.memory_space<vmem>> -> memref<72x128xf32, #tpu.memory_space<vmem>>
        %dma_wait3A_90 = arith.constant 128 : i32
        %dma_wait3A_91 = tpu.memref_slice %arg7[%dma_wait3A_90] : memref<1000xi32, #tpu.memory_space<vmem>> -> memref<72xi32, #tpu.memory_space<vmem>>
        %dma_wait3A_92 = arith.constant 0 : i32
        %dma_wait3A_93 = arith.constant 0 : i32
        %dma_wait3A_94 = tpu.memref_slice %arg3[%dma_wait3A_92, %dma_wait3A_93] : memref<40000x128xf32, #tpu.memory_space<hbm>> -> memref<40000x128xf32, #tpu.memory_space<hbm>>
        tpu.wait_indirect_dma semaphore(%arg13 : memref<!tpu.dma_semaphore, #tpu.memory_space<semaphore_mem>>) src(%dma_wait3A_94 : memref<40000x128xf32, #tpu.memory_space<hbm>>) dst(%dma_wait3A_89 : memref<72x128xf32, #tpu.memory_space<vmem>>)
        %dma_wait3A_95 = arith.constant 0 : i32
        %dma_wait3A_96 = arith.constant 0 : i32
        %dma_wait3A_97 = tpu.memref_slice %arg10[%dma_wait3A_95, %dma_wait3A_96] : memref<200x128xf32, #tpu.memory_space<vmem>> -> memref<128x128xf32, #tpu.memory_space<vmem>>
        %dma_wait3A_98 = arith.constant 200 : i32
        %dma_wait3A_99 = tpu.memref_slice %arg7[%dma_wait3A_98] : memref<1000xi32, #tpu.memory_space<vmem>> -> memref<128xi32, #tpu.memory_space<vmem>>
        %dma_wait3A_100 = arith.constant 0 : i32
        %dma_wait3A_101 = arith.constant 0 : i32
        %dma_wait3A_102 = tpu.memref_slice %arg3[%dma_wait3A_100, %dma_wait3A_101] : memref<40000x128xf32, #tpu.memory_space<hbm>> -> memref<40000x128xf32, #tpu.memory_space<hbm>>
        tpu.wait_indirect_dma semaphore(%arg13 : memref<!tpu.dma_semaphore, #tpu.memory_space<semaphore_mem>>) src(%dma_wait3A_102 : memref<40000x128xf32, #tpu.memory_space<hbm>>) dst(%dma_wait3A_97 : memref<128x128xf32, #tpu.memory_space<vmem>>)
        %dma_wait3A_103 = arith.constant 128 : i32
        %dma_wait3A_104 = arith.constant 0 : i32
        %dma_wait3A_105 = tpu.memref_slice %arg10[%dma_wait3A_103, %dma_wait3A_104] : memref<200x128xf32, #tpu.memory_space<vmem>> -> memref<72x128xf32, #tpu.memory_space<vmem>>
        %dma_wait3A_106 = arith.constant 328 : i32
        %dma_wait3A_107 = tpu.memref_slice %arg7[%dma_wait3A_106] : memref<1000xi32, #tpu.memory_space<vmem>> -> memref<72xi32, #tpu.memory_space<vmem>>
        %dma_wait3A_108 = arith.constant 0 : i32
        %dma_wait3A_109 = arith.constant 0 : i32
        %dma_wait3A_110 = tpu.memref_slice %arg3[%dma_wait3A_108, %dma_wait3A_109] : memref<40000x128xf32, #tpu.memory_space<hbm>> -> memref<40000x128xf32, #tpu.memory_space<hbm>>
        tpu.wait_indirect_dma semaphore(%arg13 : memref<!tpu.dma_semaphore, #tpu.memory_space<semaphore_mem>>) src(%dma_wait3A_110 : memref<40000x128xf32, #tpu.memory_space<hbm>>) dst(%dma_wait3A_105 : memref<72x128xf32, #tpu.memory_space<vmem>>)
        %dma_wait3A_111 = arith.constant 0 : i32
        %dma_wait3A_112 = arith.constant 0 : i32
        %dma_wait3A_113 = tpu.memref_slice %arg10[%dma_wait3A_111, %dma_wait3A_112] : memref<200x128xf32, #tpu.memory_space<vmem>> -> memref<128x128xf32, #tpu.memory_space<vmem>>
        %dma_wait3A_114 = arith.constant 400 : i32
        %dma_wait3A_115 = tpu.memref_slice %arg7[%dma_wait3A_114] : memref<1000xi32, #tpu.memory_space<vmem>> -> memref<128xi32, #tpu.memory_space<vmem>>
        %dma_wait3A_116 = arith.constant 0 : i32
        %dma_wait3A_117 = arith.constant 0 : i32
        %dma_wait3A_118 = tpu.memref_slice %arg3[%dma_wait3A_116, %dma_wait3A_117] : memref<40000x128xf32, #tpu.memory_space<hbm>> -> memref<40000x128xf32, #tpu.memory_space<hbm>>
        tpu.wait_indirect_dma semaphore(%arg13 : memref<!tpu.dma_semaphore, #tpu.memory_space<semaphore_mem>>) src(%dma_wait3A_118 : memref<40000x128xf32, #tpu.memory_space<hbm>>) dst(%dma_wait3A_113 : memref<128x128xf32, #tpu.memory_space<vmem>>)
        %dma_wait3A_119 = arith.constant 128 : i32
        %dma_wait3A_120 = arith.constant 0 : i32
        %dma_wait3A_121 = tpu.memref_slice %arg10[%dma_wait3A_119, %dma_wait3A_120] : memref<200x128xf32, #tpu.memory_space<vmem>> -> memref<72x128xf32, #tpu.memory_space<vmem>>
        %dma_wait3A_122 = arith.constant 528 : i32
        %dma_wait3A_123 = tpu.memref_slice %arg7[%dma_wait3A_122] : memref<1000xi32, #tpu.memory_space<vmem>> -> memref<72xi32, #tpu.memory_space<vmem>>
        %dma_wait3A_124 = arith.constant 0 : i32
        %dma_wait3A_125 = arith.constant 0 : i32
        %dma_wait3A_126 = tpu.memref_slice %arg3[%dma_wait3A_124, %dma_wait3A_125] : memref<40000x128xf32, #tpu.memory_space<hbm>> -> memref<40000x128xf32, #tpu.memory_space<hbm>>
        tpu.wait_indirect_dma semaphore(%arg13 : memref<!tpu.dma_semaphore, #tpu.memory_space<semaphore_mem>>) src(%dma_wait3A_126 : memref<40000x128xf32, #tpu.memory_space<hbm>>) dst(%dma_wait3A_121 : memref<72x128xf32, #tpu.memory_space<vmem>>)
        %dma_wait3A_127 = arith.constant 0 : i32
        %dma_wait3A_128 = arith.constant 0 : i32
        %dma_wait3A_129 = tpu.memref_slice %arg10[%dma_wait3A_127, %dma_wait3A_128] : memref<200x128xf32, #tpu.memory_space<vmem>> -> memref<128x128xf32, #tpu.memory_space<vmem>>
        %dma_wait3A_130 = arith.constant 600 : i32
        %dma_wait3A_131 = tpu.memref_slice %arg7[%dma_wait3A_130] : memref<1000xi32, #tpu.memory_space<vmem>> -> memref<128xi32, #tpu.memory_space<vmem>>
        %dma_wait3A_132 = arith.constant 0 : i32
        %dma_wait3A_133 = arith.constant 0 : i32
        %dma_wait3A_134 = tpu.memref_slice %arg3[%dma_wait3A_132, %dma_wait3A_133] : memref<40000x128xf32, #tpu.memory_space<hbm>> -> memref<40000x128xf32, #tpu.memory_space<hbm>>
        tpu.wait_indirect_dma semaphore(%arg13 : memref<!tpu.dma_semaphore, #tpu.memory_space<semaphore_mem>>) src(%dma_wait3A_134 : memref<40000x128xf32, #tpu.memory_space<hbm>>) dst(%dma_wait3A_129 : memref<128x128xf32, #tpu.memory_space<vmem>>)
        %dma_wait3A_135 = arith.constant 128 : i32
        %dma_wait3A_136 = arith.constant 0 : i32
        %dma_wait3A_137 = tpu.memref_slice %arg10[%dma_wait3A_135, %dma_wait3A_136] : memref<200x128xf32, #tpu.memory_space<vmem>> -> memref<72x128xf32, #tpu.memory_space<vmem>>
        %dma_wait3A_138 = arith.constant 728 : i32
        %dma_wait3A_139 = tpu.memref_slice %arg7[%dma_wait3A_138] : memref<1000xi32, #tpu.memory_space<vmem>> -> memref<72xi32, #tpu.memory_space<vmem>>
        %dma_wait3A_140 = arith.constant 0 : i32
        %dma_wait3A_141 = arith.constant 0 : i32
        %dma_wait3A_142 = tpu.memref_slice %arg3[%dma_wait3A_140, %dma_wait3A_141] : memref<40000x128xf32, #tpu.memory_space<hbm>> -> memref<40000x128xf32, #tpu.memory_space<hbm>>
        tpu.wait_indirect_dma semaphore(%arg13 : memref<!tpu.dma_semaphore, #tpu.memory_space<semaphore_mem>>) src(%dma_wait3A_142 : memref<40000x128xf32, #tpu.memory_space<hbm>>) dst(%dma_wait3A_137 : memref<72x128xf32, #tpu.memory_space<vmem>>)
        %dma_wait3A_143 = arith.constant 0 : i32
        %dma_wait3A_144 = arith.constant 0 : i32
        %dma_wait3A_145 = tpu.memref_slice %arg10[%dma_wait3A_143, %dma_wait3A_144] : memref<200x128xf32, #tpu.memory_space<vmem>> -> memref<128x128xf32, #tpu.memory_space<vmem>>
        %dma_wait3A_146 = arith.constant 800 : i32
        %dma_wait3A_147 = tpu.memref_slice %arg7[%dma_wait3A_146] : memref<1000xi32, #tpu.memory_space<vmem>> -> memref<128xi32, #tpu.memory_space<vmem>>
        %dma_wait3A_148 = arith.constant 0 : i32
        %dma_wait3A_149 = arith.constant 0 : i32
        %dma_wait3A_150 = tpu.memref_slice %arg4[%dma_wait3A_148, %dma_wait3A_149] : memref<100x128xf32, #tpu.memory_space<hbm>> -> memref<100x128xf32, #tpu.memory_space<hbm>>
        tpu.wait_indirect_dma semaphore(%arg13 : memref<!tpu.dma_semaphore, #tpu.memory_space<semaphore_mem>>) src(%dma_wait3A_150 : memref<100x128xf32, #tpu.memory_space<hbm>>) dst(%dma_wait3A_145 : memref<128x128xf32, #tpu.memory_space<vmem>>)
        %dma_wait3A_151 = arith.constant 128 : i32
        %dma_wait3A_152 = arith.constant 0 : i32
        %dma_wait3A_153 = tpu.memref_slice %arg10[%dma_wait3A_151, %dma_wait3A_152] : memref<200x128xf32, #tpu.memory_space<vmem>> -> memref<72x128xf32, #tpu.memory_space<vmem>>
        %dma_wait3A_154 = arith.constant 928 : i32
        %dma_wait3A_155 = tpu.memref_slice %arg7[%dma_wait3A_154] : memref<1000xi32, #tpu.memory_space<vmem>> -> memref<72xi32, #tpu.memory_space<vmem>>
        %dma_wait3A_156 = arith.constant 0 : i32
        %dma_wait3A_157 = arith.constant 0 : i32
        %dma_wait3A_158 = tpu.memref_slice %arg4[%dma_wait3A_156, %dma_wait3A_157] : memref<100x128xf32, #tpu.memory_space<hbm>> -> memref<100x128xf32, #tpu.memory_space<hbm>>
        tpu.wait_indirect_dma semaphore(%arg13 : memref<!tpu.dma_semaphore, #tpu.memory_space<semaphore_mem>>) src(%dma_wait3A_158 : memref<100x128xf32, #tpu.memory_space<hbm>>) dst(%dma_wait3A_153 : memref<72x128xf32, #tpu.memory_space<vmem>>)
        %dma_start3A = arith.constant 0 : i32
        %dma_start3A_159 = tpu.memref_slice %arg5[%mul3A_79, %dma_start3A] : memref<100000x128xf32, #tpu.memory_space<hbm>> -> memref<200x128xf32, #tpu.memory_space<hbm>>
        %dma_start3A_160 = arith.constant 0 : i32
        %dma_start3A_161 = tpu.memref_slice %arg5[%mul3A_79, %dma_start3A_160] : memref<100000x128xf32, #tpu.memory_space<hbm>> -> memref<200x128xf32, #tpu.memory_space<hbm>>
        tpu.enqueue_dma source(%arg10 : memref<200x128xf32, #tpu.memory_space<vmem>>) target(%dma_start3A_161 : memref<200x128xf32, #tpu.memory_space<hbm>>) target_semaphore(%arg16 : memref<!tpu.dma_semaphore, #tpu.memory_space<semaphore_mem>>)
        %add3A_162 = arith.constant 3 : i32
        %add3A_163 = arith.addi %add3A_61, %add3A_162 : i32
        %sub3A_164 = arith.constant 1 : i32
        %sub3A_165 = arith.subi %add3A_163, %sub3A_164 : i32
        %lt3A_166 = arith.cmpi slt, %sub3A_165, %add3A_20 : i32
        %convert_element_type3A_167 = arith.extui %lt3A_166 : i1 to i32
        %cond3A_168 = arith.constant 0 : i32
        %cond3A_169 = arith.cmpi ne, %convert_element_type3A_167, %cond3A_168 : i32
        scf.if %cond3A_169 {
          %add3A_170 = arith.constant 3 : i32
          %add3A_171 = arith.addi %add3A_61, %add3A_170 : i32
          %sub3A_172 = arith.constant 1 : i32
          %sub3A_173 = arith.subi %add3A_171, %sub3A_172 : i32
          %mul3A_174 = arith.constant 32 : i32
          %mul3A_175 = arith.muli %mul3A_174, %sub3A_173 : i32
          %add3A_176 = arith.addi %add3A, %mul3A_175 : i32
          %mul3A_177 = arith.constant 200 : i32
          %mul3A_178 = arith.muli %add3A_176, %mul3A_177 : i32
          %ge3A = arith.constant 3 : i32
          %ge3A_179 = arith.cmpi sge, %sub3A_173, %ge3A : i32
          %convert_element_type3A_180 = arith.extui %ge3A_179 : i1 to i32
          %cond3A_181 = arith.constant 0 : i32
          %cond3A_182 = arith.cmpi ne, %convert_element_type3A_180, %cond3A_181 : i32
          scf.if %cond3A_182 {
            %dma_wait3A_281 = arith.constant 0 : i32
            %dma_wait3A_282 = arith.constant 0 : i32
            %dma_wait3A_283 = tpu.memref_slice %arg5[%dma_wait3A_281, %dma_wait3A_282] : memref<100000x128xf32, #tpu.memory_space<hbm>> -> memref<200x128xf32, #tpu.memory_space<hbm>>
            %dma_wait3A_284 = arith.constant 0 : i32
            %dma_wait3A_285 = arith.constant 0 : i32
            %dma_wait3A_286 = tpu.memref_slice %arg5[%dma_wait3A_284, %dma_wait3A_285] : memref<100000x128xf32, #tpu.memory_space<hbm>> -> memref<200x128xf32, #tpu.memory_space<hbm>>
            tpu.wait_dma2 semaphore(%arg15 : memref<!tpu.dma_semaphore, #tpu.memory_space<semaphore_mem>>) src(%arg9 : memref<200x128xf32, #tpu.memory_space<vmem>>) dst(%dma_wait3A_286 : memref<200x128xf32, #tpu.memory_space<hbm>>)
          } else {
          }
          %broadcast_in_dim3A = arith.constant 0.000000e+00 : f32
          %broadcast_in_dim3A_183 = vector.broadcast %broadcast_in_dim3A : f32 to vector<16xf32>
          %scan3A_184 = arith.constant 0 : i32
          %scan3A_185 = arith.constant 0 : i32
          %scan3A_186 = arith.constant 200 : i32
          %scan3A_187 = arith.addi %scan3A_185, %scan3A_186 : i32
          %scan3A_188 = arith.constant 1 : i32
          %scan3A_189 = scf.for %scan3A_281 = %scan3A_185 to %scan3A_187 step %scan3A_188 iter_args(%scan3A_282 = %scan3A_184) -> (i32)  : i32 {
            %swap3A = arith.index_cast %scan3A_281 : i32 to index
            %swap3A_283 = arith.constant 0 : index
            %swap3A_284 = tpu.vector_load %arg9[%swap3A, %swap3A_283] {strides = array<i32>} : memref<200x128xf32, #tpu.memory_space<vmem>>, vector<1x16xf32>,
            %swap3A_285 = vector.shape_cast %swap3A_284 : vector<1x16xf32> to vector<16xf32>
            %swap3A_286 = vector.shape_cast %broadcast_in_dim3A_183 : vector<16xf32> to vector<1x16xf32>
            tpu.vector_store %arg9[%swap3A, %swap3A_283], %swap3A_286 {strides = array<i32>} : memref<200x128xf32, #tpu.memory_space<vmem>>, vector<1x16xf32>,
            %swap3A_287 = arith.index_cast %scan3A_281 : i32 to index
            %swap3A_288 = arith.constant 16 : index
            %swap3A_289 = tpu.vector_load %arg9[%swap3A_287, %swap3A_288] {strides = array<i32>} : memref<200x128xf32, #tpu.memory_space<vmem>>, vector<1x16xf32>,
            %swap3A_290 = vector.shape_cast %swap3A_289 : vector<1x16xf32> to vector<16xf32>
            %swap3A_291 = vector.shape_cast %broadcast_in_dim3A_183 : vector<16xf32> to vector<1x16xf32>
            tpu.vector_store %arg9[%swap3A_287, %swap3A_288], %swap3A_291 {strides = array<i32>} : memref<200x128xf32, #tpu.memory_space<vmem>>, vector<1x16xf32>,
            %swap3A_292 = arith.index_cast %scan3A_281 : i32 to index
            %swap3A_293 = arith.constant 32 : index
            %swap3A_294 = tpu.vector_load %arg9[%swap3A_292, %swap3A_293] {strides = array<i32>} : memref<200x128xf32, #tpu.memory_space<vmem>>, vector<1x16xf32>,
            %swap3A_295 = vector.shape_cast %swap3A_294 : vector<1x16xf32> to vector<16xf32>
            %swap3A_296 = vector.shape_cast %broadcast_in_dim3A_183 : vector<16xf32> to vector<1x16xf32>
            tpu.vector_store %arg9[%swap3A_292, %swap3A_293], %swap3A_296 {strides = array<i32>} : memref<200x128xf32, #tpu.memory_space<vmem>>, vector<1x16xf32>,
            %swap3A_297 = arith.index_cast %scan3A_281 : i32 to index
            %swap3A_298 = arith.constant 48 : index
            %swap3A_299 = tpu.vector_load %arg9[%swap3A_297, %swap3A_298] {strides = array<i32>} : memref<200x128xf32, #tpu.memory_space<vmem>>, vector<1x16xf32>,
            %swap3A_300 = vector.shape_cast %swap3A_299 : vector<1x16xf32> to vector<16xf32>
            %swap3A_301 = vector.shape_cast %broadcast_in_dim3A_183 : vector<16xf32> to vector<1x16xf32>
            tpu.vector_store %arg9[%swap3A_297, %swap3A_298], %swap3A_301 {strides = array<i32>} : memref<200x128xf32, #tpu.memory_space<vmem>>, vector<1x16xf32>,
            %swap3A_302 = arith.index_cast %scan3A_281 : i32 to index
            %swap3A_303 = arith.constant 64 : index
            %swap3A_304 = tpu.vector_load %arg9[%swap3A_302, %swap3A_303] {strides = array<i32>} : memref<200x128xf32, #tpu.memory_space<vmem>>, vector<1x16xf32>,
            %swap3A_305 = vector.shape_cast %swap3A_304 : vector<1x16xf32> to vector<16xf32>
            %swap3A_306 = vector.shape_cast %broadcast_in_dim3A_183 : vector<16xf32> to vector<1x16xf32>
            tpu.vector_store %arg9[%swap3A_302, %swap3A_303], %swap3A_306 {strides = array<i32>} : memref<200x128xf32, #tpu.memory_space<vmem>>, vector<1x16xf32>,
            %swap3A_307 = arith.index_cast %scan3A_281 : i32 to index
            %swap3A_308 = arith.constant 80 : index
            %swap3A_309 = tpu.vector_load %arg9[%swap3A_307, %swap3A_308] {strides = array<i32>} : memref<200x128xf32, #tpu.memory_space<vmem>>, vector<1x16xf32>,
            %swap3A_310 = vector.shape_cast %swap3A_309 : vector<1x16xf32> to vector<16xf32>
            %swap3A_311 = vector.shape_cast %broadcast_in_dim3A_183 : vector<16xf32> to vector<1x16xf32>
            tpu.vector_store %arg9[%swap3A_307, %swap3A_308], %swap3A_311 {strides = array<i32>} : memref<200x128xf32, #tpu.memory_space<vmem>>, vector<1x16xf32>,
            %swap3A_312 = arith.index_cast %scan3A_281 : i32 to index
            %swap3A_313 = arith.constant 96 : index
            %swap3A_314 = tpu.vector_load %arg9[%swap3A_312, %swap3A_313] {strides = array<i32>} : memref<200x128xf32, #tpu.memory_space<vmem>>, vector<1x16xf32>,
            %swap3A_315 = vector.shape_cast %swap3A_314 : vector<1x16xf32> to vector<16xf32>
            %swap3A_316 = vector.shape_cast %broadcast_in_dim3A_183 : vector<16xf32> to vector<1x16xf32>
            tpu.vector_store %arg9[%swap3A_312, %swap3A_313], %swap3A_316 {strides = array<i32>} : memref<200x128xf32, #tpu.memory_space<vmem>>, vector<1x16xf32>,
            %swap3A_317 = arith.index_cast %scan3A_281 : i32 to index
            %swap3A_318 = arith.constant 112 : index
            %swap3A_319 = tpu.vector_load %arg9[%swap3A_317, %swap3A_318] {strides = array<i32>} : memref<200x128xf32, #tpu.memory_space<vmem>>, vector<1x16xf32>,
            %swap3A_320 = vector.shape_cast %swap3A_319 : vector<1x16xf32> to vector<16xf32>
            %swap3A_321 = vector.shape_cast %broadcast_in_dim3A_183 : vector<16xf32> to vector<1x16xf32>
            tpu.vector_store %arg9[%swap3A_317, %swap3A_318], %swap3A_321 {strides = array<i32>} : memref<200x128xf32, #tpu.memory_space<vmem>>, vector<1x16xf32>,
            %scan3A_322 = arith.constant 0 : i32
            scf.yield %scan3A_322 : i32
          }
          %scan3A_190 = arith.constant 200 : i32
          %add3A_191 = arith.constant 0 : i32
          %add3A_192 = arith.addi %add3A_191, %mul3A_178 : i32
          "tpu.region"() ({
            %run_scoped3A = tpu.sem_alloc : memref<!tpu.dma_semaphore, #tpu.memory_space<semaphore_mem>>
            %dma_start3A_281 = arith.constant 0 : i32
            %dma_start3A_282 = tpu.memref_slice %arg6[%dma_start3A_281] : memref<1000xi32, #tpu.memory_space<vmem>> -> memref<200xi32, #tpu.memory_space<vmem>>
            %dma_start3A_283 = tpu.memref_slice %arg2[%add3A_192] : memref<500000xi32, #tpu.memory_space<hbm>> -> memref<200xi32, #tpu.memory_space<hbm>>
            %dma_start3A_284 = arith.constant 0 : i32
            %dma_start3A_285 = tpu.memref_slice %arg6[%dma_start3A_284] : memref<1000xi32, #tpu.memory_space<vmem>> -> memref<200xi32, #tpu.memory_space<vmem>>
            %dma_start3A_286 = tpu.memref_slice %arg2[%add3A_192] : memref<500000xi32, #tpu.memory_space<hbm>> -> memref<200xi32, #tpu.memory_space<hbm>>
            tpu.enqueue_dma source(%dma_start3A_286 : memref<200xi32, #tpu.memory_space<hbm>>) target(%dma_start3A_285 : memref<200xi32, #tpu.memory_space<vmem>>) target_semaphore(%run_scoped3A : memref<!tpu.dma_semaphore, #tpu.memory_space<semaphore_mem>>)
            %dma_wait3A_287 = arith.constant 0 : i32
            %dma_wait3A_288 = tpu.memref_slice %arg6[%dma_wait3A_287] : memref<1000xi32, #tpu.memory_space<vmem>> -> memref<200xi32, #tpu.memory_space<vmem>>
            %dma_wait3A_289 = tpu.memref_slice %arg2[%add3A_192] : memref<500000xi32, #tpu.memory_space<hbm>> -> memref<200xi32, #tpu.memory_space<hbm>>
            %dma_wait3A_290 = arith.constant 0 : i32
            %dma_wait3A_291 = tpu.memref_slice %arg6[%dma_wait3A_290] : memref<1000xi32, #tpu.memory_space<vmem>> -> memref<200xi32, #tpu.memory_space<vmem>>
            %dma_wait3A_292 = tpu.memref_slice %arg2[%add3A_192] : memref<500000xi32, #tpu.memory_space<hbm>> -> memref<200xi32, #tpu.memory_space<hbm>>
            tpu.wait_dma2 semaphore(%run_scoped3A : memref<!tpu.dma_semaphore, #tpu.memory_space<semaphore_mem>>) src(%dma_wait3A_292 : memref<200xi32, #tpu.memory_space<hbm>>) dst(%dma_wait3A_291 : memref<200xi32, #tpu.memory_space<vmem>>)
            tpu.yield
          }) : () -> ()
          %add3A_193 = arith.constant 100000 : i32
          %add3A_194 = arith.addi %add3A_193, %mul3A_178 : i32
          "tpu.region"() ({
            %run_scoped3A = tpu.sem_alloc : memref<!tpu.dma_semaphore, #tpu.memory_space<semaphore_mem>>
            %dma_start3A_281 = arith.constant 200 : i32
            %dma_start3A_282 = tpu.memref_slice %arg6[%dma_start3A_281] : memref<1000xi32, #tpu.memory_space<vmem>> -> memref<200xi32, #tpu.memory_space<vmem>>
            %dma_start3A_283 = tpu.memref_slice %arg2[%add3A_194] : memref<500000xi32, #tpu.memory_space<hbm>> -> memref<200xi32, #tpu.memory_space<hbm>>
            %dma_start3A_284 = arith.constant 200 : i32
            %dma_start3A_285 = tpu.memref_slice %arg6[%dma_start3A_284] : memref<1000xi32, #tpu.memory_space<vmem>> -> memref<200xi32, #tpu.memory_space<vmem>>
            %dma_start3A_286 = tpu.memref_slice %arg2[%add3A_194] : memref<500000xi32, #tpu.memory_space<hbm>> -> memref<200xi32, #tpu.memory_space<hbm>>
            tpu.enqueue_dma source(%dma_start3A_286 : memref<200xi32, #tpu.memory_space<hbm>>) target(%dma_start3A_285 : memref<200xi32, #tpu.memory_space<vmem>>) target_semaphore(%run_scoped3A : memref<!tpu.dma_semaphore, #tpu.memory_space<semaphore_mem>>)
            %dma_wait3A_287 = arith.constant 200 : i32
            %dma_wait3A_288 = tpu.memref_slice %arg6[%dma_wait3A_287] : memref<1000xi32, #tpu.memory_space<vmem>> -> memref<200xi32, #tpu.memory_space<vmem>>
            %dma_wait3A_289 = tpu.memref_slice %arg2[%add3A_194] : memref<500000xi32, #tpu.memory_space<hbm>> -> memref<200xi32, #tpu.memory_space<hbm>>
            %dma_wait3A_290 = arith.constant 200 : i32
            %dma_wait3A_291 = tpu.memref_slice %arg6[%dma_wait3A_290] : memref<1000xi32, #tpu.memory_space<vmem>> -> memref<200xi32, #tpu.memory_space<vmem>>
            %dma_wait3A_292 = tpu.memref_slice %arg2[%add3A_194] : memref<500000xi32, #tpu.memory_space<hbm>> -> memref<200xi32, #tpu.memory_space<hbm>>
            tpu.wait_dma2 semaphore(%run_scoped3A : memref<!tpu.dma_semaphore, #tpu.memory_space<semaphore_mem>>) src(%dma_wait3A_292 : memref<200xi32, #tpu.memory_space<hbm>>) dst(%dma_wait3A_291 : memref<200xi32, #tpu.memory_space<vmem>>)
            tpu.yield
          }) : () -> ()
          %add3A_195 = arith.constant 200000 : i32
          %add3A_196 = arith.addi %add3A_195, %mul3A_178 : i32
          "tpu.region"() ({
            %run_scoped3A = tpu.sem_alloc : memref<!tpu.dma_semaphore, #tpu.memory_space<semaphore_mem>>
            %dma_start3A_281 = arith.constant 400 : i32
            %dma_start3A_282 = tpu.memref_slice %arg6[%dma_start3A_281] : memref<1000xi32, #tpu.memory_space<vmem>> -> memref<200xi32, #tpu.memory_space<vmem>>
            %dma_start3A_283 = tpu.memref_slice %arg2[%add3A_196] : memref<500000xi32, #tpu.memory_space<hbm>> -> memref<200xi32, #tpu.memory_space<hbm>>
            %dma_start3A_284 = arith.constant 400 : i32
            %dma_start3A_285 = tpu.memref_slice %arg6[%dma_start3A_284] : memref<1000xi32, #tpu.memory_space<vmem>> -> memref<200xi32, #tpu.memory_space<vmem>>
            %dma_start3A_286 = tpu.memref_slice %arg2[%add3A_196] : memref<500000xi32, #tpu.memory_space<hbm>> -> memref<200xi32, #tpu.memory_space<hbm>>
            tpu.enqueue_dma source(%dma_start3A_286 : memref<200xi32, #tpu.memory_space<hbm>>) target(%dma_start3A_285 : memref<200xi32, #tpu.memory_space<vmem>>) target_semaphore(%run_scoped3A : memref<!tpu.dma_semaphore, #tpu.memory_space<semaphore_mem>>)
            %dma_wait3A_287 = arith.constant 400 : i32
            %dma_wait3A_288 = tpu.memref_slice %arg6[%dma_wait3A_287] : memref<1000xi32, #tpu.memory_space<vmem>> -> memref<200xi32, #tpu.memory_space<vmem>>
            %dma_wait3A_289 = tpu.memref_slice %arg2[%add3A_196] : memref<500000xi32, #tpu.memory_space<hbm>> -> memref<200xi32, #tpu.memory_space<hbm>>
            %dma_wait3A_290 = arith.constant 400 : i32
            %dma_wait3A_291 = tpu.memref_slice %arg6[%dma_wait3A_290] : memref<1000xi32, #tpu.memory_space<vmem>> -> memref<200xi32, #tpu.memory_space<vmem>>
            %dma_wait3A_292 = tpu.memref_slice %arg2[%add3A_196] : memref<500000xi32, #tpu.memory_space<hbm>> -> memref<200xi32, #tpu.memory_space<hbm>>
            tpu.wait_dma2 semaphore(%run_scoped3A : memref<!tpu.dma_semaphore, #tpu.memory_space<semaphore_mem>>) src(%dma_wait3A_292 : memref<200xi32, #tpu.memory_space<hbm>>) dst(%dma_wait3A_291 : memref<200xi32, #tpu.memory_space<vmem>>)
            tpu.yield
          }) : () -> ()
          %add3A_197 = arith.constant 300000 : i32
          %add3A_198 = arith.addi %add3A_197, %mul3A_178 : i32
          "tpu.region"() ({
            %run_scoped3A = tpu.sem_alloc : memref<!tpu.dma_semaphore, #tpu.memory_space<semaphore_mem>>
            %dma_start3A_281 = arith.constant 600 : i32
            %dma_start3A_282 = tpu.memref_slice %arg6[%dma_start3A_281] : memref<1000xi32, #tpu.memory_space<vmem>> -> memref<200xi32, #tpu.memory_space<vmem>>
            %dma_start3A_283 = tpu.memref_slice %arg2[%add3A_198] : memref<500000xi32, #tpu.memory_space<hbm>> -> memref<200xi32, #tpu.memory_space<hbm>>
            %dma_start3A_284 = arith.constant 600 : i32
            %dma_start3A_285 = tpu.memref_slice %arg6[%dma_start3A_284] : memref<1000xi32, #tpu.memory_space<vmem>> -> memref<200xi32, #tpu.memory_space<vmem>>
            %dma_start3A_286 = tpu.memref_slice %arg2[%add3A_198] : memref<500000xi32, #tpu.memory_space<hbm>> -> memref<200xi32, #tpu.memory_space<hbm>>
            tpu.enqueue_dma source(%dma_start3A_286 : memref<200xi32, #tpu.memory_space<hbm>>) target(%dma_start3A_285 : memref<200xi32, #tpu.memory_space<vmem>>) target_semaphore(%run_scoped3A : memref<!tpu.dma_semaphore, #tpu.memory_space<semaphore_mem>>)
            %dma_wait3A_287 = arith.constant 600 : i32
            %dma_wait3A_288 = tpu.memref_slice %arg6[%dma_wait3A_287] : memref<1000xi32, #tpu.memory_space<vmem>> -> memref<200xi32, #tpu.memory_space<vmem>>
            %dma_wait3A_289 = tpu.memref_slice %arg2[%add3A_198] : memref<500000xi32, #tpu.memory_space<hbm>> -> memref<200xi32, #tpu.memory_space<hbm>>
            %dma_wait3A_290 = arith.constant 600 : i32
            %dma_wait3A_291 = tpu.memref_slice %arg6[%dma_wait3A_290] : memref<1000xi32, #tpu.memory_space<vmem>> -> memref<200xi32, #tpu.memory_space<vmem>>
            %dma_wait3A_292 = tpu.memref_slice %arg2[%add3A_198] : memref<500000xi32, #tpu.memory_space<hbm>> -> memref<200xi32, #tpu.memory_space<hbm>>
            tpu.wait_dma2 semaphore(%run_scoped3A : memref<!tpu.dma_semaphore, #tpu.memory_space<semaphore_mem>>) src(%dma_wait3A_292 : memref<200xi32, #tpu.memory_space<hbm>>) dst(%dma_wait3A_291 : memref<200xi32, #tpu.memory_space<vmem>>)
            tpu.yield
          }) : () -> ()
          %add3A_199 = arith.constant 400000 : i32
          %add3A_200 = arith.addi %add3A_199, %mul3A_178 : i32
          "tpu.region"() ({
            %run_scoped3A = tpu.sem_alloc : memref<!tpu.dma_semaphore, #tpu.memory_space<semaphore_mem>>
            %dma_start3A_281 = arith.constant 800 : i32
            %dma_start3A_282 = tpu.memref_slice %arg6[%dma_start3A_281] : memref<1000xi32, #tpu.memory_space<vmem>> -> memref<200xi32, #tpu.memory_space<vmem>>
            %dma_start3A_283 = tpu.memref_slice %arg2[%add3A_200] : memref<500000xi32, #tpu.memory_space<hbm>> -> memref<200xi32, #tpu.memory_space<hbm>>
            %dma_start3A_284 = arith.constant 800 : i32
            %dma_start3A_285 = tpu.memref_slice %arg6[%dma_start3A_284] : memref<1000xi32, #tpu.memory_space<vmem>> -> memref<200xi32, #tpu.memory_space<vmem>>
            %dma_start3A_286 = tpu.memref_slice %arg2[%add3A_200] : memref<500000xi32, #tpu.memory_space<hbm>> -> memref<200xi32, #tpu.memory_space<hbm>>
            tpu.enqueue_dma source(%dma_start3A_286 : memref<200xi32, #tpu.memory_space<hbm>>) target(%dma_start3A_285 : memref<200xi32, #tpu.memory_space<vmem>>) target_semaphore(%run_scoped3A : memref<!tpu.dma_semaphore, #tpu.memory_space<semaphore_mem>>)
            %dma_wait3A_287 = arith.constant 800 : i32
            %dma_wait3A_288 = tpu.memref_slice %arg6[%dma_wait3A_287] : memref<1000xi32, #tpu.memory_space<vmem>> -> memref<200xi32, #tpu.memory_space<vmem>>
            %dma_wait3A_289 = tpu.memref_slice %arg2[%add3A_200] : memref<500000xi32, #tpu.memory_space<hbm>> -> memref<200xi32, #tpu.memory_space<hbm>>
            %dma_wait3A_290 = arith.constant 800 : i32
            %dma_wait3A_291 = tpu.memref_slice %arg6[%dma_wait3A_290] : memref<1000xi32, #tpu.memory_space<vmem>> -> memref<200xi32, #tpu.memory_space<vmem>>
            %dma_wait3A_292 = tpu.memref_slice %arg2[%add3A_200] : memref<500000xi32, #tpu.memory_space<hbm>> -> memref<200xi32, #tpu.memory_space<hbm>>
            tpu.wait_dma2 semaphore(%run_scoped3A : memref<!tpu.dma_semaphore, #tpu.memory_space<semaphore_mem>>) src(%dma_wait3A_292 : memref<200xi32, #tpu.memory_space<hbm>>) dst(%dma_wait3A_291 : memref<200xi32, #tpu.memory_space<vmem>>)
            tpu.yield
          }) : () -> ()
          %dma_start3A_201 = arith.constant 0 : i32
          %dma_start3A_202 = arith.constant 0 : i32
          %dma_start3A_203 = tpu.memref_slice %arg9[%dma_start3A_201, %dma_start3A_202] : memref<200x128xf32, #tpu.memory_space<vmem>> -> memref<128x128xf32, #tpu.memory_space<vmem>>
          %dma_start3A_204 = arith.constant 0 : i32
          %dma_start3A_205 = tpu.memref_slice %arg6[%dma_start3A_204] : memref<1000xi32, #tpu.memory_space<vmem>> -> memref<128xi32, #tpu.memory_space<vmem>>
          %dma_start3A_206 = arith.constant 0 : i32
          %dma_start3A_207 = arith.constant 0 : i32
          %dma_start3A_208 = tpu.memref_slice %arg3[%dma_start3A_206, %dma_start3A_207] : memref<40000x128xf32, #tpu.memory_space<hbm>> -> memref<40000x128xf32, #tpu.memory_space<hbm>>
          tpu.enqueue_indirect_dma source(%dma_start3A_208 : memref<40000x128xf32, #tpu.memory_space<hbm>>) target(%dma_start3A_203 : memref<128x128xf32, #tpu.memory_space<vmem>>) offsets(%dma_start3A_205 : memref<128xi32, #tpu.memory_space<vmem>>) semaphore(%arg12 : memref<!tpu.dma_semaphore, #tpu.memory_space<semaphore_mem>>) {add = true}
          %dma_start3A_209 = arith.constant 128 : i32
          %dma_start3A_210 = arith.constant 0 : i32
          %dma_start3A_211 = tpu.memref_slice %arg9[%dma_start3A_209, %dma_start3A_210] : memref<200x128xf32, #tpu.memory_space<vmem>> -> memref<72x128xf32, #tpu.memory_space<vmem>>
          %dma_start3A_212 = arith.constant 128 : i32
          %dma_start3A_213 = tpu.memref_slice %arg6[%dma_start3A_212] : memref<1000xi32, #tpu.memory_space<vmem>> -> memref<72xi32, #tpu.memory_space<vmem>>
          %dma_start3A_214 = arith.constant 0 : i32
          %dma_start3A_215 = arith.constant 0 : i32
          %dma_start3A_216 = tpu.memref_slice %arg3[%dma_start3A_214, %dma_start3A_215] : memref<40000x128xf32, #tpu.memory_space<hbm>> -> memref<40000x128xf32, #tpu.memory_space<hbm>>
          tpu.enqueue_indirect_dma source(%dma_start3A_216 : memref<40000x128xf32, #tpu.memory_space<hbm>>) target(%dma_start3A_211 : memref<72x128xf32, #tpu.memory_space<vmem>>) offsets(%dma_start3A_213 : memref<72xi32, #tpu.memory_space<vmem>>) semaphore(%arg12 : memref<!tpu.dma_semaphore, #tpu.memory_space<semaphore_mem>>) {add = true}
          %dma_start3A_217 = arith.constant 0 : i32
          %dma_start3A_218 = arith.constant 0 : i32
          %dma_start3A_219 = tpu.memref_slice %arg9[%dma_start3A_217, %dma_start3A_218] : memref<200x128xf32, #tpu.memory_space<vmem>> -> memref<128x128xf32, #tpu.memory_space<vmem>>
          %dma_start3A_220 = arith.constant 200 : i32
          %dma_start3A_221 = tpu.memref_slice %arg6[%dma_start3A_220] : memref<1000xi32, #tpu.memory_space<vmem>> -> memref<128xi32, #tpu.memory_space<vmem>>
          %dma_start3A_222 = arith.constant 0 : i32
          %dma_start3A_223 = arith.constant 0 : i32
          %dma_start3A_224 = tpu.memref_slice %arg3[%dma_start3A_222, %dma_start3A_223] : memref<40000x128xf32, #tpu.memory_space<hbm>> -> memref<40000x128xf32, #tpu.memory_space<hbm>>
          tpu.enqueue_indirect_dma source(%dma_start3A_224 : memref<40000x128xf32, #tpu.memory_space<hbm>>) target(%dma_start3A_219 : memref<128x128xf32, #tpu.memory_space<vmem>>) offsets(%dma_start3A_221 : memref<128xi32, #tpu.memory_space<vmem>>) semaphore(%arg12 : memref<!tpu.dma_semaphore, #tpu.memory_space<semaphore_mem>>) {add = true}
          %dma_start3A_225 = arith.constant 128 : i32
          %dma_start3A_226 = arith.constant 0 : i32
          %dma_start3A_227 = tpu.memref_slice %arg9[%dma_start3A_225, %dma_start3A_226] : memref<200x128xf32, #tpu.memory_space<vmem>> -> memref<72x128xf32, #tpu.memory_space<vmem>>
          %dma_start3A_228 = arith.constant 328 : i32
          %dma_start3A_229 = tpu.memref_slice %arg6[%dma_start3A_228] : memref<1000xi32, #tpu.memory_space<vmem>> -> memref<72xi32, #tpu.memory_space<vmem>>
          %dma_start3A_230 = arith.constant 0 : i32
          %dma_start3A_231 = arith.constant 0 : i32
          %dma_start3A_232 = tpu.memref_slice %arg3[%dma_start3A_230, %dma_start3A_231] : memref<40000x128xf32, #tpu.memory_space<hbm>> -> memref<40000x128xf32, #tpu.memory_space<hbm>>
          tpu.enqueue_indirect_dma source(%dma_start3A_232 : memref<40000x128xf32, #tpu.memory_space<hbm>>) target(%dma_start3A_227 : memref<72x128xf32, #tpu.memory_space<vmem>>) offsets(%dma_start3A_229 : memref<72xi32, #tpu.memory_space<vmem>>) semaphore(%arg12 : memref<!tpu.dma_semaphore, #tpu.memory_space<semaphore_mem>>) {add = true}
          %dma_start3A_233 = arith.constant 0 : i32
          %dma_start3A_234 = arith.constant 0 : i32
          %dma_start3A_235 = tpu.memref_slice %arg9[%dma_start3A_233, %dma_start3A_234] : memref<200x128xf32, #tpu.memory_space<vmem>> -> memref<128x128xf32, #tpu.memory_space<vmem>>
          %dma_start3A_236 = arith.constant 400 : i32
          %dma_start3A_237 = tpu.memref_slice %arg6[%dma_start3A_236] : memref<1000xi32, #tpu.memory_space<vmem>> -> memref<128xi32, #tpu.memory_space<vmem>>
          %dma_start3A_238 = arith.constant 0 : i32
          %dma_start3A_239 = arith.constant 0 : i32
          %dma_start3A_240 = tpu.memref_slice %arg3[%dma_start3A_238, %dma_start3A_239] : memref<40000x128xf32, #tpu.memory_space<hbm>> -> memref<40000x128xf32, #tpu.memory_space<hbm>>
          tpu.enqueue_indirect_dma source(%dma_start3A_240 : memref<40000x128xf32, #tpu.memory_space<hbm>>) target(%dma_start3A_235 : memref<128x128xf32, #tpu.memory_space<vmem>>) offsets(%dma_start3A_237 : memref<128xi32, #tpu.memory_space<vmem>>) semaphore(%arg12 : memref<!tpu.dma_semaphore, #tpu.memory_space<semaphore_mem>>) {add = true}
          %dma_start3A_241 = arith.constant 128 : i32
          %dma_start3A_242 = arith.constant 0 : i32
          %dma_start3A_243 = tpu.memref_slice %arg9[%dma_start3A_241, %dma_start3A_242] : memref<200x128xf32, #tpu.memory_space<vmem>> -> memref<72x128xf32, #tpu.memory_space<vmem>>
          %dma_start3A_244 = arith.constant 528 : i32
          %dma_start3A_245 = tpu.memref_slice %arg6[%dma_start3A_244] : memref<1000xi32, #tpu.memory_space<vmem>> -> memref<72xi32, #tpu.memory_space<vmem>>
          %dma_start3A_246 = arith.constant 0 : i32
          %dma_start3A_247 = arith.constant 0 : i32
          %dma_start3A_248 = tpu.memref_slice %arg3[%dma_start3A_246, %dma_start3A_247] : memref<40000x128xf32, #tpu.memory_space<hbm>> -> memref<40000x128xf32, #tpu.memory_space<hbm>>
          tpu.enqueue_indirect_dma source(%dma_start3A_248 : memref<40000x128xf32, #tpu.memory_space<hbm>>) target(%dma_start3A_243 : memref<72x128xf32, #tpu.memory_space<vmem>>) offsets(%dma_start3A_245 : memref<72xi32, #tpu.memory_space<vmem>>) semaphore(%arg12 : memref<!tpu.dma_semaphore, #tpu.memory_space<semaphore_mem>>) {add = true}
          %dma_start3A_249 = arith.constant 0 : i32
          %dma_start3A_250 = arith.constant 0 : i32
          %dma_start3A_251 = tpu.memref_slice %arg9[%dma_start3A_249, %dma_start3A_250] : memref<200x128xf32, #tpu.memory_space<vmem>> -> memref<128x128xf32, #tpu.memory_space<vmem>>
          %dma_start3A_252 = arith.constant 600 : i32
          %dma_start3A_253 = tpu.memref_slice %arg6[%dma_start3A_252] : memref<1000xi32, #tpu.memory_space<vmem>> -> memref<128xi32, #tpu.memory_space<vmem>>
          %dma_start3A_254 = arith.constant 0 : i32
          %dma_start3A_255 = arith.constant 0 : i32
          %dma_start3A_256 = tpu.memref_slice %arg3[%dma_start3A_254, %dma_start3A_255] : memref<40000x128xf32, #tpu.memory_space<hbm>> -> memref<40000x128xf32, #tpu.memory_space<hbm>>
          tpu.enqueue_indirect_dma source(%dma_start3A_256 : memref<40000x128xf32, #tpu.memory_space<hbm>>) target(%dma_start3A_251 : memref<128x128xf32, #tpu.memory_space<vmem>>) offsets(%dma_start3A_253 : memref<128xi32, #tpu.memory_space<vmem>>) semaphore(%arg12 : memref<!tpu.dma_semaphore, #tpu.memory_space<semaphore_mem>>) {add = true}
          %dma_start3A_257 = arith.constant 128 : i32
          %dma_start3A_258 = arith.constant 0 : i32
          %dma_start3A_259 = tpu.memref_slice %arg9[%dma_start3A_257, %dma_start3A_258] : memref<200x128xf32, #tpu.memory_space<vmem>> -> memref<72x128xf32, #tpu.memory_space<vmem>>
          %dma_start3A_260 = arith.constant 728 : i32
          %dma_start3A_261 = tpu.memref_slice %arg6[%dma_start3A_260] : memref<1000xi32, #tpu.memory_space<vmem>> -> memref<72xi32, #tpu.memory_space<vmem>>
          %dma_start3A_262 = arith.constant 0 : i32
          %dma_start3A_263 = arith.constant 0 : i32
          %dma_start3A_264 = tpu.memref_slice %arg3[%dma_start3A_262, %dma_start3A_263] : memref<40000x128xf32, #tpu.memory_space<hbm>> -> memref<40000x128xf32, #tpu.memory_space<hbm>>
          tpu.enqueue_indirect_dma source(%dma_start3A_264 : memref<40000x128xf32, #tpu.memory_space<hbm>>) target(%dma_start3A_259 : memref<72x128xf32, #tpu.memory_space<vmem>>) offsets(%dma_start3A_261 : memref<72xi32, #tpu.memory_space<vmem>>) semaphore(%arg12 : memref<!tpu.dma_semaphore, #tpu.memory_space<semaphore_mem>>) {add = true}
          %dma_start3A_265 = arith.constant 0 : i32
          %dma_start3A_266 = arith.constant 0 : i32
          %dma_start3A_267 = tpu.memref_slice %arg9[%dma_start3A_265, %dma_start3A_266] : memref<200x128xf32, #tpu.memory_space<vmem>> -> memref<128x128xf32, #tpu.memory_space<vmem>>
          %dma_start3A_268 = arith.constant 800 : i32
          %dma_start3A_269 = tpu.memref_slice %arg6[%dma_start3A_268] : memref<1000xi32, #tpu.memory_space<vmem>> -> memref<128xi32, #tpu.memory_space<vmem>>
          %dma_start3A_270 = arith.constant 0 : i32
          %dma_start3A_271 = arith.constant 0 : i32
          %dma_start3A_272 = tpu.memref_slice %arg4[%dma_start3A_270, %dma_start3A_271] : memref<100x128xf32, #tpu.memory_space<hbm>> -> memref<100x128xf32, #tpu.memory_space<hbm>>
          tpu.enqueue_indirect_dma source(%dma_start3A_272 : memref<100x128xf32, #tpu.memory_space<hbm>>) target(%dma_start3A_267 : memref<128x128xf32, #tpu.memory_space<vmem>>) offsets(%dma_start3A_269 : memref<128xi32, #tpu.memory_space<vmem>>) semaphore(%arg12 : memref<!tpu.dma_semaphore, #tpu.memory_space<semaphore_mem>>) {add = true}
          %dma_start3A_273 = arith.constant 128 : i32
          %dma_start3A_274 = arith.constant 0 : i32
          %dma_start3A_275 = tpu.memref_slice %arg9[%dma_start3A_273, %dma_start3A_274] : memref<200x128xf32, #tpu.memory_space<vmem>> -> memref<72x128xf32, #tpu.memory_space<vmem>>
          %dma_start3A_276 = arith.constant 928 : i32
          %dma_start3A_277 = tpu.memref_slice %arg6[%dma_start3A_276] : memref<1000xi32, #tpu.memory_space<vmem>> -> memref<72xi32, #tpu.memory_space<vmem>>
          %dma_start3A_278 = arith.constant 0 : i32
          %dma_start3A_279 = arith.constant 0 : i32
          %dma_start3A_280 = tpu.memref_slice %arg4[%dma_start3A_278, %dma_start3A_279] : memref<100x128xf32, #tpu.memory_space<hbm>> -> memref<100x128xf32, #tpu.memory_space<hbm>>
          tpu.enqueue_indirect_dma source(%dma_start3A_280 : memref<100x128xf32, #tpu.memory_space<hbm>>) target(%dma_start3A_275 : memref<72x128xf32, #tpu.memory_space<vmem>>) offsets(%dma_start3A_277 : memref<72xi32, #tpu.memory_space<vmem>>) semaphore(%arg12 : memref<!tpu.dma_semaphore, #tpu.memory_space<semaphore_mem>>) {add = true}
        } else {
        }
      } else {
      }
      %mul3A_66 = arith.constant 3 : i32
      %mul3A_67 = arith.muli %mul3A_66, %scan3A_49 : i32
      %add3A_68 = arith.constant 2 : i32
      %add3A_69 = arith.addi %mul3A_67, %add3A_68 : i32
      %lt3A_70 = arith.cmpi slt, %add3A_69, %add3A_20 : i32
      %convert_element_type3A_71 = arith.extui %lt3A_70 : i1 to i32
      %cond3A_72 = arith.constant 0 : i32
      %cond3A_73 = arith.cmpi ne, %convert_element_type3A_71, %cond3A_72 : i32
      scf.if %cond3A_73 {
        %mul3A_75 = arith.constant 32 : i32
        %mul3A_76 = arith.muli %mul3A_75, %add3A_69 : i32
        %add3A_77 = arith.addi %add3A, %mul3A_76 : i32
        %mul3A_78 = arith.constant 200 : i32
        %mul3A_79 = arith.muli %add3A_77, %mul3A_78 : i32
        %dma_wait3A = arith.constant 0 : i32
        %dma_wait3A_80 = arith.constant 0 : i32
        %dma_wait3A_81 = tpu.memref_slice %arg11[%dma_wait3A, %dma_wait3A_80] : memref<200x128xf32, #tpu.memory_space<vmem>> -> memref<128x128xf32, #tpu.memory_space<vmem>>
        %dma_wait3A_82 = arith.constant 0 : i32
        %dma_wait3A_83 = tpu.memref_slice %arg8[%dma_wait3A_82] : memref<1000xi32, #tpu.memory_space<vmem>> -> memref<128xi32, #tpu.memory_space<vmem>>
        %dma_wait3A_84 = arith.constant 0 : i32
        %dma_wait3A_85 = arith.constant 0 : i32
        %dma_wait3A_86 = tpu.memref_slice %arg3[%dma_wait3A_84, %dma_wait3A_85] : memref<40000x128xf32, #tpu.memory_space<hbm>> -> memref<40000x128xf32, #tpu.memory_space<hbm>>
        tpu.wait_indirect_dma semaphore(%arg14 : memref<!tpu.dma_semaphore, #tpu.memory_space<semaphore_mem>>) src(%dma_wait3A_86 : memref<40000x128xf32, #tpu.memory_space<hbm>>) dst(%dma_wait3A_81 : memref<128x128xf32, #tpu.memory_space<vmem>>)
        %dma_wait3A_87 = arith.constant 128 : i32
        %dma_wait3A_88 = arith.constant 0 : i32
        %dma_wait3A_89 = tpu.memref_slice %arg11[%dma_wait3A_87, %dma_wait3A_88] : memref<200x128xf32, #tpu.memory_space<vmem>> -> memref<72x128xf32, #tpu.memory_space<vmem>>
        %dma_wait3A_90 = arith.constant 128 : i32
        %dma_wait3A_91 = tpu.memref_slice %arg8[%dma_wait3A_90] : memref<1000xi32, #tpu.memory_space<vmem>> -> memref<72xi32, #tpu.memory_space<vmem>>
        %dma_wait3A_92 = arith.constant 0 : i32
        %dma_wait3A_93 = arith.constant 0 : i32
        %dma_wait3A_94 = tpu.memref_slice %arg3[%dma_wait3A_92, %dma_wait3A_93] : memref<40000x128xf32, #tpu.memory_space<hbm>> -> memref<40000x128xf32, #tpu.memory_space<hbm>>
        tpu.wait_indirect_dma semaphore(%arg14 : memref<!tpu.dma_semaphore, #tpu.memory_space<semaphore_mem>>) src(%dma_wait3A_94 : memref<40000x128xf32, #tpu.memory_space<hbm>>) dst(%dma_wait3A_89 : memref<72x128xf32, #tpu.memory_space<vmem>>)
        %dma_wait3A_95 = arith.constant 0 : i32
        %dma_wait3A_96 = arith.constant 0 : i32
        %dma_wait3A_97 = tpu.memref_slice %arg11[%dma_wait3A_95, %dma_wait3A_96] : memref<200x128xf32, #tpu.memory_space<vmem>> -> memref<128x128xf32, #tpu.memory_space<vmem>>
        %dma_wait3A_98 = arith.constant 200 : i32
        %dma_wait3A_99 = tpu.memref_slice %arg8[%dma_wait3A_98] : memref<1000xi32, #tpu.memory_space<vmem>> -> memref<128xi32, #tpu.memory_space<vmem>>
        %dma_wait3A_100 = arith.constant 0 : i32
        %dma_wait3A_101 = arith.constant 0 : i32
        %dma_wait3A_102 = tpu.memref_slice %arg3[%dma_wait3A_100, %dma_wait3A_101] : memref<40000x128xf32, #tpu.memory_space<hbm>> -> memref<40000x128xf32, #tpu.memory_space<hbm>>
        tpu.wait_indirect_dma semaphore(%arg14 : memref<!tpu.dma_semaphore, #tpu.memory_space<semaphore_mem>>) src(%dma_wait3A_102 : memref<40000x128xf32, #tpu.memory_space<hbm>>) dst(%dma_wait3A_97 : memref<128x128xf32, #tpu.memory_space<vmem>>)
        %dma_wait3A_103 = arith.constant 128 : i32
        %dma_wait3A_104 = arith.constant 0 : i32
        %dma_wait3A_105 = tpu.memref_slice %arg11[%dma_wait3A_103, %dma_wait3A_104] : memref<200x128xf32, #tpu.memory_space<vmem>> -> memref<72x128xf32, #tpu.memory_space<vmem>>
        %dma_wait3A_106 = arith.constant 328 : i32
        %dma_wait3A_107 = tpu.memref_slice %arg8[%dma_wait3A_106] : memref<1000xi32, #tpu.memory_space<vmem>> -> memref<72xi32, #tpu.memory_space<vmem>>
        %dma_wait3A_108 = arith.constant 0 : i32
        %dma_wait3A_109 = arith.constant 0 : i32
        %dma_wait3A_110 = tpu.memref_slice %arg3[%dma_wait3A_108, %dma_wait3A_109] : memref<40000x128xf32, #tpu.memory_space<hbm>> -> memref<40000x128xf32, #tpu.memory_space<hbm>>
        tpu.wait_indirect_dma semaphore(%arg14 : memref<!tpu.dma_semaphore, #tpu.memory_space<semaphore_mem>>) src(%dma_wait3A_110 : memref<40000x128xf32, #tpu.memory_space<hbm>>) dst(%dma_wait3A_105 : memref<72x128xf32, #tpu.memory_space<vmem>>)
        %dma_wait3A_111 = arith.constant 0 : i32
        %dma_wait3A_112 = arith.constant 0 : i32
        %dma_wait3A_113 = tpu.memref_slice %arg11[%dma_wait3A_111, %dma_wait3A_112] : memref<200x128xf32, #tpu.memory_space<vmem>> -> memref<128x128xf32, #tpu.memory_space<vmem>>
        %dma_wait3A_114 = arith.constant 400 : i32
        %dma_wait3A_115 = tpu.memref_slice %arg8[%dma_wait3A_114] : memref<1000xi32, #tpu.memory_space<vmem>> -> memref<128xi32, #tpu.memory_space<vmem>>
        %dma_wait3A_116 = arith.constant 0 : i32
        %dma_wait3A_117 = arith.constant 0 : i32
        %dma_wait3A_118 = tpu.memref_slice %arg3[%dma_wait3A_116, %dma_wait3A_117] : memref<40000x128xf32, #tpu.memory_space<hbm>> -> memref<40000x128xf32, #tpu.memory_space<hbm>>
        tpu.wait_indirect_dma semaphore(%arg14 : memref<!tpu.dma_semaphore, #tpu.memory_space<semaphore_mem>>) src(%dma_wait3A_118 : memref<40000x128xf32, #tpu.memory_space<hbm>>) dst(%dma_wait3A_113 : memref<128x128xf32, #tpu.memory_space<vmem>>)
        %dma_wait3A_119 = arith.constant 128 : i32
        %dma_wait3A_120 = arith.constant 0 : i32
        %dma_wait3A_121 = tpu.memref_slice %arg11[%dma_wait3A_119, %dma_wait3A_120] : memref<200x128xf32, #tpu.memory_space<vmem>> -> memref<72x128xf32, #tpu.memory_space<vmem>>
        %dma_wait3A_122 = arith.constant 528 : i32
        %dma_wait3A_123 = tpu.memref_slice %arg8[%dma_wait3A_122] : memref<1000xi32, #tpu.memory_space<vmem>> -> memref<72xi32, #tpu.memory_space<vmem>>
        %dma_wait3A_124 = arith.constant 0 : i32
        %dma_wait3A_125 = arith.constant 0 : i32
        %dma_wait3A_126 = tpu.memref_slice %arg3[%dma_wait3A_124, %dma_wait3A_125] : memref<40000x128xf32, #tpu.memory_space<hbm>> -> memref<40000x128xf32, #tpu.memory_space<hbm>>
        tpu.wait_indirect_dma semaphore(%arg14 : memref<!tpu.dma_semaphore, #tpu.memory_space<semaphore_mem>>) src(%dma_wait3A_126 : memref<40000x128xf32, #tpu.memory_space<hbm>>) dst(%dma_wait3A_121 : memref<72x128xf32, #tpu.memory_space<vmem>>)
        %dma_wait3A_127 = arith.constant 0 : i32
        %dma_wait3A_128 = arith.constant 0 : i32
        %dma_wait3A_129 = tpu.memref_slice %arg11[%dma_wait3A_127, %dma_wait3A_128] : memref<200x128xf32, #tpu.memory_space<vmem>> -> memref<128x128xf32, #tpu.memory_space<vmem>>
        %dma_wait3A_130 = arith.constant 600 : i32
        %dma_wait3A_131 = tpu.memref_slice %arg8[%dma_wait3A_130] : memref<1000xi32, #tpu.memory_space<vmem>> -> memref<128xi32, #tpu.memory_space<vmem>>
        %dma_wait3A_132 = arith.constant 0 : i32
        %dma_wait3A_133 = arith.constant 0 : i32
        %dma_wait3A_134 = tpu.memref_slice %arg3[%dma_wait3A_132, %dma_wait3A_133] : memref<40000x128xf32, #tpu.memory_space<hbm>> -> memref<40000x128xf32, #tpu.memory_space<hbm>>
        tpu.wait_indirect_dma semaphore(%arg14 : memref<!tpu.dma_semaphore, #tpu.memory_space<semaphore_mem>>) src(%dma_wait3A_134 : memref<40000x128xf32, #tpu.memory_space<hbm>>) dst(%dma_wait3A_129 : memref<128x128xf32, #tpu.memory_space<vmem>>)
        %dma_wait3A_135 = arith.constant 128 : i32
        %dma_wait3A_136 = arith.constant 0 : i32
        %dma_wait3A_137 = tpu.memref_slice %arg11[%dma_wait3A_135, %dma_wait3A_136] : memref<200x128xf32, #tpu.memory_space<vmem>> -> memref<72x128xf32, #tpu.memory_space<vmem>>
        %dma_wait3A_138 = arith.constant 728 : i32
        %dma_wait3A_139 = tpu.memref_slice %arg8[%dma_wait3A_138] : memref<1000xi32, #tpu.memory_space<vmem>> -> memref<72xi32, #tpu.memory_space<vmem>>
        %dma_wait3A_140 = arith.constant 0 : i32
        %dma_wait3A_141 = arith.constant 0 : i32
        %dma_wait3A_142 = tpu.memref_slice %arg3[%dma_wait3A_140, %dma_wait3A_141] : memref<40000x128xf32, #tpu.memory_space<hbm>> -> memref<40000x128xf32, #tpu.memory_space<hbm>>
        tpu.wait_indirect_dma semaphore(%arg14 : memref<!tpu.dma_semaphore, #tpu.memory_space<semaphore_mem>>) src(%dma_wait3A_142 : memref<40000x128xf32, #tpu.memory_space<hbm>>) dst(%dma_wait3A_137 : memref<72x128xf32, #tpu.memory_space<vmem>>)
        %dma_wait3A_143 = arith.constant 0 : i32
        %dma_wait3A_144 = arith.constant 0 : i32
        %dma_wait3A_145 = tpu.memref_slice %arg11[%dma_wait3A_143, %dma_wait3A_144] : memref<200x128xf32, #tpu.memory_space<vmem>> -> memref<128x128xf32, #tpu.memory_space<vmem>>
        %dma_wait3A_146 = arith.constant 800 : i32
        %dma_wait3A_147 = tpu.memref_slice %arg8[%dma_wait3A_146] : memref<1000xi32, #tpu.memory_space<vmem>> -> memref<128xi32, #tpu.memory_space<vmem>>
        %dma_wait3A_148 = arith.constant 0 : i32
        %dma_wait3A_149 = arith.constant 0 : i32
        %dma_wait3A_150 = tpu.memref_slice %arg4[%dma_wait3A_148, %dma_wait3A_149] : memref<100x128xf32, #tpu.memory_space<hbm>> -> memref<100x128xf32, #tpu.memory_space<hbm>>
        tpu.wait_indirect_dma semaphore(%arg14 : memref<!tpu.dma_semaphore, #tpu.memory_space<semaphore_mem>>) src(%dma_wait3A_150 : memref<100x128xf32, #tpu.memory_space<hbm>>) dst(%dma_wait3A_145 : memref<128x128xf32, #tpu.memory_space<vmem>>)
        %dma_wait3A_151 = arith.constant 128 : i32
        %dma_wait3A_152 = arith.constant 0 : i32
        %dma_wait3A_153 = tpu.memref_slice %arg11[%dma_wait3A_151, %dma_wait3A_152] : memref<200x128xf32, #tpu.memory_space<vmem>> -> memref<72x128xf32, #tpu.memory_space<vmem>>
        %dma_wait3A_154 = arith.constant 928 : i32
        %dma_wait3A_155 = tpu.memref_slice %arg8[%dma_wait3A_154] : memref<1000xi32, #tpu.memory_space<vmem>> -> memref<72xi32, #tpu.memory_space<vmem>>
        %dma_wait3A_156 = arith.constant 0 : i32
        %dma_wait3A_157 = arith.constant 0 : i32
        %dma_wait3A_158 = tpu.memref_slice %arg4[%dma_wait3A_156, %dma_wait3A_157] : memref<100x128xf32, #tpu.memory_space<hbm>> -> memref<100x128xf32, #tpu.memory_space<hbm>>
        tpu.wait_indirect_dma semaphore(%arg14 : memref<!tpu.dma_semaphore, #tpu.memory_space<semaphore_mem>>) src(%dma_wait3A_158 : memref<100x128xf32, #tpu.memory_space<hbm>>) dst(%dma_wait3A_153 : memref<72x128xf32, #tpu.memory_space<vmem>>)
        %dma_start3A = arith.constant 0 : i32
        %dma_start3A_159 = tpu.memref_slice %arg5[%mul3A_79, %dma_start3A] : memref<100000x128xf32, #tpu.memory_space<hbm>> -> memref<200x128xf32, #tpu.memory_space<hbm>>
        %dma_start3A_160 = arith.constant 0 : i32
        %dma_start3A_161 = tpu.memref_slice %arg5[%mul3A_79, %dma_start3A_160] : memref<100000x128xf32, #tpu.memory_space<hbm>> -> memref<200x128xf32, #tpu.memory_space<hbm>>
        tpu.enqueue_dma source(%arg11 : memref<200x128xf32, #tpu.memory_space<vmem>>) target(%dma_start3A_161 : memref<200x128xf32, #tpu.memory_space<hbm>>) target_semaphore(%arg17 : memref<!tpu.dma_semaphore, #tpu.memory_space<semaphore_mem>>)
        %add3A_162 = arith.constant 3 : i32
        %add3A_163 = arith.addi %add3A_69, %add3A_162 : i32
        %sub3A_164 = arith.constant 1 : i32
        %sub3A_165 = arith.subi %add3A_163, %sub3A_164 : i32
        %lt3A_166 = arith.cmpi slt, %sub3A_165, %add3A_20 : i32
        %convert_element_type3A_167 = arith.extui %lt3A_166 : i1 to i32
        %cond3A_168 = arith.constant 0 : i32
        %cond3A_169 = arith.cmpi ne, %convert_element_type3A_167, %cond3A_168 : i32
        scf.if %cond3A_169 {
          %add3A_170 = arith.constant 3 : i32
          %add3A_171 = arith.addi %add3A_69, %add3A_170 : i32
          %sub3A_172 = arith.constant 1 : i32
          %sub3A_173 = arith.subi %add3A_171, %sub3A_172 : i32
          %mul3A_174 = arith.constant 32 : i32
          %mul3A_175 = arith.muli %mul3A_174, %sub3A_173 : i32
          %add3A_176 = arith.addi %add3A, %mul3A_175 : i32
          %mul3A_177 = arith.constant 200 : i32
          %mul3A_178 = arith.muli %add3A_176, %mul3A_177 : i32
          %ge3A = arith.constant 3 : i32
          %ge3A_179 = arith.cmpi sge, %sub3A_173, %ge3A : i32
          %convert_element_type3A_180 = arith.extui %ge3A_179 : i1 to i32
          %cond3A_181 = arith.constant 0 : i32
          %cond3A_182 = arith.cmpi ne, %convert_element_type3A_180, %cond3A_181 : i32
          scf.if %cond3A_182 {
            %dma_wait3A_281 = arith.constant 0 : i32
            %dma_wait3A_282 = arith.constant 0 : i32
            %dma_wait3A_283 = tpu.memref_slice %arg5[%dma_wait3A_281, %dma_wait3A_282] : memref<100000x128xf32, #tpu.memory_space<hbm>> -> memref<200x128xf32, #tpu.memory_space<hbm>>
            %dma_wait3A_284 = arith.constant 0 : i32
            %dma_wait3A_285 = arith.constant 0 : i32
            %dma_wait3A_286 = tpu.memref_slice %arg5[%dma_wait3A_284, %dma_wait3A_285] : memref<100000x128xf32, #tpu.memory_space<hbm>> -> memref<200x128xf32, #tpu.memory_space<hbm>>
            tpu.wait_dma2 semaphore(%arg16 : memref<!tpu.dma_semaphore, #tpu.memory_space<semaphore_mem>>) src(%arg10 : memref<200x128xf32, #tpu.memory_space<vmem>>) dst(%dma_wait3A_286 : memref<200x128xf32, #tpu.memory_space<hbm>>)
          } else {
          }
          %broadcast_in_dim3A = arith.constant 0.000000e+00 : f32
          %broadcast_in_dim3A_183 = vector.broadcast %broadcast_in_dim3A : f32 to vector<16xf32>
          %scan3A_184 = arith.constant 0 : i32
          %scan3A_185 = arith.constant 0 : i32
          %scan3A_186 = arith.constant 200 : i32
          %scan3A_187 = arith.addi %scan3A_185, %scan3A_186 : i32
          %scan3A_188 = arith.constant 1 : i32
          %scan3A_189 = scf.for %scan3A_281 = %scan3A_185 to %scan3A_187 step %scan3A_188 iter_args(%scan3A_282 = %scan3A_184) -> (i32)  : i32 {
            %swap3A = arith.index_cast %scan3A_281 : i32 to index
            %swap3A_283 = arith.constant 0 : index
            %swap3A_284 = tpu.vector_load %arg10[%swap3A, %swap3A_283] {strides = array<i32>} : memref<200x128xf32, #tpu.memory_space<vmem>>, vector<1x16xf32>,
            %swap3A_285 = vector.shape_cast %swap3A_284 : vector<1x16xf32> to vector<16xf32>
            %swap3A_286 = vector.shape_cast %broadcast_in_dim3A_183 : vector<16xf32> to vector<1x16xf32>
            tpu.vector_store %arg10[%swap3A, %swap3A_283], %swap3A_286 {strides = array<i32>} : memref<200x128xf32, #tpu.memory_space<vmem>>, vector<1x16xf32>,
            %swap3A_287 = arith.index_cast %scan3A_281 : i32 to index
            %swap3A_288 = arith.constant 16 : index
            %swap3A_289 = tpu.vector_load %arg10[%swap3A_287, %swap3A_288] {strides = array<i32>} : memref<200x128xf32, #tpu.memory_space<vmem>>, vector<1x16xf32>,
            %swap3A_290 = vector.shape_cast %swap3A_289 : vector<1x16xf32> to vector<16xf32>
            %swap3A_291 = vector.shape_cast %broadcast_in_dim3A_183 : vector<16xf32> to vector<1x16xf32>
            tpu.vector_store %arg10[%swap3A_287, %swap3A_288], %swap3A_291 {strides = array<i32>} : memref<200x128xf32, #tpu.memory_space<vmem>>, vector<1x16xf32>,
            %swap3A_292 = arith.index_cast %scan3A_281 : i32 to index
            %swap3A_293 = arith.constant 32 : index
            %swap3A_294 = tpu.vector_load %arg10[%swap3A_292, %swap3A_293] {strides = array<i32>} : memref<200x128xf32, #tpu.memory_space<vmem>>, vector<1x16xf32>,
            %swap3A_295 = vector.shape_cast %swap3A_294 : vector<1x16xf32> to vector<16xf32>
            %swap3A_296 = vector.shape_cast %broadcast_in_dim3A_183 : vector<16xf32> to vector<1x16xf32>
            tpu.vector_store %arg10[%swap3A_292, %swap3A_293], %swap3A_296 {strides = array<i32>} : memref<200x128xf32, #tpu.memory_space<vmem>>, vector<1x16xf32>,
            %swap3A_297 = arith.index_cast %scan3A_281 : i32 to index
            %swap3A_298 = arith.constant 48 : index
            %swap3A_299 = tpu.vector_load %arg10[%swap3A_297, %swap3A_298] {strides = array<i32>} : memref<200x128xf32, #tpu.memory_space<vmem>>, vector<1x16xf32>,
            %swap3A_300 = vector.shape_cast %swap3A_299 : vector<1x16xf32> to vector<16xf32>
            %swap3A_301 = vector.shape_cast %broadcast_in_dim3A_183 : vector<16xf32> to vector<1x16xf32>
            tpu.vector_store %arg10[%swap3A_297, %swap3A_298], %swap3A_301 {strides = array<i32>} : memref<200x128xf32, #tpu.memory_space<vmem>>, vector<1x16xf32>,
            %swap3A_302 = arith.index_cast %scan3A_281 : i32 to index
            %swap3A_303 = arith.constant 64 : index
            %swap3A_304 = tpu.vector_load %arg10[%swap3A_302, %swap3A_303] {strides = array<i32>} : memref<200x128xf32, #tpu.memory_space<vmem>>, vector<1x16xf32>,
            %swap3A_305 = vector.shape_cast %swap3A_304 : vector<1x16xf32> to vector<16xf32>
            %swap3A_306 = vector.shape_cast %broadcast_in_dim3A_183 : vector<16xf32> to vector<1x16xf32>
            tpu.vector_store %arg10[%swap3A_302, %swap3A_303], %swap3A_306 {strides = array<i32>} : memref<200x128xf32, #tpu.memory_space<vmem>>, vector<1x16xf32>,
            %swap3A_307 = arith.index_cast %scan3A_281 : i32 to index
            %swap3A_308 = arith.constant 80 : index
            %swap3A_309 = tpu.vector_load %arg10[%swap3A_307, %swap3A_308] {strides = array<i32>} : memref<200x128xf32, #tpu.memory_space<vmem>>, vector<1x16xf32>,
            %swap3A_310 = vector.shape_cast %swap3A_309 : vector<1x16xf32> to vector<16xf32>
            %swap3A_311 = vector.shape_cast %broadcast_in_dim3A_183 : vector<16xf32> to vector<1x16xf32>
            tpu.vector_store %arg10[%swap3A_307, %swap3A_308], %swap3A_311 {strides = array<i32>} : memref<200x128xf32, #tpu.memory_space<vmem>>, vector<1x16xf32>,
            %swap3A_312 = arith.index_cast %scan3A_281 : i32 to index
            %swap3A_313 = arith.constant 96 : index
            %swap3A_314 = tpu.vector_load %arg10[%swap3A_312, %swap3A_313] {strides = array<i32>} : memref<200x128xf32, #tpu.memory_space<vmem>>, vector<1x16xf32>,
            %swap3A_315 = vector.shape_cast %swap3A_314 : vector<1x16xf32> to vector<16xf32>
            %swap3A_316 = vector.shape_cast %broadcast_in_dim3A_183 : vector<16xf32> to vector<1x16xf32>
            tpu.vector_store %arg10[%swap3A_312, %swap3A_313], %swap3A_316 {strides = array<i32>} : memref<200x128xf32, #tpu.memory_space<vmem>>, vector<1x16xf32>,
            %swap3A_317 = arith.index_cast %scan3A_281 : i32 to index
            %swap3A_318 = arith.constant 112 : index
            %swap3A_319 = tpu.vector_load %arg10[%swap3A_317, %swap3A_318] {strides = array<i32>} : memref<200x128xf32, #tpu.memory_space<vmem>>, vector<1x16xf32>,
            %swap3A_320 = vector.shape_cast %swap3A_319 : vector<1x16xf32> to vector<16xf32>
            %swap3A_321 = vector.shape_cast %broadcast_in_dim3A_183 : vector<16xf32> to vector<1x16xf32>
            tpu.vector_store %arg10[%swap3A_317, %swap3A_318], %swap3A_321 {strides = array<i32>} : memref<200x128xf32, #tpu.memory_space<vmem>>, vector<1x16xf32>,
            %scan3A_322 = arith.constant 0 : i32
            scf.yield %scan3A_322 : i32
          }
          %scan3A_190 = arith.constant 200 : i32
          %add3A_191 = arith.constant 0 : i32
          %add3A_192 = arith.addi %add3A_191, %mul3A_178 : i32
          "tpu.region"() ({
            %run_scoped3A = tpu.sem_alloc : memref<!tpu.dma_semaphore, #tpu.memory_space<semaphore_mem>>
            %dma_start3A_281 = arith.constant 0 : i32
            %dma_start3A_282 = tpu.memref_slice %arg7[%dma_start3A_281] : memref<1000xi32, #tpu.memory_space<vmem>> -> memref<200xi32, #tpu.memory_space<vmem>>
            %dma_start3A_283 = tpu.memref_slice %arg2[%add3A_192] : memref<500000xi32, #tpu.memory_space<hbm>> -> memref<200xi32, #tpu.memory_space<hbm>>
            %dma_start3A_284 = arith.constant 0 : i32
            %dma_start3A_285 = tpu.memref_slice %arg7[%dma_start3A_284] : memref<1000xi32, #tpu.memory_space<vmem>> -> memref<200xi32, #tpu.memory_space<vmem>>
            %dma_start3A_286 = tpu.memref_slice %arg2[%add3A_192] : memref<500000xi32, #tpu.memory_space<hbm>> -> memref<200xi32, #tpu.memory_space<hbm>>
            tpu.enqueue_dma source(%dma_start3A_286 : memref<200xi32, #tpu.memory_space<hbm>>) target(%dma_start3A_285 : memref<200xi32, #tpu.memory_space<vmem>>) target_semaphore(%run_scoped3A : memref<!tpu.dma_semaphore, #tpu.memory_space<semaphore_mem>>)
            %dma_wait3A_287 = arith.constant 0 : i32
            %dma_wait3A_288 = tpu.memref_slice %arg7[%dma_wait3A_287] : memref<1000xi32, #tpu.memory_space<vmem>> -> memref<200xi32, #tpu.memory_space<vmem>>
            %dma_wait3A_289 = tpu.memref_slice %arg2[%add3A_192] : memref<500000xi32, #tpu.memory_space<hbm>> -> memref<200xi32, #tpu.memory_space<hbm>>
            %dma_wait3A_290 = arith.constant 0 : i32
            %dma_wait3A_291 = tpu.memref_slice %arg7[%dma_wait3A_290] : memref<1000xi32, #tpu.memory_space<vmem>> -> memref<200xi32, #tpu.memory_space<vmem>>
            %dma_wait3A_292 = tpu.memref_slice %arg2[%add3A_192] : memref<500000xi32, #tpu.memory_space<hbm>> -> memref<200xi32, #tpu.memory_space<hbm>>
            tpu.wait_dma2 semaphore(%run_scoped3A : memref<!tpu.dma_semaphore, #tpu.memory_space<semaphore_mem>>) src(%dma_wait3A_292 : memref<200xi32, #tpu.memory_space<hbm>>) dst(%dma_wait3A_291 : memref<200xi32, #tpu.memory_space<vmem>>)
            tpu.yield
          }) : () -> ()
          %add3A_193 = arith.constant 100000 : i32
          %add3A_194 = arith.addi %add3A_193, %mul3A_178 : i32
          "tpu.region"() ({
            %run_scoped3A = tpu.sem_alloc : memref<!tpu.dma_semaphore, #tpu.memory_space<semaphore_mem>>
            %dma_start3A_281 = arith.constant 200 : i32
            %dma_start3A_282 = tpu.memref_slice %arg7[%dma_start3A_281] : memref<1000xi32, #tpu.memory_space<vmem>> -> memref<200xi32, #tpu.memory_space<vmem>>
            %dma_start3A_283 = tpu.memref_slice %arg2[%add3A_194] : memref<500000xi32, #tpu.memory_space<hbm>> -> memref<200xi32, #tpu.memory_space<hbm>>
            %dma_start3A_284 = arith.constant 200 : i32
            %dma_start3A_285 = tpu.memref_slice %arg7[%dma_start3A_284] : memref<1000xi32, #tpu.memory_space<vmem>> -> memref<200xi32, #tpu.memory_space<vmem>>
            %dma_start3A_286 = tpu.memref_slice %arg2[%add3A_194] : memref<500000xi32, #tpu.memory_space<hbm>> -> memref<200xi32, #tpu.memory_space<hbm>>
            tpu.enqueue_dma source(%dma_start3A_286 : memref<200xi32, #tpu.memory_space<hbm>>) target(%dma_start3A_285 : memref<200xi32, #tpu.memory_space<vmem>>) target_semaphore(%run_scoped3A : memref<!tpu.dma_semaphore, #tpu.memory_space<semaphore_mem>>)
            %dma_wait3A_287 = arith.constant 200 : i32
            %dma_wait3A_288 = tpu.memref_slice %arg7[%dma_wait3A_287] : memref<1000xi32, #tpu.memory_space<vmem>> -> memref<200xi32, #tpu.memory_space<vmem>>
            %dma_wait3A_289 = tpu.memref_slice %arg2[%add3A_194] : memref<500000xi32, #tpu.memory_space<hbm>> -> memref<200xi32, #tpu.memory_space<hbm>>
            %dma_wait3A_290 = arith.constant 200 : i32
            %dma_wait3A_291 = tpu.memref_slice %arg7[%dma_wait3A_290] : memref<1000xi32, #tpu.memory_space<vmem>> -> memref<200xi32, #tpu.memory_space<vmem>>
            %dma_wait3A_292 = tpu.memref_slice %arg2[%add3A_194] : memref<500000xi32, #tpu.memory_space<hbm>> -> memref<200xi32, #tpu.memory_space<hbm>>
            tpu.wait_dma2 semaphore(%run_scoped3A : memref<!tpu.dma_semaphore, #tpu.memory_space<semaphore_mem>>) src(%dma_wait3A_292 : memref<200xi32, #tpu.memory_space<hbm>>) dst(%dma_wait3A_291 : memref<200xi32, #tpu.memory_space<vmem>>)
            tpu.yield
          }) : () -> ()
          %add3A_195 = arith.constant 200000 : i32
          %add3A_196 = arith.addi %add3A_195, %mul3A_178 : i32
          "tpu.region"() ({
            %run_scoped3A = tpu.sem_alloc : memref<!tpu.dma_semaphore, #tpu.memory_space<semaphore_mem>>
            %dma_start3A_281 = arith.constant 400 : i32
            %dma_start3A_282 = tpu.memref_slice %arg7[%dma_start3A_281] : memref<1000xi32, #tpu.memory_space<vmem>> -> memref<200xi32, #tpu.memory_space<vmem>>
            %dma_start3A_283 = tpu.memref_slice %arg2[%add3A_196] : memref<500000xi32, #tpu.memory_space<hbm>> -> memref<200xi32, #tpu.memory_space<hbm>>
            %dma_start3A_284 = arith.constant 400 : i32
            %dma_start3A_285 = tpu.memref_slice %arg7[%dma_start3A_284] : memref<1000xi32, #tpu.memory_space<vmem>> -> memref<200xi32, #tpu.memory_space<vmem>>
            %dma_start3A_286 = tpu.memref_slice %arg2[%add3A_196] : memref<500000xi32, #tpu.memory_space<hbm>> -> memref<200xi32, #tpu.memory_space<hbm>>
            tpu.enqueue_dma source(%dma_start3A_286 : memref<200xi32, #tpu.memory_space<hbm>>) target(%dma_start3A_285 : memref<200xi32, #tpu.memory_space<vmem>>) target_semaphore(%run_scoped3A : memref<!tpu.dma_semaphore, #tpu.memory_space<semaphore_mem>>)
            %dma_wait3A_287 = arith.constant 400 : i32
            %dma_wait3A_288 = tpu.memref_slice %arg7[%dma_wait3A_287] : memref<1000xi32, #tpu.memory_space<vmem>> -> memref<200xi32, #tpu.memory_space<vmem>>
            %dma_wait3A_289 = tpu.memref_slice %arg2[%add3A_196] : memref<500000xi32, #tpu.memory_space<hbm>> -> memref<200xi32, #tpu.memory_space<hbm>>
            %dma_wait3A_290 = arith.constant 400 : i32
            %dma_wait3A_291 = tpu.memref_slice %arg7[%dma_wait3A_290] : memref<1000xi32, #tpu.memory_space<vmem>> -> memref<200xi32, #tpu.memory_space<vmem>>
            %dma_wait3A_292 = tpu.memref_slice %arg2[%add3A_196] : memref<500000xi32, #tpu.memory_space<hbm>> -> memref<200xi32, #tpu.memory_space<hbm>>
            tpu.wait_dma2 semaphore(%run_scoped3A : memref<!tpu.dma_semaphore, #tpu.memory_space<semaphore_mem>>) src(%dma_wait3A_292 : memref<200xi32, #tpu.memory_space<hbm>>) dst(%dma_wait3A_291 : memref<200xi32, #tpu.memory_space<vmem>>)
            tpu.yield
          }) : () -> ()
          %add3A_197 = arith.constant 300000 : i32
          %add3A_198 = arith.addi %add3A_197, %mul3A_178 : i32
          "tpu.region"() ({
            %run_scoped3A = tpu.sem_alloc : memref<!tpu.dma_semaphore, #tpu.memory_space<semaphore_mem>>
            %dma_start3A_281 = arith.constant 600 : i32
            %dma_start3A_282 = tpu.memref_slice %arg7[%dma_start3A_281] : memref<1000xi32, #tpu.memory_space<vmem>> -> memref<200xi32, #tpu.memory_space<vmem>>
            %dma_start3A_283 = tpu.memref_slice %arg2[%add3A_198] : memref<500000xi32, #tpu.memory_space<hbm>> -> memref<200xi32, #tpu.memory_space<hbm>>
            %dma_start3A_284 = arith.constant 600 : i32
            %dma_start3A_285 = tpu.memref_slice %arg7[%dma_start3A_284] : memref<1000xi32, #tpu.memory_space<vmem>> -> memref<200xi32, #tpu.memory_space<vmem>>
            %dma_start3A_286 = tpu.memref_slice %arg2[%add3A_198] : memref<500000xi32, #tpu.memory_space<hbm>> -> memref<200xi32, #tpu.memory_space<hbm>>
            tpu.enqueue_dma source(%dma_start3A_286 : memref<200xi32, #tpu.memory_space<hbm>>) target(%dma_start3A_285 : memref<200xi32, #tpu.memory_space<vmem>>) target_semaphore(%run_scoped3A : memref<!tpu.dma_semaphore, #tpu.memory_space<semaphore_mem>>)
            %dma_wait3A_287 = arith.constant 600 : i32
            %dma_wait3A_288 = tpu.memref_slice %arg7[%dma_wait3A_287] : memref<1000xi32, #tpu.memory_space<vmem>> -> memref<200xi32, #tpu.memory_space<vmem>>
            %dma_wait3A_289 = tpu.memref_slice %arg2[%add3A_198] : memref<500000xi32, #tpu.memory_space<hbm>> -> memref<200xi32, #tpu.memory_space<hbm>>
            %dma_wait3A_290 = arith.constant 600 : i32
            %dma_wait3A_291 = tpu.memref_slice %arg7[%dma_wait3A_290] : memref<1000xi32, #tpu.memory_space<vmem>> -> memref<200xi32, #tpu.memory_space<vmem>>
            %dma_wait3A_292 = tpu.memref_slice %arg2[%add3A_198] : memref<500000xi32, #tpu.memory_space<hbm>> -> memref<200xi32, #tpu.memory_space<hbm>>
            tpu.wait_dma2 semaphore(%run_scoped3A : memref<!tpu.dma_semaphore, #tpu.memory_space<semaphore_mem>>) src(%dma_wait3A_292 : memref<200xi32, #tpu.memory_space<hbm>>) dst(%dma_wait3A_291 : memref<200xi32, #tpu.memory_space<vmem>>)
            tpu.yield
          }) : () -> ()
          %add3A_199 = arith.constant 400000 : i32
          %add3A_200 = arith.addi %add3A_199, %mul3A_178 : i32
          "tpu.region"() ({
            %run_scoped3A = tpu.sem_alloc : memref<!tpu.dma_semaphore, #tpu.memory_space<semaphore_mem>>
            %dma_start3A_281 = arith.constant 800 : i32
            %dma_start3A_282 = tpu.memref_slice %arg7[%dma_start3A_281] : memref<1000xi32, #tpu.memory_space<vmem>> -> memref<200xi32, #tpu.memory_space<vmem>>
            %dma_start3A_283 = tpu.memref_slice %arg2[%add3A_200] : memref<500000xi32, #tpu.memory_space<hbm>> -> memref<200xi32, #tpu.memory_space<hbm>>
            %dma_start3A_284 = arith.constant 800 : i32
            %dma_start3A_285 = tpu.memref_slice %arg7[%dma_start3A_284] : memref<1000xi32, #tpu.memory_space<vmem>> -> memref<200xi32, #tpu.memory_space<vmem>>
            %dma_start3A_286 = tpu.memref_slice %arg2[%add3A_200] : memref<500000xi32, #tpu.memory_space<hbm>> -> memref<200xi32, #tpu.memory_space<hbm>>
            tpu.enqueue_dma source(%dma_start3A_286 : memref<200xi32, #tpu.memory_space<hbm>>) target(%dma_start3A_285 : memref<200xi32, #tpu.memory_space<vmem>>) target_semaphore(%run_scoped3A : memref<!tpu.dma_semaphore, #tpu.memory_space<semaphore_mem>>)
            %dma_wait3A_287 = arith.constant 800 : i32
            %dma_wait3A_288 = tpu.memref_slice %arg7[%dma_wait3A_287] : memref<1000xi32, #tpu.memory_space<vmem>> -> memref<200xi32, #tpu.memory_space<vmem>>
            %dma_wait3A_289 = tpu.memref_slice %arg2[%add3A_200] : memref<500000xi32, #tpu.memory_space<hbm>> -> memref<200xi32, #tpu.memory_space<hbm>>
            %dma_wait3A_290 = arith.constant 800 : i32
            %dma_wait3A_291 = tpu.memref_slice %arg7[%dma_wait3A_290] : memref<1000xi32, #tpu.memory_space<vmem>> -> memref<200xi32, #tpu.memory_space<vmem>>
            %dma_wait3A_292 = tpu.memref_slice %arg2[%add3A_200] : memref<500000xi32, #tpu.memory_space<hbm>> -> memref<200xi32, #tpu.memory_space<hbm>>
            tpu.wait_dma2 semaphore(%run_scoped3A : memref<!tpu.dma_semaphore, #tpu.memory_space<semaphore_mem>>) src(%dma_wait3A_292 : memref<200xi32, #tpu.memory_space<hbm>>) dst(%dma_wait3A_291 : memref<200xi32, #tpu.memory_space<vmem>>)
            tpu.yield
          }) : () -> ()
          %dma_start3A_201 = arith.constant 0 : i32
          %dma_start3A_202 = arith.constant 0 : i32
          %dma_start3A_203 = tpu.memref_slice %arg10[%dma_start3A_201, %dma_start3A_202] : memref<200x128xf32, #tpu.memory_space<vmem>> -> memref<128x128xf32, #tpu.memory_space<vmem>>
          %dma_start3A_204 = arith.constant 0 : i32
          %dma_start3A_205 = tpu.memref_slice %arg7[%dma_start3A_204] : memref<1000xi32, #tpu.memory_space<vmem>> -> memref<128xi32, #tpu.memory_space<vmem>>
          %dma_start3A_206 = arith.constant 0 : i32
          %dma_start3A_207 = arith.constant 0 : i32
          %dma_start3A_208 = tpu.memref_slice %arg3[%dma_start3A_206, %dma_start3A_207] : memref<40000x128xf32, #tpu.memory_space<hbm>> -> memref<40000x128xf32, #tpu.memory_space<hbm>>
          tpu.enqueue_indirect_dma source(%dma_start3A_208 : memref<40000x128xf32, #tpu.memory_space<hbm>>) target(%dma_start3A_203 : memref<128x128xf32, #tpu.memory_space<vmem>>) offsets(%dma_start3A_205 : memref<128xi32, #tpu.memory_space<vmem>>) semaphore(%arg13 : memref<!tpu.dma_semaphore, #tpu.memory_space<semaphore_mem>>) {add = true}
          %dma_start3A_209 = arith.constant 128 : i32
          %dma_start3A_210 = arith.constant 0 : i32
          %dma_start3A_211 = tpu.memref_slice %arg10[%dma_start3A_209, %dma_start3A_210] : memref<200x128xf32, #tpu.memory_space<vmem>> -> memref<72x128xf32, #tpu.memory_space<vmem>>
          %dma_start3A_212 = arith.constant 128 : i32
          %dma_start3A_213 = tpu.memref_slice %arg7[%dma_start3A_212] : memref<1000xi32, #tpu.memory_space<vmem>> -> memref<72xi32, #tpu.memory_space<vmem>>
          %dma_start3A_214 = arith.constant 0 : i32
          %dma_start3A_215 = arith.constant 0 : i32
          %dma_start3A_216 = tpu.memref_slice %arg3[%dma_start3A_214, %dma_start3A_215] : memref<40000x128xf32, #tpu.memory_space<hbm>> -> memref<40000x128xf32, #tpu.memory_space<hbm>>
          tpu.enqueue_indirect_dma source(%dma_start3A_216 : memref<40000x128xf32, #tpu.memory_space<hbm>>) target(%dma_start3A_211 : memref<72x128xf32, #tpu.memory_space<vmem>>) offsets(%dma_start3A_213 : memref<72xi32, #tpu.memory_space<vmem>>) semaphore(%arg13 : memref<!tpu.dma_semaphore, #tpu.memory_space<semaphore_mem>>) {add = true}
          %dma_start3A_217 = arith.constant 0 : i32
          %dma_start3A_218 = arith.constant 0 : i32
          %dma_start3A_219 = tpu.memref_slice %arg10[%dma_start3A_217, %dma_start3A_218] : memref<200x128xf32, #tpu.memory_space<vmem>> -> memref<128x128xf32, #tpu.memory_space<vmem>>
          %dma_start3A_220 = arith.constant 200 : i32
          %dma_start3A_221 = tpu.memref_slice %arg7[%dma_start3A_220] : memref<1000xi32, #tpu.memory_space<vmem>> -> memref<128xi32, #tpu.memory_space<vmem>>
          %dma_start3A_222 = arith.constant 0 : i32
          %dma_start3A_223 = arith.constant 0 : i32
          %dma_start3A_224 = tpu.memref_slice %arg3[%dma_start3A_222, %dma_start3A_223] : memref<40000x128xf32, #tpu.memory_space<hbm>> -> memref<40000x128xf32, #tpu.memory_space<hbm>>
          tpu.enqueue_indirect_dma source(%dma_start3A_224 : memref<40000x128xf32, #tpu.memory_space<hbm>>) target(%dma_start3A_219 : memref<128x128xf32, #tpu.memory_space<vmem>>) offsets(%dma_start3A_221 : memref<128xi32, #tpu.memory_space<vmem>>) semaphore(%arg13 : memref<!tpu.dma_semaphore, #tpu.memory_space<semaphore_mem>>) {add = true}
          %dma_start3A_225 = arith.constant 128 : i32
          %dma_start3A_226 = arith.constant 0 : i32
          %dma_start3A_227 = tpu.memref_slice %arg10[%dma_start3A_225, %dma_start3A_226] : memref<200x128xf32, #tpu.memory_space<vmem>> -> memref<72x128xf32, #tpu.memory_space<vmem>>
          %dma_start3A_228 = arith.constant 328 : i32
          %dma_start3A_229 = tpu.memref_slice %arg7[%dma_start3A_228] : memref<1000xi32, #tpu.memory_space<vmem>> -> memref<72xi32, #tpu.memory_space<vmem>>
          %dma_start3A_230 = arith.constant 0 : i32
          %dma_start3A_231 = arith.constant 0 : i32
          %dma_start3A_232 = tpu.memref_slice %arg3[%dma_start3A_230, %dma_start3A_231] : memref<40000x128xf32, #tpu.memory_space<hbm>> -> memref<40000x128xf32, #tpu.memory_space<hbm>>
          tpu.enqueue_indirect_dma source(%dma_start3A_232 : memref<40000x128xf32, #tpu.memory_space<hbm>>) target(%dma_start3A_227 : memref<72x128xf32, #tpu.memory_space<vmem>>) offsets(%dma_start3A_229 : memref<72xi32, #tpu.memory_space<vmem>>) semaphore(%arg13 : memref<!tpu.dma_semaphore, #tpu.memory_space<semaphore_mem>>) {add = true}
          %dma_start3A_233 = arith.constant 0 : i32
          %dma_start3A_234 = arith.constant 0 : i32
          %dma_start3A_235 = tpu.memref_slice %arg10[%dma_start3A_233, %dma_start3A_234] : memref<200x128xf32, #tpu.memory_space<vmem>> -> memref<128x128xf32, #tpu.memory_space<vmem>>
          %dma_start3A_236 = arith.constant 400 : i32
          %dma_start3A_237 = tpu.memref_slice %arg7[%dma_start3A_236] : memref<1000xi32, #tpu.memory_space<vmem>> -> memref<128xi32, #tpu.memory_space<vmem>>
          %dma_start3A_238 = arith.constant 0 : i32
          %dma_start3A_239 = arith.constant 0 : i32
          %dma_start3A_240 = tpu.memref_slice %arg3[%dma_start3A_238, %dma_start3A_239] : memref<40000x128xf32, #tpu.memory_space<hbm>> -> memref<40000x128xf32, #tpu.memory_space<hbm>>
          tpu.enqueue_indirect_dma source(%dma_start3A_240 : memref<40000x128xf32, #tpu.memory_space<hbm>>) target(%dma_start3A_235 : memref<128x128xf32, #tpu.memory_space<vmem>>) offsets(%dma_start3A_237 : memref<128xi32, #tpu.memory_space<vmem>>) semaphore(%arg13 : memref<!tpu.dma_semaphore, #tpu.memory_space<semaphore_mem>>) {add = true}
          %dma_start3A_241 = arith.constant 128 : i32
          %dma_start3A_242 = arith.constant 0 : i32
          %dma_start3A_243 = tpu.memref_slice %arg10[%dma_start3A_241, %dma_start3A_242] : memref<200x128xf32, #tpu.memory_space<vmem>> -> memref<72x128xf32, #tpu.memory_space<vmem>>
          %dma_start3A_244 = arith.constant 528 : i32
          %dma_start3A_245 = tpu.memref_slice %arg7[%dma_start3A_244] : memref<1000xi32, #tpu.memory_space<vmem>> -> memref<72xi32, #tpu.memory_space<vmem>>
          %dma_start3A_246 = arith.constant 0 : i32
          %dma_start3A_247 = arith.constant 0 : i32
          %dma_start3A_248 = tpu.memref_slice %arg3[%dma_start3A_246, %dma_start3A_247] : memref<40000x128xf32, #tpu.memory_space<hbm>> -> memref<40000x128xf32, #tpu.memory_space<hbm>>
          tpu.enqueue_indirect_dma source(%dma_start3A_248 : memref<40000x128xf32, #tpu.memory_space<hbm>>) target(%dma_start3A_243 : memref<72x128xf32, #tpu.memory_space<vmem>>) offsets(%dma_start3A_245 : memref<72xi32, #tpu.memory_space<vmem>>) semaphore(%arg13 : memref<!tpu.dma_semaphore, #tpu.memory_space<semaphore_mem>>) {add = true}
          %dma_start3A_249 = arith.constant 0 : i32
          %dma_start3A_250 = arith.constant 0 : i32
          %dma_start3A_251 = tpu.memref_slice %arg10[%dma_start3A_249, %dma_start3A_250] : memref<200x128xf32, #tpu.memory_space<vmem>> -> memref<128x128xf32, #tpu.memory_space<vmem>>
          %dma_start3A_252 = arith.constant 600 : i32
          %dma_start3A_253 = tpu.memref_slice %arg7[%dma_start3A_252] : memref<1000xi32, #tpu.memory_space<vmem>> -> memref<128xi32, #tpu.memory_space<vmem>>
          %dma_start3A_254 = arith.constant 0 : i32
          %dma_start3A_255 = arith.constant 0 : i32
          %dma_start3A_256 = tpu.memref_slice %arg3[%dma_start3A_254, %dma_start3A_255] : memref<40000x128xf32, #tpu.memory_space<hbm>> -> memref<40000x128xf32, #tpu.memory_space<hbm>>
          tpu.enqueue_indirect_dma source(%dma_start3A_256 : memref<40000x128xf32, #tpu.memory_space<hbm>>) target(%dma_start3A_251 : memref<128x128xf32, #tpu.memory_space<vmem>>) offsets(%dma_start3A_253 : memref<128xi32, #tpu.memory_space<vmem>>) semaphore(%arg13 : memref<!tpu.dma_semaphore, #tpu.memory_space<semaphore_mem>>) {add = true}
          %dma_start3A_257 = arith.constant 128 : i32
          %dma_start3A_258 = arith.constant 0 : i32
          %dma_start3A_259 = tpu.memref_slice %arg10[%dma_start3A_257, %dma_start3A_258] : memref<200x128xf32, #tpu.memory_space<vmem>> -> memref<72x128xf32, #tpu.memory_space<vmem>>
          %dma_start3A_260 = arith.constant 728 : i32
          %dma_start3A_261 = tpu.memref_slice %arg7[%dma_start3A_260] : memref<1000xi32, #tpu.memory_space<vmem>> -> memref<72xi32, #tpu.memory_space<vmem>>
          %dma_start3A_262 = arith.constant 0 : i32
          %dma_start3A_263 = arith.constant 0 : i32
          %dma_start3A_264 = tpu.memref_slice %arg3[%dma_start3A_262, %dma_start3A_263] : memref<40000x128xf32, #tpu.memory_space<hbm>> -> memref<40000x128xf32, #tpu.memory_space<hbm>>
          tpu.enqueue_indirect_dma source(%dma_start3A_264 : memref<40000x128xf32, #tpu.memory_space<hbm>>) target(%dma_start3A_259 : memref<72x128xf32, #tpu.memory_space<vmem>>) offsets(%dma_start3A_261 : memref<72xi32, #tpu.memory_space<vmem>>) semaphore(%arg13 : memref<!tpu.dma_semaphore, #tpu.memory_space<semaphore_mem>>) {add = true}
          %dma_start3A_265 = arith.constant 0 : i32
          %dma_start3A_266 = arith.constant 0 : i32
          %dma_start3A_267 = tpu.memref_slice %arg10[%dma_start3A_265, %dma_start3A_266] : memref<200x128xf32, #tpu.memory_space<vmem>> -> memref<128x128xf32, #tpu.memory_space<vmem>>
          %dma_start3A_268 = arith.constant 800 : i32
          %dma_start3A_269 = tpu.memref_slice %arg7[%dma_start3A_268] : memref<1000xi32, #tpu.memory_space<vmem>> -> memref<128xi32, #tpu.memory_space<vmem>>
          %dma_start3A_270 = arith.constant 0 : i32
          %dma_start3A_271 = arith.constant 0 : i32
          %dma_start3A_272 = tpu.memref_slice %arg4[%dma_start3A_270, %dma_start3A_271] : memref<100x128xf32, #tpu.memory_space<hbm>> -> memref<100x128xf32, #tpu.memory_space<hbm>>
          tpu.enqueue_indirect_dma source(%dma_start3A_272 : memref<100x128xf32, #tpu.memory_space<hbm>>) target(%dma_start3A_267 : memref<128x128xf32, #tpu.memory_space<vmem>>) offsets(%dma_start3A_269 : memref<128xi32, #tpu.memory_space<vmem>>) semaphore(%arg13 : memref<!tpu.dma_semaphore, #tpu.memory_space<semaphore_mem>>) {add = true}
          %dma_start3A_273 = arith.constant 128 : i32
          %dma_start3A_274 = arith.constant 0 : i32
          %dma_start3A_275 = tpu.memref_slice %arg10[%dma_start3A_273, %dma_start3A_274] : memref<200x128xf32, #tpu.memory_space<vmem>> -> memref<72x128xf32, #tpu.memory_space<vmem>>
          %dma_start3A_276 = arith.constant 928 : i32
          %dma_start3A_277 = tpu.memref_slice %arg7[%dma_start3A_276] : memref<1000xi32, #tpu.memory_space<vmem>> -> memref<72xi32, #tpu.memory_space<vmem>>
          %dma_start3A_278 = arith.constant 0 : i32
          %dma_start3A_279 = arith.constant 0 : i32
          %dma_start3A_280 = tpu.memref_slice %arg4[%dma_start3A_278, %dma_start3A_279] : memref<100x128xf32, #tpu.memory_space<hbm>> -> memref<100x128xf32, #tpu.memory_space<hbm>>
          tpu.enqueue_indirect_dma source(%dma_start3A_280 : memref<100x128xf32, #tpu.memory_space<hbm>>) target(%dma_start3A_275 : memref<72x128xf32, #tpu.memory_space<vmem>>) offsets(%dma_start3A_277 : memref<72xi32, #tpu.memory_space<vmem>>) semaphore(%arg13 : memref<!tpu.dma_semaphore, #tpu.memory_space<semaphore_mem>>) {add = true}
        } else {
        }
      } else {
      }
      %scan3A_74 = arith.constant 0 : i32
      scf.yield %scan3A_74 : i32
    }
    %scan3A_33 = arith.constant 6 : i32
    %gt3A_34 = arith.constant 0 : i32
    %gt3A_35 = arith.cmpi sgt, %add3A_20, %gt3A_34 : i32
    %convert_element_type3A_36 = arith.extui %gt3A_35 : i1 to i32
    %cond3A_37 = arith.constant 0 : i32
    %cond3A_38 = arith.cmpi ne, %convert_element_type3A_36, %cond3A_37 : i32
    scf.if %cond3A_38 {
      %dma_wait3A = arith.constant 0 : i32
      %dma_wait3A_49 = arith.constant 0 : i32
      %dma_wait3A_50 = tpu.memref_slice %arg5[%dma_wait3A, %dma_wait3A_49] : memref<100000x128xf32, #tpu.memory_space<hbm>> -> memref<200x128xf32, #tpu.memory_space<hbm>>
      %dma_wait3A_51 = arith.constant 0 : i32
      %dma_wait3A_52 = arith.constant 0 : i32
      %dma_wait3A_53 = tpu.memref_slice %arg5[%dma_wait3A_51, %dma_wait3A_52] : memref<100000x128xf32, #tpu.memory_space<hbm>> -> memref<200x128xf32, #tpu.memory_space<hbm>>
      tpu.wait_dma2 semaphore(%arg15 : memref<!tpu.dma_semaphore, #tpu.memory_space<semaphore_mem>>) src(%arg9 : memref<200x128xf32, #tpu.memory_space<vmem>>) dst(%dma_wait3A_53 : memref<200x128xf32, #tpu.memory_space<hbm>>)
    } else {
    }
    %gt3A_39 = arith.constant 1 : i32
    %gt3A_40 = arith.cmpi sgt, %add3A_20, %gt3A_39 : i32
    %convert_element_type3A_41 = arith.extui %gt3A_40 : i1 to i32
    %cond3A_42 = arith.constant 0 : i32
    %cond3A_43 = arith.cmpi ne, %convert_element_type3A_41, %cond3A_42 : i32
    scf.if %cond3A_43 {
      %dma_wait3A = arith.constant 0 : i32
      %dma_wait3A_49 = arith.constant 0 : i32
      %dma_wait3A_50 = tpu.memref_slice %arg5[%dma_wait3A, %dma_wait3A_49] : memref<100000x128xf32, #tpu.memory_space<hbm>> -> memref<200x128xf32, #tpu.memory_space<hbm>>
      %dma_wait3A_51 = arith.constant 0 : i32
      %dma_wait3A_52 = arith.constant 0 : i32
      %dma_wait3A_53 = tpu.memref_slice %arg5[%dma_wait3A_51, %dma_wait3A_52] : memref<100000x128xf32, #tpu.memory_space<hbm>> -> memref<200x128xf32, #tpu.memory_space<hbm>>
      tpu.wait_dma2 semaphore(%arg16 : memref<!tpu.dma_semaphore, #tpu.memory_space<semaphore_mem>>) src(%arg10 : memref<200x128xf32, #tpu.memory_space<vmem>>) dst(%dma_wait3A_53 : memref<200x128xf32, #tpu.memory_space<hbm>>)
    } else {
    }
    %gt3A_44 = arith.constant 2 : i32
    %gt3A_45 = arith.cmpi sgt, %add3A_20, %gt3A_44 : i32
    %convert_element_type3A_46 = arith.extui %gt3A_45 : i1 to i32
    %cond3A_47 = arith.constant 0 : i32
    %cond3A_48 = arith.cmpi ne, %convert_element_type3A_46, %cond3A_47 : i32
    scf.if %cond3A_48 {
      %dma_wait3A = arith.constant 0 : i32
      %dma_wait3A_49 = arith.constant 0 : i32
      %dma_wait3A_50 = tpu.memref_slice %arg5[%dma_wait3A, %dma_wait3A_49] : memref<100000x128xf32, #tpu.memory_space<hbm>> -> memref<200x128xf32, #tpu.memory_space<hbm>>
      %dma_wait3A_51 = arith.constant 0 : i32
      %dma_wait3A_52 = arith.constant 0 : i32
      %dma_wait3A_53 = tpu.memref_slice %arg5[%dma_wait3A_51, %dma_wait3A_52] : memref<100000x128xf32, #tpu.memory_space<hbm>> -> memref<200x128xf32, #tpu.memory_space<hbm>>
      tpu.wait_dma2 semaphore(%arg17 : memref<!tpu.dma_semaphore, #tpu.memory_space<semaphore_mem>>) src(%arg11 : memref<200x128xf32, #tpu.memory_space<vmem>>) dst(%dma_wait3A_53 : memref<200x128xf32, #tpu.memory_space<hbm>>)
    } else {
    }
    return
  }
}

module attributes {stable_mosaic.version = 14 : i64} {
  func.func @_build_body(%arg0: i32, %arg1: memref<9x100x128xf32, #tpu.memory_space<vmem>>, %arg2: memref<1x100x100x128xf32, #tpu.memory_space<vmem>>) attributes {dimension_semantics = [#tpu.dimension_semantics<arbitrary>], iteration_bounds = array<i64: 4>, scalar_prefetch = 0 : i64, scratch_operands = 0 : i64, tpu.core_type = #tpu.core_type<tc>, window_params = [{pipeline_mode = #tpu.pipeline_mode<synchronous>, transform_indices = @transform_0, window_bounds = array<i64: 9, 100, 128>}, {transform_indices = @transform_1, window_bounds = array<i64: 1, 100, 100, 128>}]} {
    %mul3A = arith.constant 2 : i32
    %mul3A_0 = arith.muli %mul3A, %arg0 : i32
    %add3A = arith.constant 1 : i32
    %add3A_1 = arith.addi %mul3A_0, %add3A : i32
    %get3A = arith.index_cast %add3A_1 : i32 to index
    %get3A_2 = arith.constant 0 : index
    %get3A_3 = arith.constant 0 : index
    %get3A_4 = vector.load %arg1[%get3A, %get3A_2, %get3A_3] : memref<9x100x128xf32, #tpu.memory_space<vmem>>, vector<1x100x128xf32>
    %get3A_5 = vector.shape_cast %get3A_4 : vector<1x100x128xf32> to vector<100x128xf32>
    %scan3A = arith.constant 0 : i32
    %scan3A_6 = arith.constant 100 : i32
    %scan3A_7 = arith.addi %scan3A, %scan3A_6 : i32
    %scan3A_8 = arith.constant 1 : i32
    scf.for %scan3A_10 = %scan3A to %scan3A_7 step %scan3A_8  : i32 {
      %mul3A_11 = arith.constant 2 : i32
      %mul3A_12 = arith.muli %mul3A_11, %arg0 : i32
      %get3A_13 = arith.index_cast %mul3A_12 : i32 to index
      %get3A_14 = arith.index_cast %scan3A_10 : i32 to index
      %get3A_15 = arith.constant 0 : index
      %get3A_16 = vector.load %arg1[%get3A_13, %get3A_14, %get3A_15] : memref<9x100x128xf32, #tpu.memory_space<vmem>>, vector<1x1x128xf32>
      %get3A_17 = vector.shape_cast %get3A_16 : vector<1x1x128xf32> to vector<128xf32>
      %broadcast_in_dim3A = vector.shape_cast %get3A_17 : vector<128xf32> to vector<1x128xf32>
      %add3A_18 = vector.broadcast %broadcast_in_dim3A : vector<1x128xf32> to vector<100x128xf32>
      %add3A_19 = arith.addf %add3A_18, %get3A_5 : vector<100x128xf32>
      %swap3A = arith.constant 0 : index
      %swap3A_20 = arith.index_cast %scan3A_10 : i32 to index
      %swap3A_21 = arith.constant 0 : index
      %swap3A_22 = arith.constant 0 : index
      %swap3A_23 = vector.load %arg2[%swap3A, %swap3A_20, %swap3A_21, %swap3A_22] : memref<1x100x100x128xf32, #tpu.memory_space<vmem>>, vector<1x1x100x128xf32>
      %swap3A_24 = vector.shape_cast %swap3A_23 : vector<1x1x100x128xf32> to vector<100x128xf32>
      %swap3A_25 = vector.shape_cast %add3A_19 : vector<100x128xf32> to vector<1x1x100x128xf32>
      tpu.vector_store %arg2[%swap3A, %swap3A_20, %swap3A_21, %swap3A_22], %swap3A_25 {strides = array<i32>} : memref<1x100x100x128xf32, #tpu.memory_space<vmem>>, vector<1x1x100x128xf32>,
    }
    %scan3A_9 = arith.constant 100 : i32
    return
  }
  func.func @transform_0(%arg0: i32) -> (i32, i32, i32) {
    %c0_i32 = arith.constant 0 : i32
    %c0_i32_0 = arith.constant 0 : i32
    %c0_i32_1 = arith.constant 0 : i32
    %c0_i32_2 = arith.constant 0 : i32
    return %c0_i32, %c0_i32_0, %c0_i32_1 : i32, i32, i32
  }
  func.func @transform_1(%arg0: i32) -> (i32, i32, i32, i32) {
    %c0_i32 = arith.constant 0 : i32
    %c0_i32_0 = arith.constant 0 : i32
    %c0_i32_1 = arith.constant 0 : i32
    %c0_i32_2 = arith.constant 0 : i32
    return %arg0, %c0_i32, %c0_i32_0, %c0_i32_1 : i32, i32, i32, i32
  }
}

</mosaic_0001>

<sc_bundles>
// kernel: kernel.4.cloned.1.call-start
scs
__scs_entry_jumppad:
0x0: {  	(pc) =	sbr.rel $0x88, $3  }
0x1: {  	(tag) =	ssettag $0x0;
	lr =	simm.s32 $0x1  }
0x2: {  	[smem:$0x3F9F] =	sst lr;
	_ =	strace $0xD0000000  }
0x3: {  	_ = 	snop  }
0x4: {  	_ = 	snop  }
0x5: {  	_ = 	snop  }
0x6: {  	_ = 	snop  }
0x7: {  	_ = 	snop  }
__scs_overlays_trampoline_lowered:
0x8: {  	[smem:$0x3FAE] =	sst s0  }
0x9: {  	[smem:$0x3FAF] =	sst s1  }
0xa: {  	[smem:$0x3FB0] =	sst s2  }
0xb: {  	[smem:$0x3FB1] =	sst s3  }
0xc: {  	[smem:$0x3FB2] =	sst s4  }
0xd: {  	[smem:$0x3FB3] =	sst s5  }
0xe: {  	[smem:$0x3FB4] =	sst s6  }
0xf: {  	[smem:$0x3FB5] =	sst s7  }
0x10: {  	[smem:$0x3FB6] =	sst s8  }
0x11: {  	[smem:$0x3FB7] =	sst s9;
	s0 =	simm.s32 @!p0 $0x0  }
0x12: {  	s1 =	sld [smem:$0x3F9D];
	s0 =	simm.s32 @p0 $0x1  }
0x13: {  	[smem:$0x3FB8] =	sst s0;
	s0 =	simm.s32 @!p1 $0x0  }
0x14: {  	s2 =	sld [smem:$0x3F9C];
	s0 =	simm.s32 @p1 $0x1  }
0x15: {  	[smem:$0x3FB9] =	sst s0;
	s0 =	simm.s32 @!p2 $0x0  }
0x16: {  	s3 =	sld [smem:$0x3FDB];
	s0 =	simm.s32 @p2 $0x1  }
0x17: {  	s4 =	simm.s32 $0x1BF5;
	[smem:$0x3FBB] =	sst s0  }
0x18: {  	s0 =	sld [smem:$0x3F9E];
	_ =	swait.ge [sflag:s4], $0x0  }
0x19: {  	s7 =	sld [smem:$0x3F9F]  }
0x1a: {  	s8 =	sadd.s32 $0xFFFFE003, lr  }
0x1b: {  	s9 =	sadd.s32 $0xFFFFFEF7, lr;
	s5 =	simm.s32 $0xFFFFFFFF;
	p2 =	slt.u32 s8, $0xFFFFF086  }
0x1c: {  	p1 =	slt.u32 s9, $0xF7A;
	s5 =	simm.s32 @!p2 $0x0  }
0x1d: {  	s5 =	simm.s32 @p1 $0x1;
	p0 =	seq.s32 s7, s2  }
0x1e: {  	s7 =	smul.u32 @!p0 $0xF7A, s2;
	p2 =	seq.s32 @!p0 s5, $0x0  }
0x1f: {  	s9 =	smul.u32 $0xF7A, s1;
	s8 =	simm.s32 @!p0 $0x1BF5;
	p2 =	por !p2, p0  }
0x20: {  	[sflag:s8] =	ssyncset.s32 @!p0 $0xFFFFF086;
	s6 =	sadd.s32 @!p0 s3, s7;
	s7 =	simm.s32 @!p0 $0x108  }
0x21: {  	s3 =	sadd.s32 s3, s9;
	s6 =	sadd.s32 @!p0 $0x88, s6;
	s7 =	simm.s32 @p2 $0x1082  }
0x22: {  	[simem:s7], [sflag:s8] =	dma.local @!p0 [hbm:s6], $0xF7A  }
0x23: {  	s9 =	sor.u32 $0xD0000000, s2;
	s6 =	simm.s32 $0x108;
	_ =	swait.ge @!p0 [sflag:s8], $0x0  }
0x24: {  	s3 =	sadd.s32 $0x88, s3;
	s6 =	simm.s32 @!p1 $0x1082;
	[sflag:s4] =	ssyncset.s32 $0xFFFFF086  }
0x25: {  	[simem:s6], [sflag:s4] =	dma.local [hbm:s3], $0xF7A  }
0x26: {  	[smem:$0x3F9F] =	sst s1;
	(tag) =	ssettag s2;
	_ =	strace s9  }
0x27: {  	s1 =	sld [smem:$0x3FAF]  }
0x28: {  	s2 =	sld [smem:$0x3FB0]  }
0x29: {  	s4 =	sld [smem:$0x3FB2]  }
0x2a: {  	p0 =	seq.s32 s5, $0x0;
	s5 =	sld [smem:$0x3FB3]  }
0x2b: {  	s6 =	sld [smem:$0x3FB4]  }
0x2c: {  	s7 =	sld [smem:$0x3FB5]  }
0x2d: {  	s3 =	simm.s32 $0x108;
	s8 =	sld [smem:$0x3FB6]  }
0x2e: {  	s3 =	simm.s32 @!p0 $0x1082;
	s9 =	sld [smem:$0x3FB7]  }
0x2f: {  	lr =	sadd.s32 s0, s3;
	s0 =	sld [smem:$0x3FAE]  }
0x30: {  	s3 =	sld [smem:$0x3FB1]  }
0x31: {  	[smem:$0x3FBA] =	sst s10  }
0x32: {  	s10 =	sld [smem:$0x3FB8];
	_ =	sdelay $0x3  }
0x33: {  	p0 =	seq.s32 s10, $0x1;
	s10 =	sld [smem:$0x3FBA];
	_ =	sdelay $0x3  }
0x34: {  	[smem:$0x3FBA] =	sst s10  }
0x35: {  	s10 =	sld [smem:$0x3FB9];
	_ =	sdelay $0x3  }
0x36: {  	p1 =	seq.s32 s10, $0x1;
	s10 =	sld [smem:$0x3FBA];
	_ =	sdelay $0x3  }
0x37: {  	[smem:$0x3FBA] =	sst s10  }
0x38: {  	s10 =	sld [smem:$0x3FBB]  }
0x39: {  	_ = 	snop;
	(pc) =	sbr.ind lr, $3  }
0x3a: {  	_ = 	snop  }
0x3b: {  	_ = 	snop  }
0x3c: {  	p2 =	seq.s32 s10, $0x1;
	s10 =	sld [smem:$0x3FBA]  }
0x3d: {  	_ =	shalt  }
0x3e: {  	_ =	shalt  }
0x3f: {  	_ =	shalt  }
0x40: {  	_ =	shalt  }
0x41: {  	_ =	shalt  }
0x42: {  	_ =	shalt  }
0x43: {  	_ =	shalt  }
0x44: {  	_ =	shalt  }
0x45: {  	_ =	shalt  }
0x46: {  	_ =	shalt  }
0x47: {  	_ =	shalt  }
0x48: {  	_ =	shalt  }
0x49: {  	_ =	shalt  }
0x4a: {  	_ =	shalt  }
0x4b: {  	_ =	shalt  }
0x4c: {  	_ =	shalt  }
0x4d: {  	_ =	shalt  }
0x4e: {  	_ =	shalt  }
0x4f: {  	_ =	shalt  }
0x50: {  	_ =	shalt  }
0x51: {  	_ =	shalt  }
0x52: {  	_ =	shalt  }
0x53: {  	_ =	shalt  }
0x54: {  	_ =	shalt  }
0x55: {  	_ =	shalt  }
0x56: {  	_ =	shalt  }
0x57: {  	_ =	shalt  }
0x58: {  	_ =	shalt  }
0x59: {  	_ =	shalt  }
0x5a: {  	_ =	shalt  }
0x5b: {  	_ =	shalt  }
0x5c: {  	_ =	shalt  }
0x5d: {  	_ =	shalt  }
0x5e: {  	_ =	shalt  }
0x5f: {  	_ =	shalt  }
0x60: {  	_ =	shalt  }
0x61: {  	_ =	shalt  }
0x62: {  	_ =	shalt  }
0x63: {  	_ =	shalt  }
0x64: {  	_ =	shalt  }
0x65: {  	_ =	shalt  }
0x66: {  	_ =	shalt  }
0x67: {  	_ =	shalt  }
0x68: {  	_ =	shalt  }
0x69: {  	_ =	shalt  }
0x6a: {  	_ =	shalt  }
0x6b: {  	_ =	shalt  }
0x6c: {  	_ =	shalt  }
0x6d: {  	_ =	shalt  }
0x6e: {  	_ =	shalt  }
0x6f: {  	_ =	shalt  }
0x70: {  	_ =	shalt  }
0x71: {  	_ =	shalt  }
0x72: {  	_ =	shalt  }
0x73: {  	_ =	shalt  }
0x74: {  	_ =	shalt  }
0x75: {  	_ =	shalt  }
0x76: {  	_ =	shalt  }
0x77: {  	_ =	shalt  }
0x78: {  	_ =	shalt  }
0x79: {  	_ =	shalt  }
0x7a: {  	_ =	shalt  }
0x7b: {  	_ =	shalt  }
0x7c: {  	_ =	shalt  }
0x7d: {  	_ =	shalt  }
0x7e: {  	_ =	shalt  }
0x7f: {  	_ =	shalt  }
0x80: {  	_ =	shalt  }
0x81: {  	_ =	shalt  }
0x82: {  	_ =	shalt  }
0x83: {  	_ =	shalt  }
0x84: {  	_ =	shalt  }
0x85: {  	_ =	shalt  }
0x86: {  	_ =	shalt  }
0x87: {  	_ =	shalt  }
.Lfunc_end0:
.L_simem_size_0:
called_computation_lowered:
.L_overlay_start_0:
0x88: {  	s2 =	sld [smem:$0x3FD9]  }
0x89: {  	s3 =	sld [smem:$0x3FFE];
	_ =	sdelay $0x1  }
0x8a: {  	s1 =	srdreg.scid  }
0x8b: {  	s0 =	sand.u32 $0x1, s1  }
0x8c: {  	s17 =	sshll.u32 s0, $0xA;
	s2 =	sadd.s32 s3, s2  }
0x8d: {  	s2 =	sadd.s32 s2, s17  }
0x8e: {  	[smem:$0x3FC6] =	sst s2  }
0x8f: {  	_ = 	snop  }
0x90: {  	s2 =	sld [smem:$0x3FD0];
	(tm) =	ssettm $0x1  }
0x91: {  	s18 =	sld [smem:$0x3FFB];
	_ =	sdelay $0x3  }
0x92: {  	_ =	strace s18  }
0x93: {  	s3 =	sld [smem:$0x3FFC];
	_ =	sdelay $0x3  }
0x94: {  	_ =	strace s3  }
0x95: {  	s3 =	sld [smem:$0x3FFD];
	_ =	sdelay $0x3  }
0x96: {  	_ =	strace s3  }
0x97: {  	_ =	strace $0x8FFFFFFF  }
0x98: {  	s19 =	sld [smem:$0x3FDB];
	_ =	sdelay $0x1  }
0x99: {  	s4 =	simm.s32 $_scs_section_size  }
0x9a: {  	s5 =	simm.s32 $_size__tile_overlayer_lowered;
	s6 =	simm.s32 $_tile_overlayer_lowered  }
0x9b: {  	s22 =	simm.s32 $0x1BFF;
	s21 =	sshll.u32 s6, $0x1;
	s3 =	sadd.s32 s4, s19  }
0x9c: {  	s7 =	simm.s32 $0x0;
	s20 =	sshll.u32 s5, $0x1;
	s5 =	sadd.s32 s21, s3  }
0x9d: {  	[timem:s7], [sflag:s22] =	dma.local [hbm:s5], s20  }
0x9e: {  	_ =	swait.ge [sflag:s22], s20  }
0x9f: {  	s4 =	ssub.s32 $0x0, s20;
	[sflag:s22] =	ssyncset.done $0x0  }
0xa0: {  	[sflag:s22] =	ssyncadd.s32 s4;
	_ =	sdelay $0x1  }
0xa1: {  	s23 =	simm.s32 $0x1B8B  }
0xa2: {  	_ =	swait.ge [sflag:s23], $0x1  }
0xa3: {  	[sflag:s23] =	ssyncset.done $0x0  }
0xa4: {  	s25 =	simm.s32 $0x1B8E;
	s24 =	sld [smem:$0x3FFE];
	[sflag:s23] =	ssyncadd.s32 $0xFFFFFFFF  }
0xa5: {  	s26 =	simm.s32 $execute0_lowered;
	[smem:$0x3FD2] =	sst s25  }
0xa6: {  	s5 =	sshll.u32 s26, $0x1;
	_ =	strace $0x80000046;
	[dreg:$0x1] =	wrdreg $0xFFFFFFFF  }
0xa7: {  	s28 =	simm.s32 $_size_execute0_lowered;
	s3 =	sadd.s32 s3, s5;
	[dreg:$0x0] =	wrdreg $0x0  }
0xa8: {  	s5 =	sshll.u32 s28, $0x1;
	[dreg:$0x2] =	wrdreg s3  }
0xa9: {  	[dreg:$0x3] =	wrdreg s5  }
0xaa: {  	[dreg:$0x4] =	wrdreg $0xC0  }
0xab: {  	_ =	task [dreg:s7], $0x5FFFF  }
0xac: {  	[dreg:$0x1] =	wrdreg $0xFFFFFFFF  }
0xad: {  	[dreg:$0x0] =	wrdreg $0x60  }
0xae: {  	[dreg:$0x2] =	wrdreg s24  }
0xaf: {  	[dreg:$0x3] =	wrdreg s2  }
0xb0: {  	[dreg:$0x4] =	wrdreg $0x9  }
0xb1: {  	_ =	task.clear_ibuf [dreg:s7], $0x5FFFF;
	_ =	strace $0x90000046  }
0xb2: {  	s29 =	simm.s32 $0x9;
	_ =	strace $0x80000048  }
0xb3: {  	_ =	swait.ge [sflag:s29], $0x1  }
0xb4: {  	[sflag:s29] =	ssyncadd.s32 $0xFFFFFFFF  }
0xb5: {  	_ =	strace $0x90000048  }
0xb6: {  	_ =	sfence  }
0xb7: {  	s30 =	sld [smem:$0x0];
	_ =	sdelay $0x2  }
0xb8: {  	s31 =	sshll.u32 s1, $0xD;
	s1 =	sshrl.u32 s1, $0x2  }
0xb9: {  	s3 =	sand.u32 $0x4000, s31;
	s1 =	sadd.s32 s1, s30  }
0xba: {  	s0 =	sor.u32 s3, s0;
	s1 =	sshll.u32 s1, $0x11  }
0xbb: {  	s0 =	sor.u32 s1, s0  }
0xbc: {  	s0 =	sadd.s32 $0x8F2B, s0  }
0xbd: {  	[sflag:s0] =	ssyncadd.remote.s32 $0x1  }
0xbe: {  	_ =	sfence.sel $0xFFFF  }
0xbf: {  	[dreg:$0x0] =	wrdreg $0xFFFFFFFF;
	(pc) =	sbr.abs _section_cstart, $3  }
0xc0: {  	[dreg:$0x1] =	wrdreg $0xFFFFFFFF  }
0xc1: {  	_ =	task.clear_ibuf [dreg:s7], $0x2FFFF;
	_ =	strace $0x9FFFFFFF  }
0xc2: {  	(tm) =	ssettm $0x7FFFFFFF  }
0xc3: {  	_ =	shalt  }
tec
execute0_lowered:
.L_overlay_start_1:
0x0: {  	(tag) =	ssettag $0x1  }
0x1: {  	s0 =	rddreg [dreg:$0x0]  }
0x2: {  	s1 =	srdreg.scid;
	s3 =	stileid.u32  }
0x3: {  	s2 =	rddreg [dreg:$0x1];
	s28 =	simm.s32 $0xC00;
	s29 =	simm.s32 $0x48  }
0x4: {  	s30 =	simm.s32 $0x4C00;
	s12 =	simm.s32 $0x4C8;
	s13 =	simm.s32 $0x590  }
0x5: {  	s14 =	simm.s32 $0x658;
	s1 =	sand.u32 $0x1, s1;
	s4 =	sshll.u32 s3, $0x1  }
0x6: {  	s3 =	simm.s32 $0x0;
	s4 =	sor.u32 s1, s4;
	s17 =	ssub.s32 $0x2, s1  }
0x7: {  	s5 =	sadd.s32 $0xE00, s0;
	s8 =	smul.u32 $0xC8, s4;
	s19 =	sshrl.u32 s17, $0x1  }
0x8: {  	s6 =	sadd.s32 $0x10400, s0;
	s7 =	sadd.s32 $0x600, s0;
	s0 =	ssub.s32 s17, s19  }
0x9: {  	[smem:$0x7FF] =	sst s3;
	s18 =	sshrl.u32 s8, $0x3;
	s0 =	smax.u32 s0, $0x1  }
0xa: {  	_ =	strace $0x80000047;
	s1 =	sadd.s32 s5, s18;
	[dreg:$0xd] =	wrdreg s0  }
0xb: {  	s15 =	simm.s32 $0x720;
	s20 =	sadd.s32 $0x30D4, s1;
	[dreg:$0x3] =	wrdreg s1  }
0xc: {  	s16 =	simm.s32 $0x7000;
	s21 =	sadd.s32 $0x61A8, s1;
	[dreg:$0x4] =	wrdreg s20  }
0xd: {  	s10 =	simm.s32 $0x5;
	s22 =	sadd.s32 $0x927C, s1;
	[dreg:$0x5] =	wrdreg s21  }
0xe: {  	s11 =	simm.s32 $0x0;
	s23 =	sadd.s32 $0xC350, s1;
	[dreg:$0x6] =	wrdreg s22  }
0xf: {  	s9 =	ssub.s32 $0x1F3, s4;
	s24 =	sadd.s32 $0x320, s1;
	[dreg:$0x7] =	wrdreg s23  }
0x10: {  	s9 =	sshrl.u32 s9, $0x5;
	s25 =	sadd.s32 $0x33F4, s1;
	[dreg:$0x8] =	wrdreg s24  }
.Ltmp0:
0x11: {  	s26 =	sadd.s32 $0x64C8, s1;
	[dreg:$0x9] =	wrdreg s25;
	(pc) =	sbr.rel .LBB2_1-.Ltmp0, $4  }
0x12: {  	s19 =	sor.u32 $0x20, s4;
	s31 =	sadd.s32 $0x959C, s1;
	[dreg:$0xa] =	wrdreg s26  }
0x13: {  	s17 =	simm.s32 $0xD400;
	s1 =	sadd.s32 $0xC670, s1;
	[dreg:$0xb] =	wrdreg s31  }
0x14: {  	s18 =	simm.s32 $0xB000;
	s0 =	simm.s32 $0x4;
	[dreg:$0xc] =	wrdreg s1  }
0x15: {  	v0 =	vimm.f32 $0.0e+00;
	s21 =	simm.s32 $0x7;
	s26 =	simm.s32 $0x80;
	s20 =	simm.s32 $0x11400  }
.LBB2_19:
0x16: {  	_ =	swait.ge [sflag:s0], $0x6400  }
0x17: {  	[sflag:s0] =	ssyncset.done $0x0  }
0x18: {  	[sflag:s0] =	ssyncadd.s32 $0xFFFF9C00  }
0x19: {  	_ =	swait.ge [sflag:s10], $0x6400  }
0x1a: {  	[sflag:s10] =	ssyncset.done $0x0  }
0x1b: {  	s8 =	simm.s32 $0x6;
	[sflag:s10] =	ssyncadd.s32 $0xFFFF9C00  }
0x1c: {  	_ =	swait.ge [sflag:s8], $0x6400  }
0x1d: {  	s11 =	rddreg [dreg:$0xe]  }
0x1e: {  	s1 =	rddreg [dreg:$0xd];
	s11 =	sadd.s32 $0x1, s11  }
0x1f: {  	p0 =	sne.s32 s11, s1  }
.Ltmp1:
0x20: {  	_ = 	snop;
	(pc) =	sbr.rel @!p0 .LBB2_20-.Ltmp1, $3  }
0x21: {  	_ =	sdelay $0x1  }
0x22: {  	[sflag:s8] =	ssyncset.done $0x0  }
0x23: {  	[sflag:s8] =	ssyncadd.s32 $0xFFFF9C00  }
.LBB2_1:
0x24: {  	[dreg:$0xe] =	wrdreg s11;
	s1 =	simm.s32 $0x0;
	s8 =	simm.s32 $0x200  }
.LBB2_2:
0x25: {  	p0 =	sne.s32 s8, $0x18E00;
	[tilespmem:s1+$0xC70] =	vst v0  }
0x26: {  	[tilespmem:s1+$0xC00] =	vst v0  }
0x27: {  	[tilespmem:s1+$0xC10] =	vst v0  }
.Ltmp2:
0x28: {  	[tilespmem:s1+$0xC20] =	vst v0;
	(pc) =	sbr.rel @p0 .LBB2_2-.Ltmp2, $4  }
0x29: {  	[tilespmem:s1+$0xC30] =	vst v0  }
0x2a: {  	[tilespmem:s1+$0xC40] =	vst v0  }
0x2b: {  	[tilespmem:s1+$0xC50] =	vst v0  }
0x2c: {  	[tilespmem:s1+$0xC60] =	vst v0;
	s1 =	sshra.s32 s8, $0x2;
	s8 =	sadd.s32 $0x200, s8  }
0x2d: {  	[tilespmem:s1+$0xC70] =	vst v0  }
0x2e: {  	[tilespmem:s1+$0xC00] =	vst v0  }
0x2f: {  	[tilespmem:s1+$0xC10] =	vst v0  }
0x30: {  	[tilespmem:s1+$0xC20] =	vst v0  }
0x31: {  	[tilespmem:s1+$0xC30] =	vst v0  }
0x32: {  	[tilespmem:s1+$0xC40] =	vst v0  }
0x33: {  	[tilespmem:s1+$0xC50] =	vst v0  }
0x34: {  	[tilespmem:s1+$0xC60] =	vst v0;
	s1 =	simm.s32 $0x0;
	s8 =	rddreg [dreg:$0x3]  }
0x35: {  	[tilespmem:s1], [sflag:$0x7] =	stream.linear.gather [hbm4b:s8+s1], $0xC8, $0x38;
	[tilespmem:$0x13800] =	vst v63  }
0x36: {  	_ =	swait.ge [sflag:s21], $0xC8  }
0x37: {  	[sflag:s21] =	ssyncset.done $0x0  }
0x38: {  	s22 =	simm.s32 $0xC8;
	s24 =	rddreg [dreg:$0x4];
	[sflag:s21] =	ssyncadd.s32 $0xFFFFFF38  }
0x39: {  	[tilespmem:s22], [sflag:$0x7] =	stream.linear.gather [hbm4b:s24+s1], $0xC8, $0x38;
	[tilespmem:$0x13800] =	vst v63  }
0x3a: {  	_ =	swait.ge [sflag:s21], $0xC8  }
0x3b: {  	[sflag:s21] =	ssyncset.done $0x0  }
0x3c: {  	s23 =	simm.s32 $0x190;
	s25 =	rddreg [dreg:$0x5];
	[sflag:s21] =	ssyncadd.s32 $0xFFFFFF38  }
0x3d: {  	[tilespmem:s23], [sflag:$0x7] =	stream.linear.gather [hbm4b:s25+s1], $0xC8, $0x38;
	[tilespmem:$0x13800] =	vst v63  }
0x3e: {  	_ =	swait.ge [sflag:s21], $0xC8  }
0x3f: {  	[sflag:s21] =	ssyncset.done $0x0  }
0x40: {  	s24 =	simm.s32 $0x258;
	s31 =	rddreg [dreg:$0x6];
	[sflag:s21] =	ssyncadd.s32 $0xFFFFFF38  }
0x41: {  	[tilespmem:s24], [sflag:$0x7] =	stream.linear.gather [hbm4b:s31+s1], $0xC8, $0x38;
	[tilespmem:$0x13800] =	vst v63  }
0x42: {  	_ =	swait.ge [sflag:s21], $0xC8  }
0x43: {  	[sflag:s21] =	ssyncset.done $0x0  }
0x44: {  	s25 =	simm.s32 $0x320;
	s11 =	rddreg [dreg:$0x7];
	[sflag:s21] =	ssyncadd.s32 $0xFFFFFF38  }
0x45: {  	[tilespmem:s25], [sflag:$0x7] =	stream.linear.gather [hbm4b:s11+s1], $0xC8, $0x38;
	[tilespmem:$0x13800] =	vst v63  }
0x46: {  	_ =	swait.ge [sflag:s21], $0xC8  }
0x47: {  	[sflag:s21] =	ssyncset.done $0x0  }
0x48: {  	[sflag:s21] =	ssyncadd.s32 $0xFFFFFF38  }
0x49: {  	[tilespmem:s28], [sflag:$0x1] =	stream.indirect.gather.add.f32 [hbm:s6], $0x80, s1, s26, $0xb8;
	[tilespmem:$0x13800] =	vst v63  }
0x4a: {  	_ = 	snop  }
0x4b: {  	[tilespmem:s30], [sflag:$0x1] =	stream.indirect.gather.add.f32 [hbm:s6], $0x80, s26, s29, $0xb8;
	[tilespmem:$0x13800] =	vst v63  }
0x4c: {  	_ = 	snop  }
0x4d: {  	[tilespmem:s28], [sflag:$0x1] =	stream.indirect.gather.add.f32 [hbm:s6], $0x80, s22, s26, $0xb8;
	[tilespmem:$0x13800] =	vst v63  }
0x4e: {  	s22 =	simm.s32 $0x148  }
0x4f: {  	[tilespmem:s30], [sflag:$0x1] =	stream.indirect.gather.add.f32 [hbm:s6], $0x80, s22, s29, $0xb8;
	[tilespmem:$0x13800] =	vst v63  }
0x50: {  	_ = 	snop  }
0x51: {  	[tilespmem:s28], [sflag:$0x1] =	stream.indirect.gather.add.f32 [hbm:s6], $0x80, s23, s26, $0xb8;
	[tilespmem:$0x13800] =	vst v63  }
0x52: {  	s23 =	simm.s32 $0x210  }
0x53: {  	[tilespmem:s30], [sflag:$0x1] =	stream.indirect.gather.add.f32 [hbm:s6], $0x80, s23, s29, $0xb8;
	[tilespmem:$0x13800] =	vst v63  }
0x54: {  	_ = 	snop  }
0x55: {  	[tilespmem:s28], [sflag:$0x1] =	stream.indirect.gather.add.f32 [hbm:s6], $0x80, s24, s26, $0xb8;
	[tilespmem:$0x13800] =	vst v63  }
0x56: {  	s24 =	simm.s32 $0x2D8  }
0x57: {  	[tilespmem:s30], [sflag:$0x1] =	stream.indirect.gather.add.f32 [hbm:s6], $0x80, s24, s29, $0xb8;
	[tilespmem:$0x13800] =	vst v63  }
0x58: {  	_ = 	snop  }
0x59: {  	[tilespmem:s28], [sflag:$0x1] =	stream.indirect.gather.add.f32 [hbm:s7], $0x80, s25, s26, $0xb8;
	[tilespmem:$0x13800] =	vst v63  }
0x5a: {  	s8 =	simm.s32 $0x200;
	s31 =	simm.s32 $0x3A0;
	s1 =	simm.s32 $0x0  }
0x5b: {  	[tilespmem:s30], [sflag:$0x1] =	stream.indirect.gather.add.f32 [hbm:s7], $0x80, s31, s29, $0xb8;
	[tilespmem:$0x13800] =	vst v63  }
.LBB2_4:
0x5c: {  	p0 =	sne.s32 s8, $0x18E00;
	[tilespmem:s1+$0x7070] =	vst v0  }
0x5d: {  	[tilespmem:s1+$0x7000] =	vst v0  }
0x5e: {  	[tilespmem:s1+$0x7010] =	vst v0  }
.Ltmp3:
0x5f: {  	[tilespmem:s1+$0x7020] =	vst v0;
	(pc) =	sbr.rel @p0 .LBB2_4-.Ltmp3, $4  }
0x60: {  	[tilespmem:s1+$0x7030] =	vst v0  }
0x61: {  	[tilespmem:s1+$0x7040] =	vst v0  }
0x62: {  	[tilespmem:s1+$0x7050] =	vst v0  }
0x63: {  	[tilespmem:s1+$0x7060] =	vst v0;
	s1 =	sshra.s32 s8, $0x2;
	s8 =	sadd.s32 $0x200, s8  }
0x64: {  	[tilespmem:s1+$0x7070] =	vst v0  }
0x65: {  	[tilespmem:s1+$0x7000] =	vst v0  }
0x66: {  	[tilespmem:s1+$0x7010] =	vst v0  }
0x67: {  	[tilespmem:s1+$0x7020] =	vst v0  }
0x68: {  	[tilespmem:s1+$0x7030] =	vst v0  }
0x69: {  	[tilespmem:s1+$0x7040] =	vst v0  }
0x6a: {  	[tilespmem:s1+$0x7050] =	vst v0  }
0x6b: {  	[tilespmem:s1+$0x7060] =	vst v0;
	s8 =	simm.s32 $0x0;
	s22 =	rddreg [dreg:$0x8];
	s11 =	simm.s32 $0x400  }
0x6c: {  	[tilespmem:s11], [sflag:$0x7] =	stream.linear.gather [hbm4b:s22+s8], $0xC8, $0x38;
	[tilespmem:$0x13800] =	vst v63  }
0x6d: {  	_ =	swait.ge [sflag:s21], $0xC8  }
0x6e: {  	[sflag:s21] =	ssyncset.done $0x0  }
0x6f: {  	s23 =	rddreg [dreg:$0x9];
	[sflag:s21] =	ssyncadd.s32 $0xFFFFFF38  }
0x70: {  	[tilespmem:s12], [sflag:$0x7] =	stream.linear.gather [hbm4b:s23+s8], $0xC8, $0x38;
	[tilespmem:$0x13800] =	vst v63  }
0x71: {  	_ =	swait.ge [sflag:s21], $0xC8  }
0x72: {  	[sflag:s21] =	ssyncset.done $0x0  }
0x73: {  	s24 =	rddreg [dreg:$0xa];
	[sflag:s21] =	ssyncadd.s32 $0xFFFFFF38  }
0x74: {  	[tilespmem:s13], [sflag:$0x7] =	stream.linear.gather [hbm4b:s24+s8], $0xC8, $0x38;
	[tilespmem:$0x13800] =	vst v63  }
0x75: {  	_ =	swait.ge [sflag:s21], $0xC8  }
0x76: {  	[sflag:s21] =	ssyncset.done $0x0  }
0x77: {  	s25 =	rddreg [dreg:$0xb];
	[sflag:s21] =	ssyncadd.s32 $0xFFFFFF38  }
0x78: {  	[tilespmem:s14], [sflag:$0x7] =	stream.linear.gather [hbm4b:s25+s8], $0xC8, $0x38;
	[tilespmem:$0x13800] =	vst v63  }
0x79: {  	_ =	swait.ge [sflag:s21], $0xC8  }
0x7a: {  	[sflag:s21] =	ssyncset.done $0x0  }
0x7b: {  	s31 =	rddreg [dreg:$0xc];
	[sflag:s21] =	ssyncadd.s32 $0xFFFFFF38  }
0x7c: {  	[tilespmem:s15], [sflag:$0x7] =	stream.linear.gather [hbm4b:s31+s8], $0xC8, $0x38;
	[tilespmem:$0x13800] =	vst v63  }
0x7d: {  	_ =	swait.ge [sflag:s21], $0xC8  }
0x7e: {  	[sflag:s21] =	ssyncset.done $0x0  }
0x7f: {  	[sflag:s21] =	ssyncadd.s32 $0xFFFFFF38  }
0x80: {  	[tilespmem:s16], [sflag:$0x2] =	stream.indirect.gather.add.f32 [hbm:s6], $0x80, s11, s26, $0xb8;
	[tilespmem:$0x13800] =	vst v63  }
0x81: {  	s22 =	simm.s32 $0x480  }
0x82: {  	[tilespmem:s18], [sflag:$0x2] =	stream.indirect.gather.add.f32 [hbm:s6], $0x80, s22, s29, $0xb8;
	[tilespmem:$0x13800] =	vst v63  }
0x83: {  	_ = 	snop  }
0x84: {  	[tilespmem:s16], [sflag:$0x2] =	stream.indirect.gather.add.f32 [hbm:s6], $0x80, s12, s26, $0xb8;
	[tilespmem:$0x13800] =	vst v63  }
0x85: {  	s23 =	simm.s32 $0x548  }
0x86: {  	[tilespmem:s18], [sflag:$0x2] =	stream.indirect.gather.add.f32 [hbm:s6], $0x80, s23, s29, $0xb8;
	[tilespmem:$0x13800] =	vst v63  }
0x87: {  	_ = 	snop  }
0x88: {  	[tilespmem:s16], [sflag:$0x2] =	stream.indirect.gather.add.f32 [hbm:s6], $0x80, s13, s26, $0xb8;
	[tilespmem:$0x13800] =	vst v63  }
0x89: {  	s24 =	simm.s32 $0x610  }
0x8a: {  	[tilespmem:s18], [sflag:$0x2] =	stream.indirect.gather.add.f32 [hbm:s6], $0x80, s24, s29, $0xb8;
	[tilespmem:$0x13800] =	vst v63  }
0x8b: {  	_ = 	snop  }
0x8c: {  	[tilespmem:s16], [sflag:$0x2] =	stream.indirect.gather.add.f32 [hbm:s6], $0x80, s14, s26, $0xb8;
	[tilespmem:$0x13800] =	vst v63  }
0x8d: {  	s25 =	simm.s32 $0x6D8  }
0x8e: {  	[tilespmem:s18], [sflag:$0x2] =	stream.indirect.gather.add.f32 [hbm:s6], $0x80, s25, s29, $0xb8;
	[tilespmem:$0x13800] =	vst v63  }
.Ltmp4:
0x8f: {  	_ = 	snop;
	(pc) =	sbr.rel .LBB2_6-.Ltmp4, $4  }
0x90: {  	_ = 	snop  }
0x91: {  	[tilespmem:s16], [sflag:$0x2] =	stream.indirect.gather.add.f32 [hbm:s7], $0x80, s15, s26, $0xb8;
	[tilespmem:$0x13800] =	vst v63  }
0x92: {  	s31 =	simm.s32 $0x7A0  }
0x93: {  	[tilespmem:s18], [sflag:$0x2] =	stream.indirect.gather.add.f32 [hbm:s7], $0x80, s31, s29, $0xb8;
	[tilespmem:$0x13800] =	vst v63  }
.LBB2_18:
0x94: {  	s8 =	sadd.s32 $0x1, s8  }
0x95: {  	p0 =	sne.s32 s8, $0x6  }
.Ltmp5:
0x96: {  	_ = 	snop;
	(pc) =	sbr.rel @!p0 .LBB2_19-.Ltmp5, $1  }
0x97: {  	_ =	sdelay $0x3  }
.LBB2_6:
0x98: {  	s31 =	smul.u32 $0x3, s8;
	_ =	sdelay $0x1  }
0x99: {  	p0 =	sgt.u32 s31, s9  }
0x9a: {  	s1 =	simm.s32 @!p0 $0x1  }
0x9b: {  	_ =	swait.ge @!p0 [sflag:s1], $0x4000  }
0x9c: {  	[sflag:s1] =	ssyncset.done @!p0 $0x0  }
0x9d: {  	[sflag:s1] =	ssyncadd.s32 @!p0 $0xFFFFC000  }
0x9e: {  	_ =	swait.ge @!p0 [sflag:s1], $0x2400  }
0x9f: {  	[sflag:s1] =	ssyncset.done @!p0 $0x0  }
0xa0: {  	[sflag:s1] =	ssyncadd.s32 @!p0 $0xFFFFDC00  }
0xa1: {  	_ =	swait.ge @!p0 [sflag:s1], $0x4000  }
0xa2: {  	[sflag:s1] =	ssyncset.done @!p0 $0x0  }
0xa3: {  	[sflag:s1] =	ssyncadd.s32 @!p0 $0xFFFFC000  }
0xa4: {  	_ =	swait.ge @!p0 [sflag:s1], $0x2400  }
0xa5: {  	[sflag:s1] =	ssyncset.done @!p0 $0x0  }
0xa6: {  	[sflag:s1] =	ssyncadd.s32 @!p0 $0xFFFFDC00  }
0xa7: {  	_ =	swait.ge @!p0 [sflag:s1], $0x4000  }
0xa8: {  	[sflag:s1] =	ssyncset.done @!p0 $0x0  }
0xa9: {  	[sflag:s1] =	ssyncadd.s32 @!p0 $0xFFFFC000  }
0xaa: {  	_ =	swait.ge @!p0 [sflag:s1], $0x2400  }
0xab: {  	[sflag:s1] =	ssyncset.done @!p0 $0x0  }
0xac: {  	[sflag:s1] =	ssyncadd.s32 @!p0 $0xFFFFDC00  }
0xad: {  	_ =	swait.ge @!p0 [sflag:s1], $0x4000  }
0xae: {  	[sflag:s1] =	ssyncset.done @!p0 $0x0  }
0xaf: {  	[sflag:s1] =	ssyncadd.s32 @!p0 $0xFFFFC000  }
0xb0: {  	_ =	swait.ge @!p0 [sflag:s1], $0x2400  }
0xb1: {  	[sflag:s1] =	ssyncset.done @!p0 $0x0  }
0xb2: {  	[sflag:s1] =	ssyncadd.s32 @!p0 $0xFFFFDC00  }
0xb3: {  	s22 =	smul.u32 @!p0 $0x60, s8;
	_ =	swait.ge @!p0 [sflag:s1], $0x4000  }
0xb4: {  	[sflag:s1] =	ssyncset.done @!p0 $0x0  }
0xb5: {  	s22 =	sor.u32 @!p0 s4, s22;
	[sflag:s1] =	ssyncadd.s32 @!p0 $0xFFFFC000  }
0xb6: {  	s22 =	smul.u32 @!p0 $0xC80, s22;
	_ =	swait.ge @!p0 [sflag:s1], $0x2400  }
0xb7: {  	s23 =	simm.s32 @!p0 $0xC00;
	[sflag:s1] =	ssyncset.done @!p0 $0x0  }
0xb8: {  	[sflag:s1] =	ssyncadd.s32 @!p0 $0xFFFFDC00;
	s1 =	sadd.s32 @!p0 s2, s22;
	s22 =	simm.s32 @!p0 $0x0  }
0xb9: {  	[hbm4b:s1+s22] =	stream.linear.scatter @!p0 [tilespmem:s23], [sflag:$0x4], $0x6400, $0x38;
	[tilespmem:$0x13800] =	vst v63  }
0xba: {  	s1 =	sadd.s32 @!p0 $0x2, s31  }
0xbb: {  	p1 =	sgt.u32 @!p0 s1, s9  }
0xbc: {  	p0 =	por p0, p1  }
.Ltmp6:
0xbd: {  	_ = 	snop;
	(pc) =	sbr.rel @p0 .LBB2_10-.Ltmp6, $1  }
0xbe: {  	_ =	sdelay $0x3  }
0xbf: {  	p0 =	seq.s32 s8, $0x0  }
0xc0: {  	s22 =	simm.s32 @!p0 $0x6  }
0xc1: {  	s1 =	sshll.u32 s1, $0x5;
	_ =	swait.ge @!p0 [sflag:s22], $0x6400  }
0xc2: {  	s23 =	simm.s32 $0x200;
	s1 =	sor.u32 s4, s1;
	[sflag:s22] =	ssyncset.done @!p0 $0x0  }
0xc3: {  	s1 =	smul.u32 $0xC8, s1;
	[sflag:s22] =	ssyncadd.s32 @!p0 $0xFFFF9C00;
	s22 =	simm.s32 $0x0  }
.LBB2_8:
0xc4: {  	p0 =	sne.s32 s23, $0x18E00;
	[tilespmem:s22+$0xD470] =	vst v0  }
0xc5: {  	[tilespmem:s22+$0xD400] =	vst v0  }
0xc6: {  	[tilespmem:s22+$0xD410] =	vst v0  }
.Ltmp7:
0xc7: {  	[tilespmem:s22+$0xD420] =	vst v0;
	(pc) =	sbr.rel @p0 .LBB2_8-.Ltmp7, $4  }
0xc8: {  	[tilespmem:s22+$0xD430] =	vst v0  }
0xc9: {  	[tilespmem:s22+$0xD440] =	vst v0  }
0xca: {  	[tilespmem:s22+$0xD450] =	vst v0  }
0xcb: {  	[tilespmem:s22+$0xD460] =	vst v0;
	s22 =	sshra.s32 s23, $0x2;
	s23 =	sadd.s32 $0x200, s23  }
0xcc: {  	[tilespmem:s22+$0xD470] =	vst v0  }
0xcd: {  	[tilespmem:s22+$0xD400] =	vst v0  }
0xce: {  	[tilespmem:s22+$0xD410] =	vst v0  }
0xcf: {  	[tilespmem:s22+$0xD420] =	vst v0  }
0xd0: {  	[tilespmem:s22+$0xD430] =	vst v0  }
0xd1: {  	[tilespmem:s22+$0xD440] =	vst v0  }
0xd2: {  	[tilespmem:s22+$0xD450] =	vst v0;
	s1 =	sshrl.u32 s1, $0x3  }
0xd3: {  	[tilespmem:s22+$0xD460] =	vst v0;
	s23 =	simm.s32 $0x800;
	s1 =	sadd.s32 s5, s1  }
0xd4: {  	[tilespmem:s23], [sflag:$0x7] =	stream.linear.gather [hbm4b:s1+s3], $0xC8, $0x38;
	[tilespmem:$0x13800] =	vst v63  }
0xd5: {  	_ =	swait.ge [sflag:s21], $0xC8  }
0xd6: {  	[sflag:s21] =	ssyncset.done $0x0  }
0xd7: {  	s24 =	simm.s32 $0x8C8;
	s25 =	sadd.s32 $0x30D4, s1;
	[sflag:s21] =	ssyncadd.s32 $0xFFFFFF38  }
0xd8: {  	[tilespmem:s24], [sflag:$0x7] =	stream.linear.gather [hbm4b:s25+s3], $0xC8, $0x38;
	[tilespmem:$0x13800] =	vst v63  }
0xd9: {  	_ =	swait.ge [sflag:s21], $0xC8  }
0xda: {  	[sflag:s21] =	ssyncset.done $0x0  }
0xdb: {  	s11 =	sadd.s32 $0x61A8, s1;
	s25 =	simm.s32 $0x990;
	[sflag:s21] =	ssyncadd.s32 $0xFFFFFF38  }
0xdc: {  	[tilespmem:s25], [sflag:$0x7] =	stream.linear.gather [hbm4b:s11+s3], $0xC8, $0x38;
	[tilespmem:$0x13800] =	vst v63  }
0xdd: {  	_ =	swait.ge [sflag:s21], $0xC8  }
0xde: {  	[sflag:s21] =	ssyncset.done $0x0  }
0xdf: {  	s22 =	sadd.s32 $0x927C, s1;
	s11 =	simm.s32 $0xA58;
	[sflag:s21] =	ssyncadd.s32 $0xFFFFFF38  }
0xe0: {  	[tilespmem:s11], [sflag:$0x7] =	stream.linear.gather [hbm4b:s22+s3], $0xC8, $0x38;
	[tilespmem:$0x13800] =	vst v63  }
0xe1: {  	_ =	swait.ge [sflag:s21], $0xC8  }
0xe2: {  	[sflag:s21] =	ssyncset.done $0x0  }
0xe3: {  	s1 =	sadd.s32 $0xC350, s1;
	s22 =	simm.s32 $0xB20;
	[sflag:s21] =	ssyncadd.s32 $0xFFFFFF38  }
0xe4: {  	[tilespmem:s22], [sflag:$0x7] =	stream.linear.gather [hbm4b:s1+s3], $0xC8, $0x38;
	[tilespmem:$0x13800] =	vst v63  }
0xe5: {  	_ =	swait.ge [sflag:s21], $0xC8  }
0xe6: {  	[sflag:s21] =	ssyncset.done $0x0  }
0xe7: {  	[sflag:s21] =	ssyncadd.s32 $0xFFFFFF38  }
0xe8: {  	[tilespmem:s17], [sflag:$0x3] =	stream.indirect.gather.add.f32 [hbm:s6], $0x80, s23, s26, $0xb8;
	[tilespmem:$0x13800] =	vst v63  }
0xe9: {  	s23 =	simm.s32 $0x880  }
0xea: {  	[tilespmem:s20], [sflag:$0x3] =	stream.indirect.gather.add.f32 [hbm:s6], $0x80, s23, s29, $0xb8;
	[tilespmem:$0x13800] =	vst v63  }
0xeb: {  	_ = 	snop  }
0xec: {  	[tilespmem:s17], [sflag:$0x3] =	stream.indirect.gather.add.f32 [hbm:s6], $0x80, s24, s26, $0xb8;
	[tilespmem:$0x13800] =	vst v63  }
0xed: {  	s24 =	simm.s32 $0x948  }
0xee: {  	[tilespmem:s20], [sflag:$0x3] =	stream.indirect.gather.add.f32 [hbm:s6], $0x80, s24, s29, $0xb8;
	[tilespmem:$0x13800] =	vst v63  }
0xef: {  	_ = 	snop  }
0xf0: {  	[tilespmem:s17], [sflag:$0x3] =	stream.indirect.gather.add.f32 [hbm:s6], $0x80, s25, s26, $0xb8;
	[tilespmem:$0x13800] =	vst v63  }
0xf1: {  	s23 =	simm.s32 $0xA10  }
0xf2: {  	[tilespmem:s20], [sflag:$0x3] =	stream.indirect.gather.add.f32 [hbm:s6], $0x80, s23, s29, $0xb8;
	[tilespmem:$0x13800] =	vst v63  }
0xf3: {  	_ = 	snop  }
0xf4: {  	[tilespmem:s17], [sflag:$0x3] =	stream.indirect.gather.add.f32 [hbm:s6], $0x80, s11, s26, $0xb8;
	[tilespmem:$0x13800] =	vst v63  }
0xf5: {  	s24 =	simm.s32 $0xAD8  }
0xf6: {  	[tilespmem:s20], [sflag:$0x3] =	stream.indirect.gather.add.f32 [hbm:s6], $0x80, s24, s29, $0xb8;
	[tilespmem:$0x13800] =	vst v63  }
0xf7: {  	_ = 	snop  }
0xf8: {  	[tilespmem:s17], [sflag:$0x3] =	stream.indirect.gather.add.f32 [hbm:s7], $0x80, s22, s26, $0xb8;
	[tilespmem:$0x13800] =	vst v63  }
0xf9: {  	s25 =	simm.s32 $0xBA0  }
0xfa: {  	[tilespmem:s20], [sflag:$0x3] =	stream.indirect.gather.add.f32 [hbm:s7], $0x80, s25, s29, $0xb8;
	[tilespmem:$0x13800] =	vst v63  }
.LBB2_10:
0xfb: {  	p0 =	sge.u32 s31, s9  }
0xfc: {  	s1 =	simm.s32 @!p0 $0x2  }
0xfd: {  	_ =	swait.ge @!p0 [sflag:s1], $0x4000  }
0xfe: {  	[sflag:s1] =	ssyncset.done @!p0 $0x0  }
0xff: {  	[sflag:s1] =	ssyncadd.s32 @!p0 $0xFFFFC000  }
0x100: {  	_ =	swait.ge @!p0 [sflag:s1], $0x2400  }
0x101: {  	[sflag:s1] =	ssyncset.done @!p0 $0x0  }
0x102: {  	[sflag:s1] =	ssyncadd.s32 @!p0 $0xFFFFDC00  }
0x103: {  	_ =	swait.ge @!p0 [sflag:s1], $0x4000  }
0x104: {  	[sflag:s1] =	ssyncset.done @!p0 $0x0  }
0x105: {  	[sflag:s1] =	ssyncadd.s32 @!p0 $0xFFFFC000  }
0x106: {  	_ =	swait.ge @!p0 [sflag:s1], $0x2400  }
0x107: {  	[sflag:s1] =	ssyncset.done @!p0 $0x0  }
0x108: {  	[sflag:s1] =	ssyncadd.s32 @!p0 $0xFFFFDC00  }
0x109: {  	_ =	swait.ge @!p0 [sflag:s1], $0x4000  }
0x10a: {  	[sflag:s1] =	ssyncset.done @!p0 $0x0  }
0x10b: {  	[sflag:s1] =	ssyncadd.s32 @!p0 $0xFFFFC000  }
0x10c: {  	_ =	swait.ge @!p0 [sflag:s1], $0x2400  }
0x10d: {  	[sflag:s1] =	ssyncset.done @!p0 $0x0  }
0x10e: {  	[sflag:s1] =	ssyncadd.s32 @!p0 $0xFFFFDC00  }
0x10f: {  	_ =	swait.ge @!p0 [sflag:s1], $0x4000  }
0x110: {  	[sflag:s1] =	ssyncset.done @!p0 $0x0  }
0x111: {  	[sflag:s1] =	ssyncadd.s32 @!p0 $0xFFFFC000  }
0x112: {  	_ =	swait.ge @!p0 [sflag:s1], $0x2400  }
0x113: {  	[sflag:s1] =	ssyncset.done @!p0 $0x0  }
0x114: {  	[sflag:s1] =	ssyncadd.s32 @!p0 $0xFFFFDC00  }
0x115: {  	s22 =	smul.u32 @!p0 $0x60, s8;
	_ =	swait.ge @!p0 [sflag:s1], $0x4000  }
0x116: {  	[sflag:s1] =	ssyncset.done @!p0 $0x0  }
0x117: {  	s22 =	sadd.s32 @!p0 s19, s22;
	[sflag:s1] =	ssyncadd.s32 @!p0 $0xFFFFC000  }
0x118: {  	s22 =	smul.u32 @!p0 $0xC80, s22;
	_ =	swait.ge @!p0 [sflag:s1], $0x2400  }
0x119: {  	s23 =	simm.s32 @!p0 $0x7000;
	[sflag:s1] =	ssyncset.done @!p0 $0x0  }
0x11a: {  	[sflag:s1] =	ssyncadd.s32 @!p0 $0xFFFFDC00;
	s1 =	sadd.s32 @!p0 s2, s22;
	s22 =	simm.s32 @!p0 $0x0  }
0x11b: {  	[hbm4b:s1+s22] =	stream.linear.scatter @!p0 [tilespmem:s23], [sflag:$0x5], $0x6400, $0x38;
	[tilespmem:$0x13800] =	vst v63  }
0x11c: {  	s1 =	sadd.s32 @!p0 $0x3, s31  }
0x11d: {  	p1 =	sgt.u32 @!p0 s1, s9  }
0x11e: {  	p0 =	por p0, p1  }
.Ltmp8:
0x11f: {  	_ = 	snop;
	(pc) =	sbr.rel @p0 .LBB2_14-.Ltmp8, $1  }
0x120: {  	_ =	sdelay $0x3  }
0x121: {  	_ =	swait.ge [sflag:s0], $0x6400  }
0x122: {  	[sflag:s0] =	ssyncset.done $0x0  }
0x123: {  	s22 =	simm.s32 $0x0;
	s23 =	simm.s32 $0x200;
	[sflag:s0] =	ssyncadd.s32 $0xFFFF9C00  }
.LBB2_12:
0x124: {  	p0 =	sne.s32 s23, $0x18E00;
	[tilespmem:s22+$0xC70] =	vst v0  }
0x125: {  	[tilespmem:s22+$0xC00] =	vst v0  }
0x126: {  	[tilespmem:s22+$0xC10] =	vst v0  }
.Ltmp9:
0x127: {  	[tilespmem:s22+$0xC20] =	vst v0;
	(pc) =	sbr.rel @p0 .LBB2_12-.Ltmp9, $4  }
0x128: {  	[tilespmem:s22+$0xC30] =	vst v0  }
0x129: {  	[tilespmem:s22+$0xC40] =	vst v0  }
0x12a: {  	[tilespmem:s22+$0xC50] =	vst v0  }
0x12b: {  	[tilespmem:s22+$0xC60] =	vst v0;
	s22 =	sshra.s32 s23, $0x2;
	s23 =	sadd.s32 $0x200, s23  }
0x12c: {  	[tilespmem:s22+$0xC70] =	vst v0  }
0x12d: {  	[tilespmem:s22+$0xC00] =	vst v0  }
0x12e: {  	[tilespmem:s22+$0xC10] =	vst v0;
	s1 =	sshll.u32 s1, $0x5  }
0x12f: {  	[tilespmem:s22+$0xC20] =	vst v0;
	s1 =	sor.u32 s4, s1  }
0x130: {  	[tilespmem:s22+$0xC30] =	vst v0;
	s1 =	smul.u32 $0xC8, s1  }
0x131: {  	[tilespmem:s22+$0xC40] =	vst v0  }
0x132: {  	[tilespmem:s22+$0xC50] =	vst v0;
	s1 =	sshrl.u32 s1, $0x3  }
0x133: {  	[tilespmem:s22+$0xC60] =	vst v0;
	s1 =	sadd.s32 s5, s1  }
0x134: {  	[tilespmem:s3], [sflag:$0x7] =	stream.linear.gather [hbm4b:s1+s3], $0xC8, $0x38;
	[tilespmem:$0x13800] =	vst v63  }
0x135: {  	_ =	swait.ge [sflag:s21], $0xC8  }
0x136: {  	[sflag:s21] =	ssyncset.done $0x0  }
0x137: {  	s23 =	simm.s32 $0xC8;
	s24 =	sadd.s32 $0x30D4, s1;
	[sflag:s21] =	ssyncadd.s32 $0xFFFFFF38  }
0x138: {  	[tilespmem:s23], [sflag:$0x7] =	stream.linear.gather [hbm4b:s24+s3], $0xC8, $0x38;
	[tilespmem:$0x13800] =	vst v63  }
0x139: {  	_ =	swait.ge [sflag:s21], $0xC8  }
0x13a: {  	[sflag:s21] =	ssyncset.done $0x0  }
0x13b: {  	s25 =	sadd.s32 $0x61A8, s1;
	s24 =	simm.s32 $0x190;
	[sflag:s21] =	ssyncadd.s32 $0xFFFFFF38  }
0x13c: {  	[tilespmem:s24], [sflag:$0x7] =	stream.linear.gather [hbm4b:s25+s3], $0xC8, $0x38;
	[tilespmem:$0x13800] =	vst v63  }
0x13d: {  	_ =	swait.ge [sflag:s21], $0xC8  }
0x13e: {  	[sflag:s21] =	ssyncset.done $0x0  }
0x13f: {  	s11 =	sadd.s32 $0x927C, s1;
	s25 =	simm.s32 $0x258;
	[sflag:s21] =	ssyncadd.s32 $0xFFFFFF38  }
0x140: {  	[tilespmem:s25], [sflag:$0x7] =	stream.linear.gather [hbm4b:s11+s3], $0xC8, $0x38;
	[tilespmem:$0x13800] =	vst v63  }
0x141: {  	_ =	swait.ge [sflag:s21], $0xC8  }
0x142: {  	[sflag:s21] =	ssyncset.done $0x0  }
0x143: {  	s22 =	simm.s32 $0x320;
	s1 =	sadd.s32 $0xC350, s1;
	[sflag:s21] =	ssyncadd.s32 $0xFFFFFF38  }
0x144: {  	[tilespmem:s22], [sflag:$0x7] =	stream.linear.gather [hbm4b:s1+s3], $0xC8, $0x38;
	[tilespmem:$0x13800] =	vst v63  }
0x145: {  	_ =	swait.ge [sflag:s21], $0xC8  }
0x146: {  	[sflag:s21] =	ssyncset.done $0x0  }
0x147: {  	[sflag:s21] =	ssyncadd.s32 $0xFFFFFF38  }
0x148: {  	[tilespmem:s28], [sflag:$0x1] =	stream.indirect.gather.add.f32 [hbm:s6], $0x80, s3, s26, $0xb8;
	[tilespmem:$0x13800] =	vst v63  }
0x149: {  	_ = 	snop  }
0x14a: {  	[tilespmem:s30], [sflag:$0x1] =	stream.indirect.gather.add.f32 [hbm:s6], $0x80, s26, s29, $0xb8;
	[tilespmem:$0x13800] =	vst v63  }
0x14b: {  	_ = 	snop  }
0x14c: {  	[tilespmem:s28], [sflag:$0x1] =	stream.indirect.gather.add.f32 [hbm:s6], $0x80, s23, s26, $0xb8;
	[tilespmem:$0x13800] =	vst v63  }
0x14d: {  	s11 =	simm.s32 $0x148  }
0x14e: {  	[tilespmem:s30], [sflag:$0x1] =	stream.indirect.gather.add.f32 [hbm:s6], $0x80, s11, s29, $0xb8;
	[tilespmem:$0x13800] =	vst v63  }
0x14f: {  	_ = 	snop  }
0x150: {  	[tilespmem:s28], [sflag:$0x1] =	stream.indirect.gather.add.f32 [hbm:s6], $0x80, s24, s26, $0xb8;
	[tilespmem:$0x13800] =	vst v63  }
0x151: {  	s23 =	simm.s32 $0x210  }
0x152: {  	[tilespmem:s30], [sflag:$0x1] =	stream.indirect.gather.add.f32 [hbm:s6], $0x80, s23, s29, $0xb8;
	[tilespmem:$0x13800] =	vst v63  }
0x153: {  	_ = 	snop  }
0x154: {  	[tilespmem:s28], [sflag:$0x1] =	stream.indirect.gather.add.f32 [hbm:s6], $0x80, s25, s26, $0xb8;
	[tilespmem:$0x13800] =	vst v63  }
0x155: {  	s24 =	simm.s32 $0x2D8  }
0x156: {  	[tilespmem:s30], [sflag:$0x1] =	stream.indirect.gather.add.f32 [hbm:s6], $0x80, s24, s29, $0xb8;
	[tilespmem:$0x13800] =	vst v63  }
0x157: {  	_ = 	snop  }
0x158: {  	[tilespmem:s28], [sflag:$0x1] =	stream.indirect.gather.add.f32 [hbm:s7], $0x80, s22, s26, $0xb8;
	[tilespmem:$0x13800] =	vst v63  }
0x159: {  	s25 =	simm.s32 $0x3A0  }
0x15a: {  	[tilespmem:s30], [sflag:$0x1] =	stream.indirect.gather.add.f32 [hbm:s7], $0x80, s25, s29, $0xb8;
	[tilespmem:$0x13800] =	vst v63  }
.LBB2_14:
0x15b: {  	s1 =	sadd.s32 $0x2, s31  }
0x15c: {  	p0 =	sgt.u32 s1, s9  }
0x15d: {  	s22 =	simm.s32 @!p0 $0x3  }
0x15e: {  	_ =	swait.ge @!p0 [sflag:s22], $0x4000  }
0x15f: {  	[sflag:s22] =	ssyncset.done @!p0 $0x0  }
0x160: {  	[sflag:s22] =	ssyncadd.s32 @!p0 $0xFFFFC000  }
0x161: {  	_ =	swait.ge @!p0 [sflag:s22], $0x2400  }
0x162: {  	[sflag:s22] =	ssyncset.done @!p0 $0x0  }
0x163: {  	[sflag:s22] =	ssyncadd.s32 @!p0 $0xFFFFDC00  }
0x164: {  	_ =	swait.ge @!p0 [sflag:s22], $0x4000  }
0x165: {  	[sflag:s22] =	ssyncset.done @!p0 $0x0  }
0x166: {  	[sflag:s22] =	ssyncadd.s32 @!p0 $0xFFFFC000  }
0x167: {  	_ =	swait.ge @!p0 [sflag:s22], $0x2400  }
0x168: {  	[sflag:s22] =	ssyncset.done @!p0 $0x0  }
0x169: {  	[sflag:s22] =	ssyncadd.s32 @!p0 $0xFFFFDC00  }
0x16a: {  	_ =	swait.ge @!p0 [sflag:s22], $0x4000  }
0x16b: {  	[sflag:s22] =	ssyncset.done @!p0 $0x0  }
0x16c: {  	[sflag:s22] =	ssyncadd.s32 @!p0 $0xFFFFC000  }
0x16d: {  	_ =	swait.ge @!p0 [sflag:s22], $0x2400  }
0x16e: {  	[sflag:s22] =	ssyncset.done @!p0 $0x0  }
0x16f: {  	[sflag:s22] =	ssyncadd.s32 @!p0 $0xFFFFDC00  }
0x170: {  	_ =	swait.ge @!p0 [sflag:s22], $0x4000  }
0x171: {  	[sflag:s22] =	ssyncset.done @!p0 $0x0  }
0x172: {  	[sflag:s22] =	ssyncadd.s32 @!p0 $0xFFFFC000  }
0x173: {  	_ =	swait.ge @!p0 [sflag:s22], $0x2400  }
0x174: {  	[sflag:s22] =	ssyncset.done @!p0 $0x0  }
0x175: {  	[sflag:s22] =	ssyncadd.s32 @!p0 $0xFFFFDC00  }
0x176: {  	_ =	swait.ge @!p0 [sflag:s22], $0x4000  }
0x177: {  	s1 =	sshll.u32 @!p0 s1, $0x5;
	[sflag:s22] =	ssyncset.done @!p0 $0x0  }
0x178: {  	s1 =	sor.u32 @!p0 s4, s1;
	[sflag:s22] =	ssyncadd.s32 @!p0 $0xFFFFC000  }
0x179: {  	s1 =	smul.u32 @!p0 $0xC80, s1;
	_ =	swait.ge @!p0 [sflag:s22], $0x2400  }
0x17a: {  	s23 =	simm.s32 @!p0 $0xD400;
	[sflag:s22] =	ssyncset.done @!p0 $0x0  }
0x17b: {  	s1 =	sadd.s32 @!p0 s2, s1;
	[sflag:s22] =	ssyncadd.s32 @!p0 $0xFFFFDC00;
	s22 =	simm.s32 @!p0 $0x0  }
0x17c: {  	[hbm4b:s1+s22] =	stream.linear.scatter @!p0 [tilespmem:s23], [sflag:$0x6], $0x6400, $0x38;
	[tilespmem:$0x13800] =	vst v63  }
0x17d: {  	s1 =	sadd.s32 @!p0 $0x4, s31  }
0x17e: {  	p1 =	sgt.u32 @!p0 s1, s9  }
0x17f: {  	p0 =	por p0, p1  }
.Ltmp10:
0x180: {  	_ = 	snop;
	(pc) =	sbr.rel @p0 .LBB2_18-.Ltmp10, $1  }
0x181: {  	_ =	sdelay $0x3  }
0x182: {  	_ =	swait.ge [sflag:s10], $0x6400  }
0x183: {  	[sflag:s10] =	ssyncset.done $0x0  }
0x184: {  	s22 =	simm.s32 $0x0;
	s23 =	simm.s32 $0x200;
	[sflag:s10] =	ssyncadd.s32 $0xFFFF9C00  }
.LBB2_16:
0x185: {  	p0 =	sne.s32 s23, $0x18E00;
	[tilespmem:s22+$0x7070] =	vst v0  }
0x186: {  	[tilespmem:s22+$0x7000] =	vst v0  }
0x187: {  	[tilespmem:s22+$0x7010] =	vst v0  }
.Ltmp11:
0x188: {  	[tilespmem:s22+$0x7020] =	vst v0;
	(pc) =	sbr.rel @p0 .LBB2_16-.Ltmp11, $4  }
0x189: {  	[tilespmem:s22+$0x7030] =	vst v0  }
0x18a: {  	[tilespmem:s22+$0x7040] =	vst v0  }
0x18b: {  	[tilespmem:s22+$0x7050] =	vst v0  }
0x18c: {  	[tilespmem:s22+$0x7060] =	vst v0;
	s22 =	sshra.s32 s23, $0x2;
	s23 =	sadd.s32 $0x200, s23  }
0x18d: {  	[tilespmem:s22+$0x7070] =	vst v0  }
0x18e: {  	[tilespmem:s22+$0x7000] =	vst v0  }
0x18f: {  	[tilespmem:s22+$0x7010] =	vst v0;
	s1 =	sshll.u32 s1, $0x5  }
0x190: {  	[tilespmem:s22+$0x7020] =	vst v0;
	s1 =	sor.u32 s4, s1  }
0x191: {  	[tilespmem:s22+$0x7030] =	vst v0;
	s1 =	smul.u32 $0xC8, s1  }
0x192: {  	[tilespmem:s22+$0x7040] =	vst v0  }
0x193: {  	[tilespmem:s22+$0x7050] =	vst v0;
	s1 =	sshrl.u32 s1, $0x3  }
0x194: {  	[tilespmem:s22+$0x7060] =	vst v0;
	s11 =	simm.s32 $0x400;
	s1 =	sadd.s32 s5, s1  }
0x195: {  	[tilespmem:s11], [sflag:$0x7] =	stream.linear.gather [hbm4b:s1+s3], $0xC8, $0x38;
	[tilespmem:$0x13800] =	vst v63  }
0x196: {  	_ =	swait.ge [sflag:s21], $0xC8  }
0x197: {  	[sflag:s21] =	ssyncset.done $0x0  }
0x198: {  	s24 =	sadd.s32 $0x30D4, s1;
	[sflag:s21] =	ssyncadd.s32 $0xFFFFFF38  }
0x199: {  	[tilespmem:s12], [sflag:$0x7] =	stream.linear.gather [hbm4b:s24+s3], $0xC8, $0x38;
	[tilespmem:$0x13800] =	vst v63  }
0x19a: {  	_ =	swait.ge [sflag:s21], $0xC8  }
0x19b: {  	[sflag:s21] =	ssyncset.done $0x0  }
0x19c: {  	s25 =	sadd.s32 $0x61A8, s1;
	[sflag:s21] =	ssyncadd.s32 $0xFFFFFF38  }
0x19d: {  	[tilespmem:s13], [sflag:$0x7] =	stream.linear.gather [hbm4b:s25+s3], $0xC8, $0x38;
	[tilespmem:$0x13800] =	vst v63  }
0x19e: {  	_ =	swait.ge [sflag:s21], $0xC8  }
0x19f: {  	[sflag:s21] =	ssyncset.done $0x0  }
0x1a0: {  	s31 =	sadd.s32 $0x927C, s1;
	[sflag:s21] =	ssyncadd.s32 $0xFFFFFF38  }
0x1a1: {  	[tilespmem:s14], [sflag:$0x7] =	stream.linear.gather [hbm4b:s31+s3], $0xC8, $0x38;
	[tilespmem:$0x13800] =	vst v63  }
0x1a2: {  	_ =	swait.ge [sflag:s21], $0xC8  }
0x1a3: {  	[sflag:s21] =	ssyncset.done $0x0  }
0x1a4: {  	s1 =	sadd.s32 $0xC350, s1;
	[sflag:s21] =	ssyncadd.s32 $0xFFFFFF38  }
0x1a5: {  	[tilespmem:s15], [sflag:$0x7] =	stream.linear.gather [hbm4b:s1+s3], $0xC8, $0x38;
	[tilespmem:$0x13800] =	vst v63  }
0x1a6: {  	_ =	swait.ge [sflag:s21], $0xC8  }
0x1a7: {  	[sflag:s21] =	ssyncset.done $0x0  }
0x1a8: {  	[sflag:s21] =	ssyncadd.s32 $0xFFFFFF38  }
0x1a9: {  	[tilespmem:s16], [sflag:$0x2] =	stream.indirect.gather.add.f32 [hbm:s6], $0x80, s11, s26, $0xb8;
	[tilespmem:$0x13800] =	vst v63  }
0x1aa: {  	s22 =	simm.s32 $0x480  }
0x1ab: {  	[tilespmem:s18], [sflag:$0x2] =	stream.indirect.gather.add.f32 [hbm:s6], $0x80, s22, s29, $0xb8;
	[tilespmem:$0x13800] =	vst v63  }
0x1ac: {  	_ = 	snop  }
0x1ad: {  	[tilespmem:s16], [sflag:$0x2] =	stream.indirect.gather.add.f32 [hbm:s6], $0x80, s12, s26, $0xb8;
	[tilespmem:$0x13800] =	vst v63  }
0x1ae: {  	s23 =	simm.s32 $0x548  }
0x1af: {  	[tilespmem:s18], [sflag:$0x2] =	stream.indirect.gather.add.f32 [hbm:s6], $0x80, s23, s29, $0xb8;
	[tilespmem:$0x13800] =	vst v63  }
0x1b0: {  	_ = 	snop  }
0x1b1: {  	[tilespmem:s16], [sflag:$0x2] =	stream.indirect.gather.add.f32 [hbm:s6], $0x80, s13, s26, $0xb8;
	[tilespmem:$0x13800] =	vst v63  }
0x1b2: {  	s24 =	simm.s32 $0x610  }
0x1b3: {  	[tilespmem:s18], [sflag:$0x2] =	stream.indirect.gather.add.f32 [hbm:s6], $0x80, s24, s29, $0xb8;
	[tilespmem:$0x13800] =	vst v63  }
0x1b4: {  	_ = 	snop  }
0x1b5: {  	[tilespmem:s16], [sflag:$0x2] =	stream.indirect.gather.add.f32 [hbm:s6], $0x80, s14, s26, $0xb8;
	[tilespmem:$0x13800] =	vst v63  }
0x1b6: {  	s25 =	simm.s32 $0x6D8  }
0x1b7: {  	[tilespmem:s18], [sflag:$0x2] =	stream.indirect.gather.add.f32 [hbm:s6], $0x80, s25, s29, $0xb8;
	[tilespmem:$0x13800] =	vst v63  }
.Ltmp12:
0x1b8: {  	_ = 	snop;
	(pc) =	sbr.rel .LBB2_18-.Ltmp12, $4  }
0x1b9: {  	_ = 	snop  }
0x1ba: {  	[tilespmem:s16], [sflag:$0x2] =	stream.indirect.gather.add.f32 [hbm:s7], $0x80, s15, s26, $0xb8;
	[tilespmem:$0x13800] =	vst v63  }
0x1bb: {  	s31 =	simm.s32 $0x7A0  }
0x1bc: {  	[tilespmem:s18], [sflag:$0x2] =	stream.indirect.gather.add.f32 [hbm:s7], $0x80, s31, s29, $0xb8;
	[tilespmem:$0x13800] =	vst v63  }
.LBB2_20:
0x1bd: {  	_ =	sfence.sel $0x180000  }
0x1be: {  	[bflag:$0x0] =	sbarrier.arrive $0xFFFF  }
0x1bf: {  	_ =	strace $0x90000047  }
0x1c0: {  	s0 =	stileid.u32;
	[bflag:$0x2] =	sbarrier.arrive $0xFFFF  }
0x1c1: {  	p0 =	sne.s32 s0, $0x0;
	s0 =	rddreg [dreg:$0x2]  }
0x1c2: {  	s0 =	sadd.s32 @!p0 $0x100000, s0  }
0x1c3: {  	[sflag:s0] =	ssyncadd.tile.s32 @!p0 $0x1;
	_ =	shalt  }
.Lfunc_end2:
_tile_overlayer_lowered:
.L_overlay_start_2:
0x1c4: {  	(tag) =	ssettag $0x2  }
0x1c5: {  	s0 =	rddreg [dreg:$0x0];
	s2 =	stileid.u32  }
0x1c6: {  	s1 =	rddreg [dreg:$0x1];
	p0 =	sne.s32 s2, $0x0  }
0x1c7: {  	s3 =	rddreg [dreg:$0x2];
	[bflag:$0x3] =	sbarrier.arrive $0xFFFF;
	s2 =	simm.s32 @!p0 $0x1C07  }
0x1c8: {  	[timem:s3], [sflag:s2] =	dma.local @!p0 [hbm:s0], s1  }
0x1c9: {  	s0 =	simm.s32 @!p0 $0x7  }
0x1ca: {  	_ =	swait.ge @!p0 [sflag:s0], s1  }
0x1cb: {  	s1 =	ssub.s32 @!p0 $0x0, s1;
	[sflag:s0] =	ssyncset.done @!p0 $0x0  }
0x1cc: {  	[sflag:s0] =	ssyncadd.s32 @!p0 s1  }
0x1cd: {  	[bflag:$0x3] =	sbarrier.arrive $0xFFFF  }
0x1ce: {  	_ =	shalt  }

</sc_bundles>
